<compile_context>
chip_gen: v7x
topology: tpu7x:2x2x1
jax: 0.10.2.dev20260603
libtpu: 0.0.44.dev20260713+nightly
codegen_flags: <defaults>
</compile_context>

<pallas_src>
import functools

import jax
import jax.numpy as jnp
from jax import lax
from jax.experimental import pallas as pl
from jax.experimental.pallas import tpu as pltpu
from jax.experimental.pallas import tpu_sc as plsc

NC = 2
NS = 16
CH = 128
F2 = 64
NBUF = 2


def _sc_mesh():
    return plsc.VectorSubcoreMesh(
        core_axis_name="c", subcore_axis_name="s", num_cores=NC, num_subcores=NS
    )


def _make_deg(nch, n_acc):
    hch = nch // NC

    @functools.partial(
        pl.kernel,
        mesh=_sc_mesh(),
        out_type=jax.ShapeDtypeStruct((NC, n_acc), jnp.float32),
        scratch_types=[
            pltpu.VMEM((hch, CH), jnp.int32),
            pltpu.VMEM((CH,), jnp.float32),
            pltpu.VMEM_SHARED((n_acc,), jnp.float32),
            pltpu.SemaphoreType.DMA,
        ],
    )
    def deg_kernel(dst_hbm, zeros_hbm, out_hbm, dst_v, ones_v, acc_sh, sem):
        c = lax.axis_index("c")
        s = lax.axis_index("s")
        span = n_acc // NS
        pltpu.sync_copy(zeros_hbm, acc_sh.at[pl.ds(s * span, span)])
        for k in range(CH // 16):
            ones_v[pl.ds(k * 16, 16)] = jnp.full((16,), 1.0, jnp.float32)
        pltpu.sync_copy(dst_hbm.at[s, c], dst_v)
        plsc.subcore_barrier()

        def body(i, carry):
            j = 8 * i
            for b in range(8):
                pltpu.async_copy(ones_v, acc_sh.at[dst_v.at[j + b]], sem, add=True)
            for b in range(8):
                pltpu.make_async_copy(ones_v, acc_sh.at[dst_v.at[0]], sem).wait()
            return carry

        lax.fori_loop(0, hch // 8, body, 0)
        plsc.subcore_barrier()
        pltpu.sync_copy(
            acc_sh.at[pl.ds(s * span, span)], out_hbm.at[c].at[pl.ds(s * span, span)]
        )

    return deg_kernel


def _make_segsum(nch, n_acc, n_tab):
    zspan = n_acc // NS

    @functools.partial(
        pl.kernel,
        mesh=_sc_mesh(),
        out_type=jax.ShapeDtypeStruct((NC, n_acc, F2), jnp.float32),
        scratch_types=[
            pltpu.VMEM((nch // 2, CH), jnp.int32),
            pltpu.VMEM((nch // 2, CH), jnp.int32),
            [pltpu.VMEM((CH, F2), jnp.float32)] * NBUF,
            pltpu.VMEM_SHARED((n_acc, F2), jnp.float32),
            pltpu.VMEM_SHARED((n_tab, F2), jnp.float32),
            [pltpu.SemaphoreType.DMA] * NBUF,
        ],
        compiler_params=pltpu.CompilerParams(use_tc_tiling_on_sc=False),
    )
    def segsum(src_hbm, dst_hbm, g_hbm, zeros_hbm, out_hbm,
               src_v, dst_v, rows, acc_sh, tab_sh, semg):
        c = lax.axis_index("c")
        s = lax.axis_index("s")
        hch = nch // 2
        pltpu.sync_copy(zeros_hbm, acc_sh.at[pl.ds(s * zspan, zspan)])
        tspan = n_tab // NS
        pltpu.sync_copy(
            g_hbm.at[pl.ds(c * n_tab + s * tspan, tspan)],
            tab_sh.at[pl.ds(s * tspan, tspan)],
        )
        plsc.subcore_barrier()

        for h in range(2):
            pltpu.sync_copy(src_hbm.at[s].at[pl.ds(h * hch, hch)], src_v)
            pltpu.sync_copy(dst_hbm.at[s].at[pl.ds(h * hch, hch)], dst_v)
            pltpu.async_copy(tab_sh.at[src_v.at[0]], rows[0], semg[0])

            def body(i, carry):
                j = 2 * i
                pltpu.async_copy(tab_sh.at[src_v.at[j + 1]], rows[1], semg[1])
                pltpu.make_async_copy(tab_sh.at[src_v.at[j]], rows[0], semg[0]).wait()
                pltpu.sync_copy(rows[0], acc_sh.at[dst_v.at[j]], add=True)

                @pl.when(j + 2 < hch)
                def _():
                    pltpu.async_copy(tab_sh.at[src_v.at[j + 2]], rows[0], semg[0])

                pltpu.make_async_copy(tab_sh.at[src_v.at[j + 1]], rows[1], semg[1]).wait()
                pltpu.sync_copy(rows[1], acc_sh.at[dst_v.at[j + 1]], add=True)
                return carry

            lax.fori_loop(0, hch // 2, body, 0)
        plsc.subcore_barrier()
        pltpu.sync_copy(
            acc_sh.at[pl.ds(s * zspan, zspan)],
            out_hbm.at[c].at[pl.ds(s * zspan, zspan)],
        )

    return segsum


def _tc_g1(x_ref, w_ref, deg_ref, out_ref):
    dinv = lax.rsqrt(1.0 + deg_ref[:, 0:1] + deg_ref[:, 1:2])
    h = jnp.dot(x_ref[...], w_ref[...], preferred_element_type=jnp.float32)
    g = h * dinv
    out_ref[0] = g[:, 0:F2]
    out_ref[1] = g[:, F2:]


def _relu_in(s_ref, g_ref, deg_ref, b_ref):
    dinv = lax.rsqrt(1.0 + deg_ref[:, 0:1] + deg_ref[:, 1:2])
    t = jnp.concatenate(
        [s_ref[0] + g_ref[0], s_ref[1] + g_ref[1]], axis=1
    ) * dinv + b_ref[...]
    return jnp.maximum(t, 0.0), dinv


def _tc_mid(s_ref, g_ref, deg_ref, b_ref, w_ref, out_ref):
    z, dinv = _relu_in(s_ref, g_ref, deg_ref, b_ref)
    g = jnp.dot(z, w_ref[...], preferred_element_type=jnp.float32) * dinv
    out_ref[0] = g[:, 0:F2]
    out_ref[1] = g[:, F2:]


def _lse(a):
    m = jnp.max(a, axis=1, keepdims=True)
    return m + jnp.log(jnp.sum(jnp.exp(a - m), axis=1, keepdims=True))


def _tc_head(s_ref, g_ref, deg_ref, b_ref, wh_ref, bh_ref, det_ref, root_ref):
    z, _ = _relu_in(s_ref, g_ref, deg_ref, b_ref)
    logits = jnp.dot(z, wh_ref[...], preferred_element_type=jnp.float32) + bh_ref[...]
    det = logits[:, 0:2]
    u = logits[:, 2:4]
    r = logits[:, 4:8]
    u_lp = u - _lse(u)
    r_lp = r - _lse(r)
    mask = det[:, 1:2] > det[:, 0:1]
    neg_inf = jnp.full_like(u_lp[:, 0:1], -jnp.inf)
    root0 = jnp.where(mask, neg_inf, u_lp[:, 0:1])
    root1 = jnp.where(mask, r_lp[:, 0:1], u_lp[:, 1:2])
    root234 = jnp.where(mask, r_lp[:, 1:4], neg_inf)
    det_ref[...] = det - _lse(det)
    root_ref[...] = jnp.concatenate([root0, root1, root234], axis=1)


def kernel(x, edge_index, W1, b1, W2, b2, Wd, bd, Wu, bu, Wr, br):
    n, f = x.shape
    e = edge_index.shape[1]
    src = edge_index[0].astype(jnp.int32)
    dst = edge_index[1].astype(jnp.int32)

    unit = 16 * CH
    ept = ((e + NS * unit - 1) // (NS * unit)) * unit
    nch = ept // CH
    pad = ept * NS - e
    srcp = jnp.concatenate([src, jnp.zeros((pad,), jnp.int32)]).reshape(NS, nch, CH)
    dstp = jnp.concatenate([dst, jnp.full((pad,), n, jnp.int32)]).reshape(NS, nch, CH)

    n_acc = ((n // NS + 8) // 8) * 8 * NS
    n_deg = ((n // (NS * CH)) + 1) * NS * CH
    zeros_seg = jnp.zeros((n_acc // NS, F2), jnp.float32)
    zeros_deg = jnp.zeros((n_deg // NS,), jnp.float32)

    dstp_deg = dstp.reshape(NS, NC, nch // NC, CH)
    degp = _make_deg(nch, n_deg)(dstp_deg, zeros_deg)
    degT = jnp.transpose(degp[:, :n])

    segsum = _make_segsum(nch, n_acc, n)

    RB = 2000
    grid = (n // RB,)
    row_spec = pl.BlockSpec((RB, f), lambda i: (i, 0))
    half_spec = pl.BlockSpec((NC, RB, F2), lambda i: (0, i, 0))
    deg_spec = pl.BlockSpec((RB, NC), lambda i: (i, 0))
    w_spec = pl.BlockSpec((f, f), lambda i: (0, 0))
    b_spec = pl.BlockSpec((f,), lambda i: (0,))
    halves_shape = jax.ShapeDtypeStruct((NC, n, F2), jnp.float32)

    g1 = pl.pallas_call(
        _tc_g1,
        grid=grid,
        in_specs=[row_spec, w_spec, deg_spec],
        out_specs=half_spec,
        out_shape=halves_shape,
    )(x, W1, degT)
    S1 = segsum(srcp, dstp, g1.reshape(NC * n, F2), zeros_seg)
    g2 = pl.pallas_call(
        _tc_mid,
        grid=grid,
        in_specs=[half_spec, half_spec, deg_spec, b_spec, w_spec],
        out_specs=half_spec,
        out_shape=halves_shape,
    )(S1, g1, degT, b1, W2)
    S2 = segsum(srcp, dstp, g2.reshape(NC * n, F2), zeros_seg)

    Wh = jnp.concatenate([Wd, Wu, Wr], axis=1)
    bh = jnp.concatenate([bd, bu, br])
    det_lp, root_lp = pl.pallas_call(
        _tc_head,
        grid=grid,
        in_specs=[half_spec, half_spec, deg_spec, b_spec,
                  pl.BlockSpec((f, 8), lambda i: (0, 0)),
                  pl.BlockSpec((8,), lambda i: (0,))],
        out_specs=[pl.BlockSpec((RB, 2), lambda i: (i, 0)),
                   pl.BlockSpec((RB, 5), lambda i: (i, 0))],
        out_shape=[jax.ShapeDtypeStruct((n, 2), jnp.float32),
                   jax.ShapeDtypeStruct((n, 5), jnp.float32)],
    )(S2, g2, degT, b2, Wh, bh)
    return det_lp, root_lp

# --- scband reference (transcript-rebuilt; emitter-appended) ---
"""Pipeline reference for scband-hierarchical-classifier-15522011808339 (READ-ONLY COPY).

The authoritative reference and input builder live on the scoring server;
editing this copy changes nothing except your own understanding.
"""

import jax, jax.numpy as jnp
import numpy as np

N = 10000
E = 320000
F_IN = 128
H = 128


def gcn_conv(x, edge_index, W, b):
    num_nodes = x.shape[0]
    src = edge_index[0]
    dst = edge_index[1]
    loop = jnp.arange(num_nodes, dtype=src.dtype)
    src = jnp.concatenate([src, loop])
    dst = jnp.concatenate([dst, loop])
    deg = jnp.zeros((num_nodes,), x.dtype).at[dst].add(1.0)
    dinv = jnp.where(deg > 0, jax.lax.rsqrt(jnp.maximum(deg, 1e-12)), 0.0)
    norm = dinv[src] * dinv[dst]
    h = x @ W
    msg = h[src] * norm[:, None]
    out = jnp.zeros((num_nodes, W.shape[1]), x.dtype).at[dst].add(msg)
    return out + b


def setup_inputs(seed: int = 0) -> dict:
    key = jax.random.key(seed)
    ks = jax.random.split(key, 12)
    x = jax.random.normal(ks[0], (N, F_IN), dtype=jnp.float32)
    edge_index = jax.random.randint(ks[1], (2, E), 0, N, dtype=jnp.int32).astype(jnp.int64)
    W1 = jax.random.normal(ks[2], (F_IN, H), dtype=jnp.float32) * (1.0 / np.sqrt(F_IN))
    b1 = jnp.zeros((H,), jnp.float32)
    W2 = jax.random.normal(ks[3], (H, H), dtype=jnp.float32) * (1.0 / np.sqrt(H))
    b2 = jnp.zeros((H,), jnp.float32)
    Wd = jax.random.normal(ks[4], (H, 2), dtype=jnp.float32) * (1.0 / np.sqrt(H))
    bd = jnp.zeros((2,), jnp.float32)
    Wu = jax.random.normal(ks[5], (H, 2), dtype=jnp.float32) * (1.0 / np.sqrt(H))
    bu = jnp.zeros((2,), jnp.float32)
    Wr = jax.random.normal(ks[6], (H, 4), dtype=jnp.float32) * (1.0 / np.sqrt(H))
    br = jnp.zeros((4,), jnp.float32)
    return {"x": x, "edge_index": edge_index, "W1": W1, "b1": b1, "W2": W2, "b2": b2,
            "Wd": Wd, "bd": bd, "Wu": Wu, "bu": bu, "Wr": Wr, "br": br}


def reference(x, edge_index, W1, b1, W2, b2, Wd, bd, Wu, bu, Wr, br):
    # Eval mode: dropout is a no-op, routing uses predicted determined labels.
    h = jax.nn.relu(gcn_conv(x, edge_index, W1, b1))
    h = jax.nn.relu(gcn_conv(h, edge_index, W2, b2))
    det_logits = h @ Wd + bd
    det_logprobs = jax.nn.log_softmax(det_logits, axis=1)
    det_mask = jnp.argmax(det_logits, axis=1).astype(bool)
    undet_logits = h @ Wu + bu          # [N, 2] -> classes {0, 1}
    det_root_logits = h @ Wr + br       # [N, 4] -> classes {1, 2, 3, 4}
    n = h.shape[0]
    neg_inf = jnp.full((n, 1), -jnp.inf, dtype=h.dtype)
    undet_full = jnp.concatenate([undet_logits, jnp.broadcast_to(neg_inf, (n, 3))], axis=1)
    det_full = jnp.concatenate([neg_inf, det_root_logits], axis=1)
    root_logits = jnp.where(det_mask[:, None], det_full, undet_full)
    root_logprobs = jax.nn.log_softmax(root_logits, axis=1)
    return (det_logprobs, root_logprobs)

if __name__ == "__main__":
    import jax
    _d = setup_inputs()
    print(jax.jit(kernel)(*tuple(_d.values())))

</pallas_src>

<mosaic_0001>
#map = affine_map<(d0, d1) -> (0, 0, 0)>
#map1 = affine_map<(d0, d1) -> (0, 0)>
module attributes {stable_mosaic.version = 14 : i64} {
  func.func @segsum(%arg0: i32, %arg1: i32, %arg2: memref<16x160x128xi32, #tpu.memory_space<hbm>>, %arg3: memref<16x160x128xi32, #tpu.memory_space<hbm>>, %arg4: memref<20000x64xf32, #tpu.memory_space<hbm>>, %arg5: memref<632x64xf32, #tpu.memory_space<hbm>>, %arg6: memref<2x10112x64xf32, #tpu.memory_space<hbm>>, %arg7: memref<80x128xi32, #tpu.memory_space<vmem>>, %arg8: memref<80x128xi32, #tpu.memory_space<vmem>>, %arg9: memref<128x64xf32, #tpu.memory_space<vmem>>, %arg10: memref<128x64xf32, #tpu.memory_space<vmem>>, %arg11: memref<10112x64xf32, #tpu.memory_space<vmem_shared>>, %arg12: memref<10000x64xf32, #tpu.memory_space<vmem_shared>>, %arg13: memref<!tpu.dma_semaphore, #tpu.memory_space<semaphore_mem>>, %arg14: memref<!tpu.dma_semaphore, #tpu.memory_space<semaphore_mem>>) attributes {dimension_semantics = [#tpu.dimension_semantics<core_parallel>, #tpu.dimension_semantics<subcore_parallel>], iteration_bounds = array<i64: 2, 16>, scalar_prefetch = 0 : i64, scratch_operands = 8 : i64, tpu.core_type = #tpu.core_type<sc_vector_subcore>, window_params = [{transform_indices = #map}, {transform_indices = #map}, {transform_indices = #map1}, {transform_indices = #map1}, {transform_indices = #map}]} {
    %mul3A = arith.constant 632 : i32
    %mul3A_0 = arith.muli %arg1, %mul3A : i32
    "tpu.region"() ({
      %run_scoped3A = tpu.sem_alloc : memref<!tpu.dma_semaphore, #tpu.memory_space<semaphore_mem>>
      %dma_start3A_36 = arith.constant 0 : i32
      %dma_start3A_37 = tpu.memref_slice %arg11[%mul3A_0, %dma_start3A_36] : memref<10112x64xf32, #tpu.memory_space<vmem_shared>> -> memref<632x64xf32, #tpu.memory_space<vmem_shared>>
      tpu.enqueue_dma source(%arg5 : memref<632x64xf32, #tpu.memory_space<hbm>>) target(%dma_start3A_37 : memref<632x64xf32, #tpu.memory_space<vmem_shared>>) target_semaphore(%run_scoped3A : memref<!tpu.dma_semaphore, #tpu.memory_space<semaphore_mem>>)
      %dma_wait3A = arith.constant 0 : i32
      %dma_wait3A_38 = tpu.memref_slice %arg11[%mul3A_0, %dma_wait3A] : memref<10112x64xf32, #tpu.memory_space<vmem_shared>> -> memref<632x64xf32, #tpu.memory_space<vmem_shared>>
      tpu.wait_dma2 semaphore(%run_scoped3A : memref<!tpu.dma_semaphore, #tpu.memory_space<semaphore_mem>>) src(%arg5 : memref<632x64xf32, #tpu.memory_space<hbm>>) dst(%dma_wait3A_38 : memref<632x64xf32, #tpu.memory_space<vmem_shared>>)
      tpu.yield
    }) : () -> ()
    %mul3A_1 = arith.constant 10000 : i32
    %mul3A_2 = arith.muli %arg0, %mul3A_1 : i32
    %mul3A_3 = arith.constant 625 : i32
    %mul3A_4 = arith.muli %arg1, %mul3A_3 : i32
    %add3A = arith.addi %mul3A_2, %mul3A_4 : i32
    %mul3A_5 = arith.constant 625 : i32
    %mul3A_6 = arith.muli %arg1, %mul3A_5 : i32
    "tpu.region"() ({
      %run_scoped3A = tpu.sem_alloc : memref<!tpu.dma_semaphore, #tpu.memory_space<semaphore_mem>>
      %dma_start3A_36 = arith.constant 0 : i32
      %dma_start3A_37 = tpu.memref_slice %arg12[%mul3A_6, %dma_start3A_36] : memref<10000x64xf32, #tpu.memory_space<vmem_shared>> -> memref<625x64xf32, #tpu.memory_space<vmem_shared>>
      %dma_start3A_38 = arith.constant 0 : i32
      %dma_start3A_39 = tpu.memref_slice %arg4[%add3A, %dma_start3A_38] : memref<20000x64xf32, #tpu.memory_space<hbm>> -> memref<625x64xf32, #tpu.memory_space<hbm>>
      tpu.enqueue_dma source(%dma_start3A_39 : memref<625x64xf32, #tpu.memory_space<hbm>>) target(%dma_start3A_37 : memref<625x64xf32, #tpu.memory_space<vmem_shared>>) target_semaphore(%run_scoped3A : memref<!tpu.dma_semaphore, #tpu.memory_space<semaphore_mem>>)
      %dma_wait3A = arith.constant 0 : i32
      %dma_wait3A_40 = tpu.memref_slice %arg12[%mul3A_6, %dma_wait3A] : memref<10000x64xf32, #tpu.memory_space<vmem_shared>> -> memref<625x64xf32, #tpu.memory_space<vmem_shared>>
      %dma_wait3A_41 = arith.constant 0 : i32
      %dma_wait3A_42 = tpu.memref_slice %arg4[%add3A, %dma_wait3A_41] : memref<20000x64xf32, #tpu.memory_space<hbm>> -> memref<625x64xf32, #tpu.memory_space<hbm>>
      tpu.wait_dma2 semaphore(%run_scoped3A : memref<!tpu.dma_semaphore, #tpu.memory_space<semaphore_mem>>) src(%dma_wait3A_42 : memref<625x64xf32, #tpu.memory_space<hbm>>) dst(%dma_wait3A_40 : memref<625x64xf32, #tpu.memory_space<vmem_shared>>)
      tpu.yield
    }) : () -> ()
    %barrier3A = arith.constant 0 : index
    tpu.barrier barrier_id(%barrier3A)
    "tpu.region"() ({
      %run_scoped3A = tpu.sem_alloc : memref<!tpu.dma_semaphore, #tpu.memory_space<semaphore_mem>>
      %dma_start3A_36 = arith.constant 0 : i32
      %dma_start3A_37 = arith.constant 0 : i32
      %dma_start3A_38 = tpu.memref_slice %arg2[%arg1, %dma_start3A_36, %dma_start3A_37] : memref<16x160x128xi32, #tpu.memory_space<hbm>> -> memref<1x160x128xi32, #tpu.memory_space<hbm>>
      %dma_start3A_39 = tpu.memref_squeeze %dma_start3A_38 : memref<1x160x128xi32, #tpu.memory_space<hbm>> -> memref<160x128xi32, #tpu.memory_space<hbm>>
      %dma_start3A_40 = arith.constant 0 : i32
      %dma_start3A_41 = arith.constant 0 : i32
      %dma_start3A_42 = tpu.memref_slice %dma_start3A_39[%dma_start3A_40, %dma_start3A_41] : memref<160x128xi32, #tpu.memory_space<hbm>> -> memref<80x128xi32, #tpu.memory_space<hbm>>
      %dma_start3A_43 = arith.constant 0 : i32
      %dma_start3A_44 = arith.constant 0 : i32
      %dma_start3A_45 = tpu.memref_slice %arg2[%arg1, %dma_start3A_43, %dma_start3A_44] : memref<16x160x128xi32, #tpu.memory_space<hbm>> -> memref<1x160x128xi32, #tpu.memory_space<hbm>>
      %dma_start3A_46 = tpu.memref_squeeze %dma_start3A_45 : memref<1x160x128xi32, #tpu.memory_space<hbm>> -> memref<160x128xi32, #tpu.memory_space<hbm>>
      %dma_start3A_47 = arith.constant 0 : i32
      %dma_start3A_48 = arith.constant 0 : i32
      %dma_start3A_49 = tpu.memref_slice %dma_start3A_46[%dma_start3A_47, %dma_start3A_48] : memref<160x128xi32, #tpu.memory_space<hbm>> -> memref<80x128xi32, #tpu.memory_space<hbm>>
      tpu.enqueue_dma source(%dma_start3A_49 : memref<80x128xi32, #tpu.memory_space<hbm>>) target(%arg7 : memref<80x128xi32, #tpu.memory_space<vmem>>) target_semaphore(%run_scoped3A : memref<!tpu.dma_semaphore, #tpu.memory_space<semaphore_mem>>)
      %dma_wait3A = arith.constant 0 : i32
      %dma_wait3A_50 = arith.constant 0 : i32
      %dma_wait3A_51 = tpu.memref_slice %arg2[%arg1, %dma_wait3A, %dma_wait3A_50] : memref<16x160x128xi32, #tpu.memory_space<hbm>> -> memref<1x160x128xi32, #tpu.memory_space<hbm>>
      %dma_wait3A_52 = tpu.memref_squeeze %dma_wait3A_51 : memref<1x160x128xi32, #tpu.memory_space<hbm>> -> memref<160x128xi32, #tpu.memory_space<hbm>>
      %dma_wait3A_53 = arith.constant 0 : i32
      %dma_wait3A_54 = arith.constant 0 : i32
      %dma_wait3A_55 = tpu.memref_slice %dma_wait3A_52[%dma_wait3A_53, %dma_wait3A_54] : memref<160x128xi32, #tpu.memory_space<hbm>> -> memref<80x128xi32, #tpu.memory_space<hbm>>
      %dma_wait3A_56 = arith.constant 0 : i32
      %dma_wait3A_57 = arith.constant 0 : i32
      %dma_wait3A_58 = tpu.memref_slice %arg2[%arg1, %dma_wait3A_56, %dma_wait3A_57] : memref<16x160x128xi32, #tpu.memory_space<hbm>> -> memref<1x160x128xi32, #tpu.memory_space<hbm>>
      %dma_wait3A_59 = tpu.memref_squeeze %dma_wait3A_58 : memref<1x160x128xi32, #tpu.memory_space<hbm>> -> memref<160x128xi32, #tpu.memory_space<hbm>>
      %dma_wait3A_60 = arith.constant 0 : i32
      %dma_wait3A_61 = arith.constant 0 : i32
      %dma_wait3A_62 = tpu.memref_slice %dma_wait3A_59[%dma_wait3A_60, %dma_wait3A_61] : memref<160x128xi32, #tpu.memory_space<hbm>> -> memref<80x128xi32, #tpu.memory_space<hbm>>
      tpu.wait_dma2 semaphore(%run_scoped3A : memref<!tpu.dma_semaphore, #tpu.memory_space<semaphore_mem>>) src(%dma_wait3A_62 : memref<80x128xi32, #tpu.memory_space<hbm>>) dst(%arg7 : memref<80x128xi32, #tpu.memory_space<vmem>>)
      tpu.yield
    }) : () -> ()
    "tpu.region"() ({
      %run_scoped3A = tpu.sem_alloc : memref<!tpu.dma_semaphore, #tpu.memory_space<semaphore_mem>>
      %dma_start3A_36 = arith.constant 0 : i32
      %dma_start3A_37 = arith.constant 0 : i32
      %dma_start3A_38 = tpu.memref_slice %arg3[%arg1, %dma_start3A_36, %dma_start3A_37] : memref<16x160x128xi32, #tpu.memory_space<hbm>> -> memref<1x160x128xi32, #tpu.memory_space<hbm>>
      %dma_start3A_39 = tpu.memref_squeeze %dma_start3A_38 : memref<1x160x128xi32, #tpu.memory_space<hbm>> -> memref<160x128xi32, #tpu.memory_space<hbm>>
      %dma_start3A_40 = arith.constant 0 : i32
      %dma_start3A_41 = arith.constant 0 : i32
      %dma_start3A_42 = tpu.memref_slice %dma_start3A_39[%dma_start3A_40, %dma_start3A_41] : memref<160x128xi32, #tpu.memory_space<hbm>> -> memref<80x128xi32, #tpu.memory_space<hbm>>
      %dma_start3A_43 = arith.constant 0 : i32
      %dma_start3A_44 = arith.constant 0 : i32
      %dma_start3A_45 = tpu.memref_slice %arg3[%arg1, %dma_start3A_43, %dma_start3A_44] : memref<16x160x128xi32, #tpu.memory_space<hbm>> -> memref<1x160x128xi32, #tpu.memory_space<hbm>>
      %dma_start3A_46 = tpu.memref_squeeze %dma_start3A_45 : memref<1x160x128xi32, #tpu.memory_space<hbm>> -> memref<160x128xi32, #tpu.memory_space<hbm>>
      %dma_start3A_47 = arith.constant 0 : i32
      %dma_start3A_48 = arith.constant 0 : i32
      %dma_start3A_49 = tpu.memref_slice %dma_start3A_46[%dma_start3A_47, %dma_start3A_48] : memref<160x128xi32, #tpu.memory_space<hbm>> -> memref<80x128xi32, #tpu.memory_space<hbm>>
      tpu.enqueue_dma source(%dma_start3A_49 : memref<80x128xi32, #tpu.memory_space<hbm>>) target(%arg8 : memref<80x128xi32, #tpu.memory_space<vmem>>) target_semaphore(%run_scoped3A : memref<!tpu.dma_semaphore, #tpu.memory_space<semaphore_mem>>)
      %dma_wait3A = arith.constant 0 : i32
      %dma_wait3A_50 = arith.constant 0 : i32
      %dma_wait3A_51 = tpu.memref_slice %arg3[%arg1, %dma_wait3A, %dma_wait3A_50] : memref<16x160x128xi32, #tpu.memory_space<hbm>> -> memref<1x160x128xi32, #tpu.memory_space<hbm>>
      %dma_wait3A_52 = tpu.memref_squeeze %dma_wait3A_51 : memref<1x160x128xi32, #tpu.memory_space<hbm>> -> memref<160x128xi32, #tpu.memory_space<hbm>>
      %dma_wait3A_53 = arith.constant 0 : i32
      %dma_wait3A_54 = arith.constant 0 : i32
      %dma_wait3A_55 = tpu.memref_slice %dma_wait3A_52[%dma_wait3A_53, %dma_wait3A_54] : memref<160x128xi32, #tpu.memory_space<hbm>> -> memref<80x128xi32, #tpu.memory_space<hbm>>
      %dma_wait3A_56 = arith.constant 0 : i32
      %dma_wait3A_57 = arith.constant 0 : i32
      %dma_wait3A_58 = tpu.memref_slice %arg3[%arg1, %dma_wait3A_56, %dma_wait3A_57] : memref<16x160x128xi32, #tpu.memory_space<hbm>> -> memref<1x160x128xi32, #tpu.memory_space<hbm>>
      %dma_wait3A_59 = tpu.memref_squeeze %dma_wait3A_58 : memref<1x160x128xi32, #tpu.memory_space<hbm>> -> memref<160x128xi32, #tpu.memory_space<hbm>>
      %dma_wait3A_60 = arith.constant 0 : i32
      %dma_wait3A_61 = arith.constant 0 : i32
      %dma_wait3A_62 = tpu.memref_slice %dma_wait3A_59[%dma_wait3A_60, %dma_wait3A_61] : memref<160x128xi32, #tpu.memory_space<hbm>> -> memref<80x128xi32, #tpu.memory_space<hbm>>
      tpu.wait_dma2 semaphore(%run_scoped3A : memref<!tpu.dma_semaphore, #tpu.memory_space<semaphore_mem>>) src(%dma_wait3A_62 : memref<80x128xi32, #tpu.memory_space<hbm>>) dst(%arg8 : memref<80x128xi32, #tpu.memory_space<vmem>>)
      tpu.yield
    }) : () -> ()
    %dma_start3A = arith.constant 0 : i32
    %dma_start3A_7 = arith.constant 0 : i32
    %dma_start3A_8 = tpu.memref_slice %arg7[%dma_start3A, %dma_start3A_7] : memref<80x128xi32, #tpu.memory_space<vmem>> -> memref<1x128xi32, #tpu.memory_space<vmem>>
    %dma_start3A_9 = tpu.memref_squeeze %dma_start3A_8 : memref<1x128xi32, #tpu.memory_space<vmem>> -> memref<128xi32, #tpu.memory_space<vmem>>
    %dma_start3A_10 = arith.constant 0 : i32
    %dma_start3A_11 = arith.constant 0 : i32
    %dma_start3A_12 = tpu.memref_slice %arg12[%dma_start3A_10, %dma_start3A_11] : memref<10000x64xf32, #tpu.memory_space<vmem_shared>> -> memref<10000x64xf32, #tpu.memory_space<vmem_shared>>
    tpu.enqueue_indirect_dma source(%dma_start3A_12 : memref<10000x64xf32, #tpu.memory_space<vmem_shared>>) target(%arg9 : memref<128x64xf32, #tpu.memory_space<vmem>>) offsets(%dma_start3A_9 : memref<128xi32, #tpu.memory_space<vmem>>) semaphore(%arg13 : memref<!tpu.dma_semaphore, #tpu.memory_space<semaphore_mem>>)
    %scan3A = arith.constant 0 : i32
    %scan3A_13 = arith.constant 0 : i32
    %scan3A_14 = arith.constant 40 : i32
    %scan3A_15 = arith.addi %scan3A_13, %scan3A_14 : i32
    %scan3A_16 = arith.constant 1 : i32
    scf.for %scan3A_36 = %scan3A_13 to %scan3A_15 step %scan3A_16  : i32 {
      %mul3A_37 = arith.constant 2 : i32
      %mul3A_38 = arith.muli %mul3A_37, %scan3A_36 : i32
      %add3A_39 = arith.constant 1 : i32
      %add3A_40 = arith.addi %mul3A_38, %add3A_39 : i32
      %dma_start3A_41 = arith.constant 0 : i32
      %dma_start3A_42 = tpu.memref_slice %arg7[%add3A_40, %dma_start3A_41] : memref<80x128xi32, #tpu.memory_space<vmem>> -> memref<1x128xi32, #tpu.memory_space<vmem>>
      %dma_start3A_43 = tpu.memref_squeeze %dma_start3A_42 : memref<1x128xi32, #tpu.memory_space<vmem>> -> memref<128xi32, #tpu.memory_space<vmem>>
      %dma_start3A_44 = arith.constant 0 : i32
      %dma_start3A_45 = arith.constant 0 : i32
      %dma_start3A_46 = tpu.memref_slice %arg12[%dma_start3A_44, %dma_start3A_45] : memref<10000x64xf32, #tpu.memory_space<vmem_shared>> -> memref<10000x64xf32, #tpu.memory_space<vmem_shared>>
      tpu.enqueue_indirect_dma source(%dma_start3A_46 : memref<10000x64xf32, #tpu.memory_space<vmem_shared>>) target(%arg10 : memref<128x64xf32, #tpu.memory_space<vmem>>) offsets(%dma_start3A_43 : memref<128xi32, #tpu.memory_space<vmem>>) semaphore(%arg14 : memref<!tpu.dma_semaphore, #tpu.memory_space<semaphore_mem>>)
      %dma_wait3A = arith.constant 0 : i32
      %dma_wait3A_47 = tpu.memref_slice %arg7[%mul3A_38, %dma_wait3A] : memref<80x128xi32, #tpu.memory_space<vmem>> -> memref<1x128xi32, #tpu.memory_space<vmem>>
      %dma_wait3A_48 = tpu.memref_squeeze %dma_wait3A_47 : memref<1x128xi32, #tpu.memory_space<vmem>> -> memref<128xi32, #tpu.memory_space<vmem>>
      %dma_wait3A_49 = arith.constant 0 : i32
      %dma_wait3A_50 = arith.constant 0 : i32
      %dma_wait3A_51 = tpu.memref_slice %arg12[%dma_wait3A_49, %dma_wait3A_50] : memref<10000x64xf32, #tpu.memory_space<vmem_shared>> -> memref<10000x64xf32, #tpu.memory_space<vmem_shared>>
      tpu.wait_indirect_dma semaphore(%arg13 : memref<!tpu.dma_semaphore, #tpu.memory_space<semaphore_mem>>) src(%dma_wait3A_51 : memref<10000x64xf32, #tpu.memory_space<vmem_shared>>) dst(%arg9 : memref<128x64xf32, #tpu.memory_space<vmem>>)
      "tpu.region"() ({
        %run_scoped3A = tpu.sem_alloc : memref<!tpu.dma_semaphore, #tpu.memory_space<semaphore_mem>>
        %dma_start3A_66 = arith.constant 0 : i32
        %dma_start3A_67 = tpu.memref_slice %arg8[%mul3A_38, %dma_start3A_66] : memref<80x128xi32, #tpu.memory_space<vmem>> -> memref<1x128xi32, #tpu.memory_space<vmem>>
        %dma_start3A_68 = tpu.memref_squeeze %dma_start3A_67 : memref<1x128xi32, #tpu.memory_space<vmem>> -> memref<128xi32, #tpu.memory_space<vmem>>
        %dma_start3A_69 = arith.constant 0 : i32
        %dma_start3A_70 = arith.constant 0 : i32
        %dma_start3A_71 = tpu.memref_slice %arg11[%dma_start3A_69, %dma_start3A_70] : memref<10112x64xf32, #tpu.memory_space<vmem_shared>> -> memref<10112x64xf32, #tpu.memory_space<vmem_shared>>
        tpu.enqueue_indirect_dma source(%arg9 : memref<128x64xf32, #tpu.memory_space<vmem>>) target(%dma_start3A_71 : memref<10112x64xf32, #tpu.memory_space<vmem_shared>>) offsets(%dma_start3A_68 : memref<128xi32, #tpu.memory_space<vmem>>) semaphore(%run_scoped3A : memref<!tpu.dma_semaphore, #tpu.memory_space<semaphore_mem>>) {add = true}
        %dma_wait3A_72 = arith.constant 0 : i32
        %dma_wait3A_73 = tpu.memref_slice %arg8[%mul3A_38, %dma_wait3A_72] : memref<80x128xi32, #tpu.memory_space<vmem>> -> memref<1x128xi32, #tpu.memory_space<vmem>>
        %dma_wait3A_74 = tpu.memref_squeeze %dma_wait3A_73 : memref<1x128xi32, #tpu.memory_space<vmem>> -> memref<128xi32, #tpu.memory_space<vmem>>
        %dma_wait3A_75 = arith.constant 0 : i32
        %dma_wait3A_76 = arith.constant 0 : i32
        %dma_wait3A_77 = tpu.memref_slice %arg11[%dma_wait3A_75, %dma_wait3A_76] : memref<10112x64xf32, #tpu.memory_space<vmem_shared>> -> memref<10112x64xf32, #tpu.memory_space<vmem_shared>>
        tpu.wait_indirect_dma semaphore(%run_scoped3A : memref<!tpu.dma_semaphore, #tpu.memory_space<semaphore_mem>>) src(%arg9 : memref<128x64xf32, #tpu.memory_space<vmem>>) dst(%dma_wait3A_77 : memref<10112x64xf32, #tpu.memory_space<vmem_shared>>)
        tpu.yield
      }) : () -> ()
      %add3A_52 = arith.constant 2 : i32
      %add3A_53 = arith.addi %mul3A_38, %add3A_52 : i32
      %lt3A = arith.constant 80 : i32
      %lt3A_54 = arith.cmpi slt, %add3A_53, %lt3A : i32
      %convert_element_type3A = arith.extui %lt3A_54 : i1 to i32
      %cond3A = arith.constant 0 : i32
      %cond3A_55 = arith.cmpi ne, %convert_element_type3A, %cond3A : i32
      scf.if %cond3A_55 {
        %add3A_66 = arith.constant 2 : i32
        %add3A_67 = arith.addi %mul3A_38, %add3A_66 : i32
        %dma_start3A_68 = arith.constant 0 : i32
        %dma_start3A_69 = tpu.memref_slice %arg7[%add3A_67, %dma_start3A_68] : memref<80x128xi32, #tpu.memory_space<vmem>> -> memref<1x128xi32, #tpu.memory_space<vmem>>
        %dma_start3A_70 = tpu.memref_squeeze %dma_start3A_69 : memref<1x128xi32, #tpu.memory_space<vmem>> -> memref<128xi32, #tpu.memory_space<vmem>>
        %dma_start3A_71 = arith.constant 0 : i32
        %dma_start3A_72 = arith.constant 0 : i32
        %dma_start3A_73 = tpu.memref_slice %arg12[%dma_start3A_71, %dma_start3A_72] : memref<10000x64xf32, #tpu.memory_space<vmem_shared>> -> memref<10000x64xf32, #tpu.memory_space<vmem_shared>>
        tpu.enqueue_indirect_dma source(%dma_start3A_73 : memref<10000x64xf32, #tpu.memory_space<vmem_shared>>) target(%arg9 : memref<128x64xf32, #tpu.memory_space<vmem>>) offsets(%dma_start3A_70 : memref<128xi32, #tpu.memory_space<vmem>>) semaphore(%arg13 : memref<!tpu.dma_semaphore, #tpu.memory_space<semaphore_mem>>)
      } else {
      }
      %add3A_56 = arith.constant 1 : i32
      %add3A_57 = arith.addi %mul3A_38, %add3A_56 : i32
      %dma_wait3A_58 = arith.constant 0 : i32
      %dma_wait3A_59 = tpu.memref_slice %arg7[%add3A_57, %dma_wait3A_58] : memref<80x128xi32, #tpu.memory_space<vmem>> -> memref<1x128xi32, #tpu.memory_space<vmem>>
      %dma_wait3A_60 = tpu.memref_squeeze %dma_wait3A_59 : memref<1x128xi32, #tpu.memory_space<vmem>> -> memref<128xi32, #tpu.memory_space<vmem>>
      %dma_wait3A_61 = arith.constant 0 : i32
      %dma_wait3A_62 = arith.constant 0 : i32
      %dma_wait3A_63 = tpu.memref_slice %arg12[%dma_wait3A_61, %dma_wait3A_62] : memref<10000x64xf32, #tpu.memory_space<vmem_shared>> -> memref<10000x64xf32, #tpu.memory_space<vmem_shared>>
      tpu.wait_indirect_dma semaphore(%arg14 : memref<!tpu.dma_semaphore, #tpu.memory_space<semaphore_mem>>) src(%dma_wait3A_63 : memref<10000x64xf32, #tpu.memory_space<vmem_shared>>) dst(%arg10 : memref<128x64xf32, #tpu.memory_space<vmem>>)
      %add3A_64 = arith.constant 1 : i32
      %add3A_65 = arith.addi %mul3A_38, %add3A_64 : i32
      "tpu.region"() ({
        %run_scoped3A = tpu.sem_alloc : memref<!tpu.dma_semaphore, #tpu.memory_space<semaphore_mem>>
        %dma_start3A_66 = arith.constant 0 : i32
        %dma_start3A_67 = tpu.memref_slice %arg8[%add3A_65, %dma_start3A_66] : memref<80x128xi32, #tpu.memory_space<vmem>> -> memref<1x128xi32, #tpu.memory_space<vmem>>
        %dma_start3A_68 = tpu.memref_squeeze %dma_start3A_67 : memref<1x128xi32, #tpu.memory_space<vmem>> -> memref<128xi32, #tpu.memory_space<vmem>>
        %dma_start3A_69 = arith.constant 0 : i32
        %dma_start3A_70 = arith.constant 0 : i32
        %dma_start3A_71 = tpu.memref_slice %arg11[%dma_start3A_69, %dma_start3A_70] : memref<10112x64xf32, #tpu.memory_space<vmem_shared>> -> memref<10112x64xf32, #tpu.memory_space<vmem_shared>>
        tpu.enqueue_indirect_dma source(%arg10 : memref<128x64xf32, #tpu.memory_space<vmem>>) target(%dma_start3A_71 : memref<10112x64xf32, #tpu.memory_space<vmem_shared>>) offsets(%dma_start3A_68 : memref<128xi32, #tpu.memory_space<vmem>>) semaphore(%run_scoped3A : memref<!tpu.dma_semaphore, #tpu.memory_space<semaphore_mem>>) {add = true}
        %dma_wait3A_72 = arith.constant 0 : i32
        %dma_wait3A_73 = tpu.memref_slice %arg8[%add3A_65, %dma_wait3A_72] : memref<80x128xi32, #tpu.memory_space<vmem>> -> memref<1x128xi32, #tpu.memory_space<vmem>>
        %dma_wait3A_74 = tpu.memref_squeeze %dma_wait3A_73 : memref<1x128xi32, #tpu.memory_space<vmem>> -> memref<128xi32, #tpu.memory_space<vmem>>
        %dma_wait3A_75 = arith.constant 0 : i32
        %dma_wait3A_76 = arith.constant 0 : i32
        %dma_wait3A_77 = tpu.memref_slice %arg11[%dma_wait3A_75, %dma_wait3A_76] : memref<10112x64xf32, #tpu.memory_space<vmem_shared>> -> memref<10112x64xf32, #tpu.memory_space<vmem_shared>>
        tpu.wait_indirect_dma semaphore(%run_scoped3A : memref<!tpu.dma_semaphore, #tpu.memory_space<semaphore_mem>>) src(%arg10 : memref<128x64xf32, #tpu.memory_space<vmem>>) dst(%dma_wait3A_77 : memref<10112x64xf32, #tpu.memory_space<vmem_shared>>)
        tpu.yield
      }) : () -> ()
    }
    %scan3A_17 = arith.constant 40 : i32
    "tpu.region"() ({
      %run_scoped3A = tpu.sem_alloc : memref<!tpu.dma_semaphore, #tpu.memory_space<semaphore_mem>>
      %dma_start3A_36 = arith.constant 0 : i32
      %dma_start3A_37 = arith.constant 0 : i32
      %dma_start3A_38 = tpu.memref_slice %arg2[%arg1, %dma_start3A_36, %dma_start3A_37] : memref<16x160x128xi32, #tpu.memory_space<hbm>> -> memref<1x160x128xi32, #tpu.memory_space<hbm>>
      %dma_start3A_39 = tpu.memref_squeeze %dma_start3A_38 : memref<1x160x128xi32, #tpu.memory_space<hbm>> -> memref<160x128xi32, #tpu.memory_space<hbm>>
      %dma_start3A_40 = arith.constant 80 : i32
      %dma_start3A_41 = arith.constant 0 : i32
      %dma_start3A_42 = tpu.memref_slice %dma_start3A_39[%dma_start3A_40, %dma_start3A_41] : memref<160x128xi32, #tpu.memory_space<hbm>> -> memref<80x128xi32, #tpu.memory_space<hbm>>
      %dma_start3A_43 = arith.constant 0 : i32
      %dma_start3A_44 = arith.constant 0 : i32
      %dma_start3A_45 = tpu.memref_slice %arg2[%arg1, %dma_start3A_43, %dma_start3A_44] : memref<16x160x128xi32, #tpu.memory_space<hbm>> -> memref<1x160x128xi32, #tpu.memory_space<hbm>>
      %dma_start3A_46 = tpu.memref_squeeze %dma_start3A_45 : memref<1x160x128xi32, #tpu.memory_space<hbm>> -> memref<160x128xi32, #tpu.memory_space<hbm>>
      %dma_start3A_47 = arith.constant 80 : i32
      %dma_start3A_48 = arith.constant 0 : i32
      %dma_start3A_49 = tpu.memref_slice %dma_start3A_46[%dma_start3A_47, %dma_start3A_48] : memref<160x128xi32, #tpu.memory_space<hbm>> -> memref<80x128xi32, #tpu.memory_space<hbm>>
      tpu.enqueue_dma source(%dma_start3A_49 : memref<80x128xi32, #tpu.memory_space<hbm>>) target(%arg7 : memref<80x128xi32, #tpu.memory_space<vmem>>) target_semaphore(%run_scoped3A : memref<!tpu.dma_semaphore, #tpu.memory_space<semaphore_mem>>)
      %dma_wait3A = arith.constant 0 : i32
      %dma_wait3A_50 = arith.constant 0 : i32
      %dma_wait3A_51 = tpu.memref_slice %arg2[%arg1, %dma_wait3A, %dma_wait3A_50] : memref<16x160x128xi32, #tpu.memory_space<hbm>> -> memref<1x160x128xi32, #tpu.memory_space<hbm>>
      %dma_wait3A_52 = tpu.memref_squeeze %dma_wait3A_51 : memref<1x160x128xi32, #tpu.memory_space<hbm>> -> memref<160x128xi32, #tpu.memory_space<hbm>>
      %dma_wait3A_53 = arith.constant 80 : i32
      %dma_wait3A_54 = arith.constant 0 : i32
      %dma_wait3A_55 = tpu.memref_slice %dma_wait3A_52[%dma_wait3A_53, %dma_wait3A_54] : memref<160x128xi32, #tpu.memory_space<hbm>> -> memref<80x128xi32, #tpu.memory_space<hbm>>
      %dma_wait3A_56 = arith.constant 0 : i32
      %dma_wait3A_57 = arith.constant 0 : i32
      %dma_wait3A_58 = tpu.memref_slice %arg2[%arg1, %dma_wait3A_56, %dma_wait3A_57] : memref<16x160x128xi32, #tpu.memory_space<hbm>> -> memref<1x160x128xi32, #tpu.memory_space<hbm>>
      %dma_wait3A_59 = tpu.memref_squeeze %dma_wait3A_58 : memref<1x160x128xi32, #tpu.memory_space<hbm>> -> memref<160x128xi32, #tpu.memory_space<hbm>>
      %dma_wait3A_60 = arith.constant 80 : i32
      %dma_wait3A_61 = arith.constant 0 : i32
      %dma_wait3A_62 = tpu.memref_slice %dma_wait3A_59[%dma_wait3A_60, %dma_wait3A_61] : memref<160x128xi32, #tpu.memory_space<hbm>> -> memref<80x128xi32, #tpu.memory_space<hbm>>
      tpu.wait_dma2 semaphore(%run_scoped3A : memref<!tpu.dma_semaphore, #tpu.memory_space<semaphore_mem>>) src(%dma_wait3A_62 : memref<80x128xi32, #tpu.memory_space<hbm>>) dst(%arg7 : memref<80x128xi32, #tpu.memory_space<vmem>>)
      tpu.yield
    }) : () -> ()
    "tpu.region"() ({
      %run_scoped3A = tpu.sem_alloc : memref<!tpu.dma_semaphore, #tpu.memory_space<semaphore_mem>>
      %dma_start3A_36 = arith.constant 0 : i32
      %dma_start3A_37 = arith.constant 0 : i32
      %dma_start3A_38 = tpu.memref_slice %arg3[%arg1, %dma_start3A_36, %dma_start3A_37] : memref<16x160x128xi32, #tpu.memory_space<hbm>> -> memref<1x160x128xi32, #tpu.memory_space<hbm>>
      %dma_start3A_39 = tpu.memref_squeeze %dma_start3A_38 : memref<1x160x128xi32, #tpu.memory_space<hbm>> -> memref<160x128xi32, #tpu.memory_space<hbm>>
      %dma_start3A_40 = arith.constant 80 : i32
      %dma_start3A_41 = arith.constant 0 : i32
      %dma_start3A_42 = tpu.memref_slice %dma_start3A_39[%dma_start3A_40, %dma_start3A_41] : memref<160x128xi32, #tpu.memory_space<hbm>> -> memref<80x128xi32, #tpu.memory_space<hbm>>
      %dma_start3A_43 = arith.constant 0 : i32
      %dma_start3A_44 = arith.constant 0 : i32
      %dma_start3A_45 = tpu.memref_slice %arg3[%arg1, %dma_start3A_43, %dma_start3A_44] : memref<16x160x128xi32, #tpu.memory_space<hbm>> -> memref<1x160x128xi32, #tpu.memory_space<hbm>>
      %dma_start3A_46 = tpu.memref_squeeze %dma_start3A_45 : memref<1x160x128xi32, #tpu.memory_space<hbm>> -> memref<160x128xi32, #tpu.memory_space<hbm>>
      %dma_start3A_47 = arith.constant 80 : i32
      %dma_start3A_48 = arith.constant 0 : i32
      %dma_start3A_49 = tpu.memref_slice %dma_start3A_46[%dma_start3A_47, %dma_start3A_48] : memref<160x128xi32, #tpu.memory_space<hbm>> -> memref<80x128xi32, #tpu.memory_space<hbm>>
      tpu.enqueue_dma source(%dma_start3A_49 : memref<80x128xi32, #tpu.memory_space<hbm>>) target(%arg8 : memref<80x128xi32, #tpu.memory_space<vmem>>) target_semaphore(%run_scoped3A : memref<!tpu.dma_semaphore, #tpu.memory_space<semaphore_mem>>)
      %dma_wait3A = arith.constant 0 : i32
      %dma_wait3A_50 = arith.constant 0 : i32
      %dma_wait3A_51 = tpu.memref_slice %arg3[%arg1, %dma_wait3A, %dma_wait3A_50] : memref<16x160x128xi32, #tpu.memory_space<hbm>> -> memref<1x160x128xi32, #tpu.memory_space<hbm>>
      %dma_wait3A_52 = tpu.memref_squeeze %dma_wait3A_51 : memref<1x160x128xi32, #tpu.memory_space<hbm>> -> memref<160x128xi32, #tpu.memory_space<hbm>>
      %dma_wait3A_53 = arith.constant 80 : i32
      %dma_wait3A_54 = arith.constant 0 : i32
      %dma_wait3A_55 = tpu.memref_slice %dma_wait3A_52[%dma_wait3A_53, %dma_wait3A_54] : memref<160x128xi32, #tpu.memory_space<hbm>> -> memref<80x128xi32, #tpu.memory_space<hbm>>
      %dma_wait3A_56 = arith.constant 0 : i32
      %dma_wait3A_57 = arith.constant 0 : i32
      %dma_wait3A_58 = tpu.memref_slice %arg3[%arg1, %dma_wait3A_56, %dma_wait3A_57] : memref<16x160x128xi32, #tpu.memory_space<hbm>> -> memref<1x160x128xi32, #tpu.memory_space<hbm>>
      %dma_wait3A_59 = tpu.memref_squeeze %dma_wait3A_58 : memref<1x160x128xi32, #tpu.memory_space<hbm>> -> memref<160x128xi32, #tpu.memory_space<hbm>>
      %dma_wait3A_60 = arith.constant 80 : i32
      %dma_wait3A_61 = arith.constant 0 : i32
      %dma_wait3A_62 = tpu.memref_slice %dma_wait3A_59[%dma_wait3A_60, %dma_wait3A_61] : memref<160x128xi32, #tpu.memory_space<hbm>> -> memref<80x128xi32, #tpu.memory_space<hbm>>
      tpu.wait_dma2 semaphore(%run_scoped3A : memref<!tpu.dma_semaphore, #tpu.memory_space<semaphore_mem>>) src(%dma_wait3A_62 : memref<80x128xi32, #tpu.memory_space<hbm>>) dst(%arg8 : memref<80x128xi32, #tpu.memory_space<vmem>>)
      tpu.yield
    }) : () -> ()
    %dma_start3A_18 = arith.constant 0 : i32
    %dma_start3A_19 = arith.constant 0 : i32
    %dma_start3A_20 = tpu.memref_slice %arg7[%dma_start3A_18, %dma_start3A_19] : memref<80x128xi32, #tpu.memory_space<vmem>> -> memref<1x128xi32, #tpu.memory_space<vmem>>
    %dma_start3A_21 = tpu.memref_squeeze %dma_start3A_20 : memref<1x128xi32, #tpu.memory_space<vmem>> -> memref<128xi32, #tpu.memory_space<vmem>>
    %dma_start3A_22 = arith.constant 0 : i32
    %dma_start3A_23 = arith.constant 0 : i32
    %dma_start3A_24 = tpu.memref_slice %arg12[%dma_start3A_22, %dma_start3A_23] : memref<10000x64xf32, #tpu.memory_space<vmem_shared>> -> memref<10000x64xf32, #tpu.memory_space<vmem_shared>>
    tpu.enqueue_indirect_dma source(%dma_start3A_24 : memref<10000x64xf32, #tpu.memory_space<vmem_shared>>) target(%arg9 : memref<128x64xf32, #tpu.memory_space<vmem>>) offsets(%dma_start3A_21 : memref<128xi32, #tpu.memory_space<vmem>>) semaphore(%arg13 : memref<!tpu.dma_semaphore, #tpu.memory_space<semaphore_mem>>)
    %scan3A_25 = arith.constant 0 : i32
    %scan3A_26 = arith.constant 0 : i32
    %scan3A_27 = arith.constant 40 : i32
    %scan3A_28 = arith.addi %scan3A_26, %scan3A_27 : i32
    %scan3A_29 = arith.constant 1 : i32
    scf.for %scan3A_36 = %scan3A_26 to %scan3A_28 step %scan3A_29  : i32 {
      %mul3A_37 = arith.constant 2 : i32
      %mul3A_38 = arith.muli %mul3A_37, %scan3A_36 : i32
      %add3A_39 = arith.constant 1 : i32
      %add3A_40 = arith.addi %mul3A_38, %add3A_39 : i32
      %dma_start3A_41 = arith.constant 0 : i32
      %dma_start3A_42 = tpu.memref_slice %arg7[%add3A_40, %dma_start3A_41] : memref<80x128xi32, #tpu.memory_space<vmem>> -> memref<1x128xi32, #tpu.memory_space<vmem>>
      %dma_start3A_43 = tpu.memref_squeeze %dma_start3A_42 : memref<1x128xi32, #tpu.memory_space<vmem>> -> memref<128xi32, #tpu.memory_space<vmem>>
      %dma_start3A_44 = arith.constant 0 : i32
      %dma_start3A_45 = arith.constant 0 : i32
      %dma_start3A_46 = tpu.memref_slice %arg12[%dma_start3A_44, %dma_start3A_45] : memref<10000x64xf32, #tpu.memory_space<vmem_shared>> -> memref<10000x64xf32, #tpu.memory_space<vmem_shared>>
      tpu.enqueue_indirect_dma source(%dma_start3A_46 : memref<10000x64xf32, #tpu.memory_space<vmem_shared>>) target(%arg10 : memref<128x64xf32, #tpu.memory_space<vmem>>) offsets(%dma_start3A_43 : memref<128xi32, #tpu.memory_space<vmem>>) semaphore(%arg14 : memref<!tpu.dma_semaphore, #tpu.memory_space<semaphore_mem>>)
      %dma_wait3A = arith.constant 0 : i32
      %dma_wait3A_47 = tpu.memref_slice %arg7[%mul3A_38, %dma_wait3A] : memref<80x128xi32, #tpu.memory_space<vmem>> -> memref<1x128xi32, #tpu.memory_space<vmem>>
      %dma_wait3A_48 = tpu.memref_squeeze %dma_wait3A_47 : memref<1x128xi32, #tpu.memory_space<vmem>> -> memref<128xi32, #tpu.memory_space<vmem>>
      %dma_wait3A_49 = arith.constant 0 : i32
      %dma_wait3A_50 = arith.constant 0 : i32
      %dma_wait3A_51 = tpu.memref_slice %arg12[%dma_wait3A_49, %dma_wait3A_50] : memref<10000x64xf32, #tpu.memory_space<vmem_shared>> -> memref<10000x64xf32, #tpu.memory_space<vmem_shared>>
      tpu.wait_indirect_dma semaphore(%arg13 : memref<!tpu.dma_semaphore, #tpu.memory_space<semaphore_mem>>) src(%dma_wait3A_51 : memref<10000x64xf32, #tpu.memory_space<vmem_shared>>) dst(%arg9 : memref<128x64xf32, #tpu.memory_space<vmem>>)
      "tpu.region"() ({
        %run_scoped3A = tpu.sem_alloc : memref<!tpu.dma_semaphore, #tpu.memory_space<semaphore_mem>>
        %dma_start3A_66 = arith.constant 0 : i32
        %dma_start3A_67 = tpu.memref_slice %arg8[%mul3A_38, %dma_start3A_66] : memref<80x128xi32, #tpu.memory_space<vmem>> -> memref<1x128xi32, #tpu.memory_space<vmem>>
        %dma_start3A_68 = tpu.memref_squeeze %dma_start3A_67 : memref<1x128xi32, #tpu.memory_space<vmem>> -> memref<128xi32, #tpu.memory_space<vmem>>
        %dma_start3A_69 = arith.constant 0 : i32
        %dma_start3A_70 = arith.constant 0 : i32
        %dma_start3A_71 = tpu.memref_slice %arg11[%dma_start3A_69, %dma_start3A_70] : memref<10112x64xf32, #tpu.memory_space<vmem_shared>> -> memref<10112x64xf32, #tpu.memory_space<vmem_shared>>
        tpu.enqueue_indirect_dma source(%arg9 : memref<128x64xf32, #tpu.memory_space<vmem>>) target(%dma_start3A_71 : memref<10112x64xf32, #tpu.memory_space<vmem_shared>>) offsets(%dma_start3A_68 : memref<128xi32, #tpu.memory_space<vmem>>) semaphore(%run_scoped3A : memref<!tpu.dma_semaphore, #tpu.memory_space<semaphore_mem>>) {add = true}
        %dma_wait3A_72 = arith.constant 0 : i32
        %dma_wait3A_73 = tpu.memref_slice %arg8[%mul3A_38, %dma_wait3A_72] : memref<80x128xi32, #tpu.memory_space<vmem>> -> memref<1x128xi32, #tpu.memory_space<vmem>>
        %dma_wait3A_74 = tpu.memref_squeeze %dma_wait3A_73 : memref<1x128xi32, #tpu.memory_space<vmem>> -> memref<128xi32, #tpu.memory_space<vmem>>
        %dma_wait3A_75 = arith.constant 0 : i32
        %dma_wait3A_76 = arith.constant 0 : i32
        %dma_wait3A_77 = tpu.memref_slice %arg11[%dma_wait3A_75, %dma_wait3A_76] : memref<10112x64xf32, #tpu.memory_space<vmem_shared>> -> memref<10112x64xf32, #tpu.memory_space<vmem_shared>>
        tpu.wait_indirect_dma semaphore(%run_scoped3A : memref<!tpu.dma_semaphore, #tpu.memory_space<semaphore_mem>>) src(%arg9 : memref<128x64xf32, #tpu.memory_space<vmem>>) dst(%dma_wait3A_77 : memref<10112x64xf32, #tpu.memory_space<vmem_shared>>)
        tpu.yield
      }) : () -> ()
      %add3A_52 = arith.constant 2 : i32
      %add3A_53 = arith.addi %mul3A_38, %add3A_52 : i32
      %lt3A = arith.constant 80 : i32
      %lt3A_54 = arith.cmpi slt, %add3A_53, %lt3A : i32
      %convert_element_type3A = arith.extui %lt3A_54 : i1 to i32
      %cond3A = arith.constant 0 : i32
      %cond3A_55 = arith.cmpi ne, %convert_element_type3A, %cond3A : i32
      scf.if %cond3A_55 {
        %add3A_66 = arith.constant 2 : i32
        %add3A_67 = arith.addi %mul3A_38, %add3A_66 : i32
        %dma_start3A_68 = arith.constant 0 : i32
        %dma_start3A_69 = tpu.memref_slice %arg7[%add3A_67, %dma_start3A_68] : memref<80x128xi32, #tpu.memory_space<vmem>> -> memref<1x128xi32, #tpu.memory_space<vmem>>
        %dma_start3A_70 = tpu.memref_squeeze %dma_start3A_69 : memref<1x128xi32, #tpu.memory_space<vmem>> -> memref<128xi32, #tpu.memory_space<vmem>>
        %dma_start3A_71 = arith.constant 0 : i32
        %dma_start3A_72 = arith.constant 0 : i32
        %dma_start3A_73 = tpu.memref_slice %arg12[%dma_start3A_71, %dma_start3A_72] : memref<10000x64xf32, #tpu.memory_space<vmem_shared>> -> memref<10000x64xf32, #tpu.memory_space<vmem_shared>>
        tpu.enqueue_indirect_dma source(%dma_start3A_73 : memref<10000x64xf32, #tpu.memory_space<vmem_shared>>) target(%arg9 : memref<128x64xf32, #tpu.memory_space<vmem>>) offsets(%dma_start3A_70 : memref<128xi32, #tpu.memory_space<vmem>>) semaphore(%arg13 : memref<!tpu.dma_semaphore, #tpu.memory_space<semaphore_mem>>)
      } else {
      }
      %add3A_56 = arith.constant 1 : i32
      %add3A_57 = arith.addi %mul3A_38, %add3A_56 : i32
      %dma_wait3A_58 = arith.constant 0 : i32
      %dma_wait3A_59 = tpu.memref_slice %arg7[%add3A_57, %dma_wait3A_58] : memref<80x128xi32, #tpu.memory_space<vmem>> -> memref<1x128xi32, #tpu.memory_space<vmem>>
      %dma_wait3A_60 = tpu.memref_squeeze %dma_wait3A_59 : memref<1x128xi32, #tpu.memory_space<vmem>> -> memref<128xi32, #tpu.memory_space<vmem>>
      %dma_wait3A_61 = arith.constant 0 : i32
      %dma_wait3A_62 = arith.constant 0 : i32
      %dma_wait3A_63 = tpu.memref_slice %arg12[%dma_wait3A_61, %dma_wait3A_62] : memref<10000x64xf32, #tpu.memory_space<vmem_shared>> -> memref<10000x64xf32, #tpu.memory_space<vmem_shared>>
      tpu.wait_indirect_dma semaphore(%arg14 : memref<!tpu.dma_semaphore, #tpu.memory_space<semaphore_mem>>) src(%dma_wait3A_63 : memref<10000x64xf32, #tpu.memory_space<vmem_shared>>) dst(%arg10 : memref<128x64xf32, #tpu.memory_space<vmem>>)
      %add3A_64 = arith.constant 1 : i32
      %add3A_65 = arith.addi %mul3A_38, %add3A_64 : i32
      "tpu.region"() ({
        %run_scoped3A = tpu.sem_alloc : memref<!tpu.dma_semaphore, #tpu.memory_space<semaphore_mem>>
        %dma_start3A_66 = arith.constant 0 : i32
        %dma_start3A_67 = tpu.memref_slice %arg8[%add3A_65, %dma_start3A_66] : memref<80x128xi32, #tpu.memory_space<vmem>> -> memref<1x128xi32, #tpu.memory_space<vmem>>
        %dma_start3A_68 = tpu.memref_squeeze %dma_start3A_67 : memref<1x128xi32, #tpu.memory_space<vmem>> -> memref<128xi32, #tpu.memory_space<vmem>>
        %dma_start3A_69 = arith.constant 0 : i32
        %dma_start3A_70 = arith.constant 0 : i32
        %dma_start3A_71 = tpu.memref_slice %arg11[%dma_start3A_69, %dma_start3A_70] : memref<10112x64xf32, #tpu.memory_space<vmem_shared>> -> memref<10112x64xf32, #tpu.memory_space<vmem_shared>>
        tpu.enqueue_indirect_dma source(%arg10 : memref<128x64xf32, #tpu.memory_space<vmem>>) target(%dma_start3A_71 : memref<10112x64xf32, #tpu.memory_space<vmem_shared>>) offsets(%dma_start3A_68 : memref<128xi32, #tpu.memory_space<vmem>>) semaphore(%run_scoped3A : memref<!tpu.dma_semaphore, #tpu.memory_space<semaphore_mem>>) {add = true}
        %dma_wait3A_72 = arith.constant 0 : i32
        %dma_wait3A_73 = tpu.memref_slice %arg8[%add3A_65, %dma_wait3A_72] : memref<80x128xi32, #tpu.memory_space<vmem>> -> memref<1x128xi32, #tpu.memory_space<vmem>>
        %dma_wait3A_74 = tpu.memref_squeeze %dma_wait3A_73 : memref<1x128xi32, #tpu.memory_space<vmem>> -> memref<128xi32, #tpu.memory_space<vmem>>
        %dma_wait3A_75 = arith.constant 0 : i32
        %dma_wait3A_76 = arith.constant 0 : i32
        %dma_wait3A_77 = tpu.memref_slice %arg11[%dma_wait3A_75, %dma_wait3A_76] : memref<10112x64xf32, #tpu.memory_space<vmem_shared>> -> memref<10112x64xf32, #tpu.memory_space<vmem_shared>>
        tpu.wait_indirect_dma semaphore(%run_scoped3A : memref<!tpu.dma_semaphore, #tpu.memory_space<semaphore_mem>>) src(%arg10 : memref<128x64xf32, #tpu.memory_space<vmem>>) dst(%dma_wait3A_77 : memref<10112x64xf32, #tpu.memory_space<vmem_shared>>)
        tpu.yield
      }) : () -> ()
    }
    %scan3A_30 = arith.constant 40 : i32
    %barrier3A_31 = arith.constant 0 : index
    tpu.barrier barrier_id(%barrier3A_31)
    %mul3A_32 = arith.constant 632 : i32
    %mul3A_33 = arith.muli %arg1, %mul3A_32 : i32
    %mul3A_34 = arith.constant 632 : i32
    %mul3A_35 = arith.muli %arg1, %mul3A_34 : i32
    "tpu.region"() ({
      %run_scoped3A = tpu.sem_alloc : memref<!tpu.dma_semaphore, #tpu.memory_space<semaphore_mem>>
      %dma_start3A_36 = arith.constant 0 : i32
      %dma_start3A_37 = arith.constant 0 : i32
      %dma_start3A_38 = tpu.memref_slice %arg6[%arg0, %dma_start3A_36, %dma_start3A_37] : memref<2x10112x64xf32, #tpu.memory_space<hbm>> -> memref<1x10112x64xf32, #tpu.memory_space<hbm>>
      %dma_start3A_39 = tpu.memref_squeeze %dma_start3A_38 : memref<1x10112x64xf32, #tpu.memory_space<hbm>> -> memref<10112x64xf32, #tpu.memory_space<hbm>>
      %dma_start3A_40 = arith.constant 0 : i32
      %dma_start3A_41 = tpu.memref_slice %dma_start3A_39[%mul3A_35, %dma_start3A_40] : memref<10112x64xf32, #tpu.memory_space<hbm>> -> memref<632x64xf32, #tpu.memory_space<hbm>>
      %dma_start3A_42 = arith.constant 0 : i32
      %dma_start3A_43 = tpu.memref_slice %arg11[%mul3A_33, %dma_start3A_42] : memref<10112x64xf32, #tpu.memory_space<vmem_shared>> -> memref<632x64xf32, #tpu.memory_space<vmem_shared>>
      tpu.enqueue_dma source(%dma_start3A_43 : memref<632x64xf32, #tpu.memory_space<vmem_shared>>) target(%dma_start3A_41 : memref<632x64xf32, #tpu.memory_space<hbm>>) target_semaphore(%run_scoped3A : memref<!tpu.dma_semaphore, #tpu.memory_space<semaphore_mem>>)
      %dma_wait3A = arith.constant 0 : i32
      %dma_wait3A_44 = arith.constant 0 : i32
      %dma_wait3A_45 = tpu.memref_slice %arg6[%arg0, %dma_wait3A, %dma_wait3A_44] : memref<2x10112x64xf32, #tpu.memory_space<hbm>> -> memref<1x10112x64xf32, #tpu.memory_space<hbm>>
      %dma_wait3A_46 = tpu.memref_squeeze %dma_wait3A_45 : memref<1x10112x64xf32, #tpu.memory_space<hbm>> -> memref<10112x64xf32, #tpu.memory_space<hbm>>
      %dma_wait3A_47 = arith.constant 0 : i32
      %dma_wait3A_48 = tpu.memref_slice %dma_wait3A_46[%mul3A_35, %dma_wait3A_47] : memref<10112x64xf32, #tpu.memory_space<hbm>> -> memref<632x64xf32, #tpu.memory_space<hbm>>
      %dma_wait3A_49 = arith.constant 0 : i32
      %dma_wait3A_50 = tpu.memref_slice %arg11[%mul3A_33, %dma_wait3A_49] : memref<10112x64xf32, #tpu.memory_space<vmem_shared>> -> memref<632x64xf32, #tpu.memory_space<vmem_shared>>
      tpu.wait_dma2 semaphore(%run_scoped3A : memref<!tpu.dma_semaphore, #tpu.memory_space<semaphore_mem>>) src(%dma_wait3A_50 : memref<632x64xf32, #tpu.memory_space<vmem_shared>>) dst(%dma_wait3A_48 : memref<632x64xf32, #tpu.memory_space<hbm>>)
      tpu.yield
    }) : () -> ()
    return
  }
}

#map = affine_map<(d0, d1) -> (0, 0, 0, 0)>
#map1 = affine_map<(d0, d1) -> (0)>
#map2 = affine_map<(d0, d1) -> (0, 0)>
module attributes {stable_mosaic.version = 14 : i64} {
  func.func @deg_kernel(%arg0: i32, %arg1: i32, %arg2: memref<16x2x80x128xi32, #tpu.memory_space<hbm>>, %arg3: memref<640xf32, #tpu.memory_space<hbm>>, %arg4: memref<2x10240xf32, #tpu.memory_space<hbm>>, %arg5: memref<80x128xi32, #tpu.memory_space<vmem>>, %arg6: memref<128xf32, #tpu.memory_space<vmem>>, %arg7: memref<10240xf32, #tpu.memory_space<vmem_shared>>, %arg8: memref<!tpu.dma_semaphore, #tpu.memory_space<semaphore_mem>>) attributes {dimension_semantics = [#tpu.dimension_semantics<core_parallel>, #tpu.dimension_semantics<subcore_parallel>], iteration_bounds = array<i64: 2, 16>, scalar_prefetch = 0 : i64, scratch_operands = 4 : i64, tpu.core_type = #tpu.core_type<sc_vector_subcore>, window_params = [{transform_indices = #map}, {transform_indices = #map1}, {transform_indices = #map2}]} {
    %mul3A = arith.constant 640 : i32
    %mul3A_0 = arith.muli %arg1, %mul3A : i32
    "tpu.region"() ({
      %run_scoped3A = tpu.sem_alloc : memref<!tpu.dma_semaphore, #tpu.memory_space<semaphore_mem>>
      %dma_start3A = tpu.memref_slice %arg7[%mul3A_0] : memref<10240xf32, #tpu.memory_space<vmem_shared>> -> memref<640xf32, #tpu.memory_space<vmem_shared>>
      tpu.enqueue_dma source(%arg3 : memref<640xf32, #tpu.memory_space<hbm>>) target(%dma_start3A : memref<640xf32, #tpu.memory_space<vmem_shared>>) target_semaphore(%run_scoped3A : memref<!tpu.dma_semaphore, #tpu.memory_space<semaphore_mem>>)
      %dma_wait3A = tpu.memref_slice %arg7[%mul3A_0] : memref<10240xf32, #tpu.memory_space<vmem_shared>> -> memref<640xf32, #tpu.memory_space<vmem_shared>>
      tpu.wait_dma2 semaphore(%run_scoped3A : memref<!tpu.dma_semaphore, #tpu.memory_space<semaphore_mem>>) src(%arg3 : memref<640xf32, #tpu.memory_space<hbm>>) dst(%dma_wait3A : memref<640xf32, #tpu.memory_space<vmem_shared>>)
      tpu.yield
    }) : () -> ()
    %broadcast_in_dim3A = arith.constant 1.000000e+00 : f32
    %broadcast_in_dim3A_1 = vector.broadcast %broadcast_in_dim3A : f32 to vector<16xf32>
    %swap3A = arith.constant 0 : index
    %swap3A_2 = tpu.vector_load %arg6[%swap3A] {strides = array<i32>} : memref<128xf32, #tpu.memory_space<vmem>>, vector<16xf32>,
    %swap3A_3 = vector.shape_cast %swap3A_2 : vector<16xf32> to vector<16xf32>
    %swap3A_4 = vector.shape_cast %broadcast_in_dim3A_1 : vector<16xf32> to vector<16xf32>
    tpu.vector_store %arg6[%swap3A], %swap3A_4 {strides = array<i32>} : memref<128xf32, #tpu.memory_space<vmem>>, vector<16xf32>,
    %broadcast_in_dim3A_5 = arith.constant 1.000000e+00 : f32
    %broadcast_in_dim3A_6 = vector.broadcast %broadcast_in_dim3A_5 : f32 to vector<16xf32>
    %swap3A_7 = arith.constant 16 : index
    %swap3A_8 = tpu.vector_load %arg6[%swap3A_7] {strides = array<i32>} : memref<128xf32, #tpu.memory_space<vmem>>, vector<16xf32>,
    %swap3A_9 = vector.shape_cast %swap3A_8 : vector<16xf32> to vector<16xf32>
    %swap3A_10 = vector.shape_cast %broadcast_in_dim3A_6 : vector<16xf32> to vector<16xf32>
    tpu.vector_store %arg6[%swap3A_7], %swap3A_10 {strides = array<i32>} : memref<128xf32, #tpu.memory_space<vmem>>, vector<16xf32>,
    %broadcast_in_dim3A_11 = arith.constant 1.000000e+00 : f32
    %broadcast_in_dim3A_12 = vector.broadcast %broadcast_in_dim3A_11 : f32 to vector<16xf32>
    %swap3A_13 = arith.constant 32 : index
    %swap3A_14 = tpu.vector_load %arg6[%swap3A_13] {strides = array<i32>} : memref<128xf32, #tpu.memory_space<vmem>>, vector<16xf32>,
    %swap3A_15 = vector.shape_cast %swap3A_14 : vector<16xf32> to vector<16xf32>
    %swap3A_16 = vector.shape_cast %broadcast_in_dim3A_12 : vector<16xf32> to vector<16xf32>
    tpu.vector_store %arg6[%swap3A_13], %swap3A_16 {strides = array<i32>} : memref<128xf32, #tpu.memory_space<vmem>>, vector<16xf32>,
    %broadcast_in_dim3A_17 = arith.constant 1.000000e+00 : f32
    %broadcast_in_dim3A_18 = vector.broadcast %broadcast_in_dim3A_17 : f32 to vector<16xf32>
    %swap3A_19 = arith.constant 48 : index
    %swap3A_20 = tpu.vector_load %arg6[%swap3A_19] {strides = array<i32>} : memref<128xf32, #tpu.memory_space<vmem>>, vector<16xf32>,
    %swap3A_21 = vector.shape_cast %swap3A_20 : vector<16xf32> to vector<16xf32>
    %swap3A_22 = vector.shape_cast %broadcast_in_dim3A_18 : vector<16xf32> to vector<16xf32>
    tpu.vector_store %arg6[%swap3A_19], %swap3A_22 {strides = array<i32>} : memref<128xf32, #tpu.memory_space<vmem>>, vector<16xf32>,
    %broadcast_in_dim3A_23 = arith.constant 1.000000e+00 : f32
    %broadcast_in_dim3A_24 = vector.broadcast %broadcast_in_dim3A_23 : f32 to vector<16xf32>
    %swap3A_25 = arith.constant 64 : index
    %swap3A_26 = tpu.vector_load %arg6[%swap3A_25] {strides = array<i32>} : memref<128xf32, #tpu.memory_space<vmem>>, vector<16xf32>,
    %swap3A_27 = vector.shape_cast %swap3A_26 : vector<16xf32> to vector<16xf32>
    %swap3A_28 = vector.shape_cast %broadcast_in_dim3A_24 : vector<16xf32> to vector<16xf32>
    tpu.vector_store %arg6[%swap3A_25], %swap3A_28 {strides = array<i32>} : memref<128xf32, #tpu.memory_space<vmem>>, vector<16xf32>,
    %broadcast_in_dim3A_29 = arith.constant 1.000000e+00 : f32
    %broadcast_in_dim3A_30 = vector.broadcast %broadcast_in_dim3A_29 : f32 to vector<16xf32>
    %swap3A_31 = arith.constant 80 : index
    %swap3A_32 = tpu.vector_load %arg6[%swap3A_31] {strides = array<i32>} : memref<128xf32, #tpu.memory_space<vmem>>, vector<16xf32>,
    %swap3A_33 = vector.shape_cast %swap3A_32 : vector<16xf32> to vector<16xf32>
    %swap3A_34 = vector.shape_cast %broadcast_in_dim3A_30 : vector<16xf32> to vector<16xf32>
    tpu.vector_store %arg6[%swap3A_31], %swap3A_34 {strides = array<i32>} : memref<128xf32, #tpu.memory_space<vmem>>, vector<16xf32>,
    %broadcast_in_dim3A_35 = arith.constant 1.000000e+00 : f32
    %broadcast_in_dim3A_36 = vector.broadcast %broadcast_in_dim3A_35 : f32 to vector<16xf32>
    %swap3A_37 = arith.constant 96 : index
    %swap3A_38 = tpu.vector_load %arg6[%swap3A_37] {strides = array<i32>} : memref<128xf32, #tpu.memory_space<vmem>>, vector<16xf32>,
    %swap3A_39 = vector.shape_cast %swap3A_38 : vector<16xf32> to vector<16xf32>
    %swap3A_40 = vector.shape_cast %broadcast_in_dim3A_36 : vector<16xf32> to vector<16xf32>
    tpu.vector_store %arg6[%swap3A_37], %swap3A_40 {strides = array<i32>} : memref<128xf32, #tpu.memory_space<vmem>>, vector<16xf32>,
    %broadcast_in_dim3A_41 = arith.constant 1.000000e+00 : f32
    %broadcast_in_dim3A_42 = vector.broadcast %broadcast_in_dim3A_41 : f32 to vector<16xf32>
    %swap3A_43 = arith.constant 112 : index
    %swap3A_44 = tpu.vector_load %arg6[%swap3A_43] {strides = array<i32>} : memref<128xf32, #tpu.memory_space<vmem>>, vector<16xf32>,
    %swap3A_45 = vector.shape_cast %swap3A_44 : vector<16xf32> to vector<16xf32>
    %swap3A_46 = vector.shape_cast %broadcast_in_dim3A_42 : vector<16xf32> to vector<16xf32>
    tpu.vector_store %arg6[%swap3A_43], %swap3A_46 {strides = array<i32>} : memref<128xf32, #tpu.memory_space<vmem>>, vector<16xf32>,
    "tpu.region"() ({
      %run_scoped3A = tpu.sem_alloc : memref<!tpu.dma_semaphore, #tpu.memory_space<semaphore_mem>>
      %dma_start3A = arith.constant 0 : i32
      %dma_start3A_57 = arith.constant 0 : i32
      %dma_start3A_58 = tpu.memref_slice %arg2[%arg1, %arg0, %dma_start3A, %dma_start3A_57] : memref<16x2x80x128xi32, #tpu.memory_space<hbm>> -> memref<1x1x80x128xi32, #tpu.memory_space<hbm>>
      %dma_start3A_59 = tpu.memref_squeeze %dma_start3A_58 : memref<1x1x80x128xi32, #tpu.memory_space<hbm>> -> memref<80x128xi32, #tpu.memory_space<hbm>>
      %dma_start3A_60 = arith.constant 0 : i32
      %dma_start3A_61 = arith.constant 0 : i32
      %dma_start3A_62 = tpu.memref_slice %arg2[%arg1, %arg0, %dma_start3A_60, %dma_start3A_61] : memref<16x2x80x128xi32, #tpu.memory_space<hbm>> -> memref<1x1x80x128xi32, #tpu.memory_space<hbm>>
      %dma_start3A_63 = tpu.memref_squeeze %dma_start3A_62 : memref<1x1x80x128xi32, #tpu.memory_space<hbm>> -> memref<80x128xi32, #tpu.memory_space<hbm>>
      tpu.enqueue_dma source(%dma_start3A_63 : memref<80x128xi32, #tpu.memory_space<hbm>>) target(%arg5 : memref<80x128xi32, #tpu.memory_space<vmem>>) target_semaphore(%run_scoped3A : memref<!tpu.dma_semaphore, #tpu.memory_space<semaphore_mem>>)
      %dma_wait3A = arith.constant 0 : i32
      %dma_wait3A_64 = arith.constant 0 : i32
      %dma_wait3A_65 = tpu.memref_slice %arg2[%arg1, %arg0, %dma_wait3A, %dma_wait3A_64] : memref<16x2x80x128xi32, #tpu.memory_space<hbm>> -> memref<1x1x80x128xi32, #tpu.memory_space<hbm>>
      %dma_wait3A_66 = tpu.memref_squeeze %dma_wait3A_65 : memref<1x1x80x128xi32, #tpu.memory_space<hbm>> -> memref<80x128xi32, #tpu.memory_space<hbm>>
      %dma_wait3A_67 = arith.constant 0 : i32
      %dma_wait3A_68 = arith.constant 0 : i32
      %dma_wait3A_69 = tpu.memref_slice %arg2[%arg1, %arg0, %dma_wait3A_67, %dma_wait3A_68] : memref<16x2x80x128xi32, #tpu.memory_space<hbm>> -> memref<1x1x80x128xi32, #tpu.memory_space<hbm>>
      %dma_wait3A_70 = tpu.memref_squeeze %dma_wait3A_69 : memref<1x1x80x128xi32, #tpu.memory_space<hbm>> -> memref<80x128xi32, #tpu.memory_space<hbm>>
      tpu.wait_dma2 semaphore(%run_scoped3A : memref<!tpu.dma_semaphore, #tpu.memory_space<semaphore_mem>>) src(%dma_wait3A_70 : memref<80x128xi32, #tpu.memory_space<hbm>>) dst(%arg5 : memref<80x128xi32, #tpu.memory_space<vmem>>)
      tpu.yield
    }) : () -> ()
    %barrier3A = arith.constant 0 : index
    tpu.barrier barrier_id(%barrier3A)
    %scan3A = arith.constant 0 : i32
    %scan3A_47 = arith.constant 0 : i32
    %scan3A_48 = arith.constant 10 : i32
    %scan3A_49 = arith.addi %scan3A_47, %scan3A_48 : i32
    %scan3A_50 = arith.constant 1 : i32
    scf.for %scan3A_57 = %scan3A_47 to %scan3A_49 step %scan3A_50  : i32 {
      %mul3A_58 = arith.constant 8 : i32
      %mul3A_59 = arith.muli %mul3A_58, %scan3A_57 : i32
      %add3A = arith.constant 0 : i32
      %add3A_60 = arith.addi %mul3A_59, %add3A : i32
      %dma_start3A = arith.constant 0 : i32
      %dma_start3A_61 = tpu.memref_slice %arg5[%add3A_60, %dma_start3A] : memref<80x128xi32, #tpu.memory_space<vmem>> -> memref<1x128xi32, #tpu.memory_space<vmem>>
      %dma_start3A_62 = tpu.memref_squeeze %dma_start3A_61 : memref<1x128xi32, #tpu.memory_space<vmem>> -> memref<128xi32, #tpu.memory_space<vmem>>
      %dma_start3A_63 = arith.constant 0 : i32
      %dma_start3A_64 = tpu.memref_slice %arg7[%dma_start3A_63] : memref<10240xf32, #tpu.memory_space<vmem_shared>> -> memref<10240xf32, #tpu.memory_space<vmem_shared>>
      tpu.enqueue_indirect_dma source(%arg6 : memref<128xf32, #tpu.memory_space<vmem>>) target(%dma_start3A_64 : memref<10240xf32, #tpu.memory_space<vmem_shared>>) offsets(%dma_start3A_62 : memref<128xi32, #tpu.memory_space<vmem>>) semaphore(%arg8 : memref<!tpu.dma_semaphore, #tpu.memory_space<semaphore_mem>>) {add = true}
      %add3A_65 = arith.constant 1 : i32
      %add3A_66 = arith.addi %mul3A_59, %add3A_65 : i32
      %dma_start3A_67 = arith.constant 0 : i32
      %dma_start3A_68 = tpu.memref_slice %arg5[%add3A_66, %dma_start3A_67] : memref<80x128xi32, #tpu.memory_space<vmem>> -> memref<1x128xi32, #tpu.memory_space<vmem>>
      %dma_start3A_69 = tpu.memref_squeeze %dma_start3A_68 : memref<1x128xi32, #tpu.memory_space<vmem>> -> memref<128xi32, #tpu.memory_space<vmem>>
      %dma_start3A_70 = arith.constant 0 : i32
      %dma_start3A_71 = tpu.memref_slice %arg7[%dma_start3A_70] : memref<10240xf32, #tpu.memory_space<vmem_shared>> -> memref<10240xf32, #tpu.memory_space<vmem_shared>>
      tpu.enqueue_indirect_dma source(%arg6 : memref<128xf32, #tpu.memory_space<vmem>>) target(%dma_start3A_71 : memref<10240xf32, #tpu.memory_space<vmem_shared>>) offsets(%dma_start3A_69 : memref<128xi32, #tpu.memory_space<vmem>>) semaphore(%arg8 : memref<!tpu.dma_semaphore, #tpu.memory_space<semaphore_mem>>) {add = true}
      %add3A_72 = arith.constant 2 : i32
      %add3A_73 = arith.addi %mul3A_59, %add3A_72 : i32
      %dma_start3A_74 = arith.constant 0 : i32
      %dma_start3A_75 = tpu.memref_slice %arg5[%add3A_73, %dma_start3A_74] : memref<80x128xi32, #tpu.memory_space<vmem>> -> memref<1x128xi32, #tpu.memory_space<vmem>>
      %dma_start3A_76 = tpu.memref_squeeze %dma_start3A_75 : memref<1x128xi32, #tpu.memory_space<vmem>> -> memref<128xi32, #tpu.memory_space<vmem>>
      %dma_start3A_77 = arith.constant 0 : i32
      %dma_start3A_78 = tpu.memref_slice %arg7[%dma_start3A_77] : memref<10240xf32, #tpu.memory_space<vmem_shared>> -> memref<10240xf32, #tpu.memory_space<vmem_shared>>
      tpu.enqueue_indirect_dma source(%arg6 : memref<128xf32, #tpu.memory_space<vmem>>) target(%dma_start3A_78 : memref<10240xf32, #tpu.memory_space<vmem_shared>>) offsets(%dma_start3A_76 : memref<128xi32, #tpu.memory_space<vmem>>) semaphore(%arg8 : memref<!tpu.dma_semaphore, #tpu.memory_space<semaphore_mem>>) {add = true}
      %add3A_79 = arith.constant 3 : i32
      %add3A_80 = arith.addi %mul3A_59, %add3A_79 : i32
      %dma_start3A_81 = arith.constant 0 : i32
      %dma_start3A_82 = tpu.memref_slice %arg5[%add3A_80, %dma_start3A_81] : memref<80x128xi32, #tpu.memory_space<vmem>> -> memref<1x128xi32, #tpu.memory_space<vmem>>
      %dma_start3A_83 = tpu.memref_squeeze %dma_start3A_82 : memref<1x128xi32, #tpu.memory_space<vmem>> -> memref<128xi32, #tpu.memory_space<vmem>>
      %dma_start3A_84 = arith.constant 0 : i32
      %dma_start3A_85 = tpu.memref_slice %arg7[%dma_start3A_84] : memref<10240xf32, #tpu.memory_space<vmem_shared>> -> memref<10240xf32, #tpu.memory_space<vmem_shared>>
      tpu.enqueue_indirect_dma source(%arg6 : memref<128xf32, #tpu.memory_space<vmem>>) target(%dma_start3A_85 : memref<10240xf32, #tpu.memory_space<vmem_shared>>) offsets(%dma_start3A_83 : memref<128xi32, #tpu.memory_space<vmem>>) semaphore(%arg8 : memref<!tpu.dma_semaphore, #tpu.memory_space<semaphore_mem>>) {add = true}
      %add3A_86 = arith.constant 4 : i32
      %add3A_87 = arith.addi %mul3A_59, %add3A_86 : i32
      %dma_start3A_88 = arith.constant 0 : i32
      %dma_start3A_89 = tpu.memref_slice %arg5[%add3A_87, %dma_start3A_88] : memref<80x128xi32, #tpu.memory_space<vmem>> -> memref<1x128xi32, #tpu.memory_space<vmem>>
      %dma_start3A_90 = tpu.memref_squeeze %dma_start3A_89 : memref<1x128xi32, #tpu.memory_space<vmem>> -> memref<128xi32, #tpu.memory_space<vmem>>
      %dma_start3A_91 = arith.constant 0 : i32
      %dma_start3A_92 = tpu.memref_slice %arg7[%dma_start3A_91] : memref<10240xf32, #tpu.memory_space<vmem_shared>> -> memref<10240xf32, #tpu.memory_space<vmem_shared>>
      tpu.enqueue_indirect_dma source(%arg6 : memref<128xf32, #tpu.memory_space<vmem>>) target(%dma_start3A_92 : memref<10240xf32, #tpu.memory_space<vmem_shared>>) offsets(%dma_start3A_90 : memref<128xi32, #tpu.memory_space<vmem>>) semaphore(%arg8 : memref<!tpu.dma_semaphore, #tpu.memory_space<semaphore_mem>>) {add = true}
      %add3A_93 = arith.constant 5 : i32
      %add3A_94 = arith.addi %mul3A_59, %add3A_93 : i32
      %dma_start3A_95 = arith.constant 0 : i32
      %dma_start3A_96 = tpu.memref_slice %arg5[%add3A_94, %dma_start3A_95] : memref<80x128xi32, #tpu.memory_space<vmem>> -> memref<1x128xi32, #tpu.memory_space<vmem>>
      %dma_start3A_97 = tpu.memref_squeeze %dma_start3A_96 : memref<1x128xi32, #tpu.memory_space<vmem>> -> memref<128xi32, #tpu.memory_space<vmem>>
      %dma_start3A_98 = arith.constant 0 : i32
      %dma_start3A_99 = tpu.memref_slice %arg7[%dma_start3A_98] : memref<10240xf32, #tpu.memory_space<vmem_shared>> -> memref<10240xf32, #tpu.memory_space<vmem_shared>>
      tpu.enqueue_indirect_dma source(%arg6 : memref<128xf32, #tpu.memory_space<vmem>>) target(%dma_start3A_99 : memref<10240xf32, #tpu.memory_space<vmem_shared>>) offsets(%dma_start3A_97 : memref<128xi32, #tpu.memory_space<vmem>>) semaphore(%arg8 : memref<!tpu.dma_semaphore, #tpu.memory_space<semaphore_mem>>) {add = true}
      %add3A_100 = arith.constant 6 : i32
      %add3A_101 = arith.addi %mul3A_59, %add3A_100 : i32
      %dma_start3A_102 = arith.constant 0 : i32
      %dma_start3A_103 = tpu.memref_slice %arg5[%add3A_101, %dma_start3A_102] : memref<80x128xi32, #tpu.memory_space<vmem>> -> memref<1x128xi32, #tpu.memory_space<vmem>>
      %dma_start3A_104 = tpu.memref_squeeze %dma_start3A_103 : memref<1x128xi32, #tpu.memory_space<vmem>> -> memref<128xi32, #tpu.memory_space<vmem>>
      %dma_start3A_105 = arith.constant 0 : i32
      %dma_start3A_106 = tpu.memref_slice %arg7[%dma_start3A_105] : memref<10240xf32, #tpu.memory_space<vmem_shared>> -> memref<10240xf32, #tpu.memory_space<vmem_shared>>
      tpu.enqueue_indirect_dma source(%arg6 : memref<128xf32, #tpu.memory_space<vmem>>) target(%dma_start3A_106 : memref<10240xf32, #tpu.memory_space<vmem_shared>>) offsets(%dma_start3A_104 : memref<128xi32, #tpu.memory_space<vmem>>) semaphore(%arg8 : memref<!tpu.dma_semaphore, #tpu.memory_space<semaphore_mem>>) {add = true}
      %add3A_107 = arith.constant 7 : i32
      %add3A_108 = arith.addi %mul3A_59, %add3A_107 : i32
      %dma_start3A_109 = arith.constant 0 : i32
      %dma_start3A_110 = tpu.memref_slice %arg5[%add3A_108, %dma_start3A_109] : memref<80x128xi32, #tpu.memory_space<vmem>> -> memref<1x128xi32, #tpu.memory_space<vmem>>
      %dma_start3A_111 = tpu.memref_squeeze %dma_start3A_110 : memref<1x128xi32, #tpu.memory_space<vmem>> -> memref<128xi32, #tpu.memory_space<vmem>>
      %dma_start3A_112 = arith.constant 0 : i32
      %dma_start3A_113 = tpu.memref_slice %arg7[%dma_start3A_112] : memref<10240xf32, #tpu.memory_space<vmem_shared>> -> memref<10240xf32, #tpu.memory_space<vmem_shared>>
      tpu.enqueue_indirect_dma source(%arg6 : memref<128xf32, #tpu.memory_space<vmem>>) target(%dma_start3A_113 : memref<10240xf32, #tpu.memory_space<vmem_shared>>) offsets(%dma_start3A_111 : memref<128xi32, #tpu.memory_space<vmem>>) semaphore(%arg8 : memref<!tpu.dma_semaphore, #tpu.memory_space<semaphore_mem>>) {add = true}
      %dma_wait3A = arith.constant 0 : i32
      %dma_wait3A_114 = arith.constant 0 : i32
      %dma_wait3A_115 = tpu.memref_slice %arg5[%dma_wait3A, %dma_wait3A_114] : memref<80x128xi32, #tpu.memory_space<vmem>> -> memref<1x128xi32, #tpu.memory_space<vmem>>
      %dma_wait3A_116 = tpu.memref_squeeze %dma_wait3A_115 : memref<1x128xi32, #tpu.memory_space<vmem>> -> memref<128xi32, #tpu.memory_space<vmem>>
      %dma_wait3A_117 = arith.constant 0 : i32
      %dma_wait3A_118 = tpu.memref_slice %arg7[%dma_wait3A_117] : memref<10240xf32, #tpu.memory_space<vmem_shared>> -> memref<10240xf32, #tpu.memory_space<vmem_shared>>
      tpu.wait_indirect_dma semaphore(%arg8 : memref<!tpu.dma_semaphore, #tpu.memory_space<semaphore_mem>>) src(%arg6 : memref<128xf32, #tpu.memory_space<vmem>>) dst(%dma_wait3A_118 : memref<10240xf32, #tpu.memory_space<vmem_shared>>)
      %dma_wait3A_119 = arith.constant 0 : i32
      %dma_wait3A_120 = arith.constant 0 : i32
      %dma_wait3A_121 = tpu.memref_slice %arg5[%dma_wait3A_119, %dma_wait3A_120] : memref<80x128xi32, #tpu.memory_space<vmem>> -> memref<1x128xi32, #tpu.memory_space<vmem>>
      %dma_wait3A_122 = tpu.memref_squeeze %dma_wait3A_121 : memref<1x128xi32, #tpu.memory_space<vmem>> -> memref<128xi32, #tpu.memory_space<vmem>>
      %dma_wait3A_123 = arith.constant 0 : i32
      %dma_wait3A_124 = tpu.memref_slice %arg7[%dma_wait3A_123] : memref<10240xf32, #tpu.memory_space<vmem_shared>> -> memref<10240xf32, #tpu.memory_space<vmem_shared>>
      tpu.wait_indirect_dma semaphore(%arg8 : memref<!tpu.dma_semaphore, #tpu.memory_space<semaphore_mem>>) src(%arg6 : memref<128xf32, #tpu.memory_space<vmem>>) dst(%dma_wait3A_124 : memref<10240xf32, #tpu.memory_space<vmem_shared>>)
      %dma_wait3A_125 = arith.constant 0 : i32
      %dma_wait3A_126 = arith.constant 0 : i32
      %dma_wait3A_127 = tpu.memref_slice %arg5[%dma_wait3A_125, %dma_wait3A_126] : memref<80x128xi32, #tpu.memory_space<vmem>> -> memref<1x128xi32, #tpu.memory_space<vmem>>
      %dma_wait3A_128 = tpu.memref_squeeze %dma_wait3A_127 : memref<1x128xi32, #tpu.memory_space<vmem>> -> memref<128xi32, #tpu.memory_space<vmem>>
      %dma_wait3A_129 = arith.constant 0 : i32
      %dma_wait3A_130 = tpu.memref_slice %arg7[%dma_wait3A_129] : memref<10240xf32, #tpu.memory_space<vmem_shared>> -> memref<10240xf32, #tpu.memory_space<vmem_shared>>
      tpu.wait_indirect_dma semaphore(%arg8 : memref<!tpu.dma_semaphore, #tpu.memory_space<semaphore_mem>>) src(%arg6 : memref<128xf32, #tpu.memory_space<vmem>>) dst(%dma_wait3A_130 : memref<10240xf32, #tpu.memory_space<vmem_shared>>)
      %dma_wait3A_131 = arith.constant 0 : i32
      %dma_wait3A_132 = arith.constant 0 : i32
      %dma_wait3A_133 = tpu.memref_slice %arg5[%dma_wait3A_131, %dma_wait3A_132] : memref<80x128xi32, #tpu.memory_space<vmem>> -> memref<1x128xi32, #tpu.memory_space<vmem>>
      %dma_wait3A_134 = tpu.memref_squeeze %dma_wait3A_133 : memref<1x128xi32, #tpu.memory_space<vmem>> -> memref<128xi32, #tpu.memory_space<vmem>>
      %dma_wait3A_135 = arith.constant 0 : i32
      %dma_wait3A_136 = tpu.memref_slice %arg7[%dma_wait3A_135] : memref<10240xf32, #tpu.memory_space<vmem_shared>> -> memref<10240xf32, #tpu.memory_space<vmem_shared>>
      tpu.wait_indirect_dma semaphore(%arg8 : memref<!tpu.dma_semaphore, #tpu.memory_space<semaphore_mem>>) src(%arg6 : memref<128xf32, #tpu.memory_space<vmem>>) dst(%dma_wait3A_136 : memref<10240xf32, #tpu.memory_space<vmem_shared>>)
      %dma_wait3A_137 = arith.constant 0 : i32
      %dma_wait3A_138 = arith.constant 0 : i32
      %dma_wait3A_139 = tpu.memref_slice %arg5[%dma_wait3A_137, %dma_wait3A_138] : memref<80x128xi32, #tpu.memory_space<vmem>> -> memref<1x128xi32, #tpu.memory_space<vmem>>
      %dma_wait3A_140 = tpu.memref_squeeze %dma_wait3A_139 : memref<1x128xi32, #tpu.memory_space<vmem>> -> memref<128xi32, #tpu.memory_space<vmem>>
      %dma_wait3A_141 = arith.constant 0 : i32
      %dma_wait3A_142 = tpu.memref_slice %arg7[%dma_wait3A_141] : memref<10240xf32, #tpu.memory_space<vmem_shared>> -> memref<10240xf32, #tpu.memory_space<vmem_shared>>
      tpu.wait_indirect_dma semaphore(%arg8 : memref<!tpu.dma_semaphore, #tpu.memory_space<semaphore_mem>>) src(%arg6 : memref<128xf32, #tpu.memory_space<vmem>>) dst(%dma_wait3A_142 : memref<10240xf32, #tpu.memory_space<vmem_shared>>)
      %dma_wait3A_143 = arith.constant 0 : i32
      %dma_wait3A_144 = arith.constant 0 : i32
      %dma_wait3A_145 = tpu.memref_slice %arg5[%dma_wait3A_143, %dma_wait3A_144] : memref<80x128xi32, #tpu.memory_space<vmem>> -> memref<1x128xi32, #tpu.memory_space<vmem>>
      %dma_wait3A_146 = tpu.memref_squeeze %dma_wait3A_145 : memref<1x128xi32, #tpu.memory_space<vmem>> -> memref<128xi32, #tpu.memory_space<vmem>>
      %dma_wait3A_147 = arith.constant 0 : i32
      %dma_wait3A_148 = tpu.memref_slice %arg7[%dma_wait3A_147] : memref<10240xf32, #tpu.memory_space<vmem_shared>> -> memref<10240xf32, #tpu.memory_space<vmem_shared>>
      tpu.wait_indirect_dma semaphore(%arg8 : memref<!tpu.dma_semaphore, #tpu.memory_space<semaphore_mem>>) src(%arg6 : memref<128xf32, #tpu.memory_space<vmem>>) dst(%dma_wait3A_148 : memref<10240xf32, #tpu.memory_space<vmem_shared>>)
      %dma_wait3A_149 = arith.constant 0 : i32
      %dma_wait3A_150 = arith.constant 0 : i32
      %dma_wait3A_151 = tpu.memref_slice %arg5[%dma_wait3A_149, %dma_wait3A_150] : memref<80x128xi32, #tpu.memory_space<vmem>> -> memref<1x128xi32, #tpu.memory_space<vmem>>
      %dma_wait3A_152 = tpu.memref_squeeze %dma_wait3A_151 : memref<1x128xi32, #tpu.memory_space<vmem>> -> memref<128xi32, #tpu.memory_space<vmem>>
      %dma_wait3A_153 = arith.constant 0 : i32
      %dma_wait3A_154 = tpu.memref_slice %arg7[%dma_wait3A_153] : memref<10240xf32, #tpu.memory_space<vmem_shared>> -> memref<10240xf32, #tpu.memory_space<vmem_shared>>
      tpu.wait_indirect_dma semaphore(%arg8 : memref<!tpu.dma_semaphore, #tpu.memory_space<semaphore_mem>>) src(%arg6 : memref<128xf32, #tpu.memory_space<vmem>>) dst(%dma_wait3A_154 : memref<10240xf32, #tpu.memory_space<vmem_shared>>)
      %dma_wait3A_155 = arith.constant 0 : i32
      %dma_wait3A_156 = arith.constant 0 : i32
      %dma_wait3A_157 = tpu.memref_slice %arg5[%dma_wait3A_155, %dma_wait3A_156] : memref<80x128xi32, #tpu.memory_space<vmem>> -> memref<1x128xi32, #tpu.memory_space<vmem>>
      %dma_wait3A_158 = tpu.memref_squeeze %dma_wait3A_157 : memref<1x128xi32, #tpu.memory_space<vmem>> -> memref<128xi32, #tpu.memory_space<vmem>>
      %dma_wait3A_159 = arith.constant 0 : i32
      %dma_wait3A_160 = tpu.memref_slice %arg7[%dma_wait3A_159] : memref<10240xf32, #tpu.memory_space<vmem_shared>> -> memref<10240xf32, #tpu.memory_space<vmem_shared>>
      tpu.wait_indirect_dma semaphore(%arg8 : memref<!tpu.dma_semaphore, #tpu.memory_space<semaphore_mem>>) src(%arg6 : memref<128xf32, #tpu.memory_space<vmem>>) dst(%dma_wait3A_160 : memref<10240xf32, #tpu.memory_space<vmem_shared>>)
    }
    %scan3A_51 = arith.constant 10 : i32
    %barrier3A_52 = arith.constant 0 : index
    tpu.barrier barrier_id(%barrier3A_52)
    %mul3A_53 = arith.constant 640 : i32
    %mul3A_54 = arith.muli %arg1, %mul3A_53 : i32
    %mul3A_55 = arith.constant 640 : i32
    %mul3A_56 = arith.muli %arg1, %mul3A_55 : i32
    "tpu.region"() ({
      %run_scoped3A = tpu.sem_alloc : memref<!tpu.dma_semaphore, #tpu.memory_space<semaphore_mem>>
      %dma_start3A = arith.constant 0 : i32
      %dma_start3A_57 = tpu.memref_slice %arg4[%arg0, %dma_start3A] : memref<2x10240xf32, #tpu.memory_space<hbm>> -> memref<1x10240xf32, #tpu.memory_space<hbm>>
      %dma_start3A_58 = tpu.memref_squeeze %dma_start3A_57 : memref<1x10240xf32, #tpu.memory_space<hbm>> -> memref<10240xf32, #tpu.memory_space<hbm>>
      %dma_start3A_59 = tpu.memref_slice %dma_start3A_58[%mul3A_56] : memref<10240xf32, #tpu.memory_space<hbm>> -> memref<640xf32, #tpu.memory_space<hbm>>
      %dma_start3A_60 = tpu.memref_slice %arg7[%mul3A_54] : memref<10240xf32, #tpu.memory_space<vmem_shared>> -> memref<640xf32, #tpu.memory_space<vmem_shared>>
      tpu.enqueue_dma source(%dma_start3A_60 : memref<640xf32, #tpu.memory_space<vmem_shared>>) target(%dma_start3A_59 : memref<640xf32, #tpu.memory_space<hbm>>) target_semaphore(%run_scoped3A : memref<!tpu.dma_semaphore, #tpu.memory_space<semaphore_mem>>)
      %dma_wait3A = arith.constant 0 : i32
      %dma_wait3A_61 = tpu.memref_slice %arg4[%arg0, %dma_wait3A] : memref<2x10240xf32, #tpu.memory_space<hbm>> -> memref<1x10240xf32, #tpu.memory_space<hbm>>
      %dma_wait3A_62 = tpu.memref_squeeze %dma_wait3A_61 : memref<1x10240xf32, #tpu.memory_space<hbm>> -> memref<10240xf32, #tpu.memory_space<hbm>>
      %dma_wait3A_63 = tpu.memref_slice %dma_wait3A_62[%mul3A_56] : memref<10240xf32, #tpu.memory_space<hbm>> -> memref<640xf32, #tpu.memory_space<hbm>>
      %dma_wait3A_64 = tpu.memref_slice %arg7[%mul3A_54] : memref<10240xf32, #tpu.memory_space<vmem_shared>> -> memref<640xf32, #tpu.memory_space<vmem_shared>>
      tpu.wait_dma2 semaphore(%run_scoped3A : memref<!tpu.dma_semaphore, #tpu.memory_space<semaphore_mem>>) src(%dma_wait3A_64 : memref<640xf32, #tpu.memory_space<vmem_shared>>) dst(%dma_wait3A_63 : memref<640xf32, #tpu.memory_space<hbm>>)
      tpu.yield
    }) : () -> ()
    return
  }
}

#map = affine_map<(d0, d1) -> (0, 0, 0)>
#map1 = affine_map<(d0, d1) -> (0, 0)>
module attributes {stable_mosaic.version = 14 : i64} {
  func.func @segsum(%arg0: i32, %arg1: i32, %arg2: memref<16x160x128xi32, #tpu.memory_space<hbm>>, %arg3: memref<16x160x128xi32, #tpu.memory_space<hbm>>, %arg4: memref<20000x64xf32, #tpu.memory_space<hbm>>, %arg5: memref<632x64xf32, #tpu.memory_space<hbm>>, %arg6: memref<2x10112x64xf32, #tpu.memory_space<hbm>>, %arg7: memref<80x128xi32, #tpu.memory_space<vmem>>, %arg8: memref<80x128xi32, #tpu.memory_space<vmem>>, %arg9: memref<128x64xf32, #tpu.memory_space<vmem>>, %arg10: memref<128x64xf32, #tpu.memory_space<vmem>>, %arg11: memref<10112x64xf32, #tpu.memory_space<vmem_shared>>, %arg12: memref<10000x64xf32, #tpu.memory_space<vmem_shared>>, %arg13: memref<!tpu.dma_semaphore, #tpu.memory_space<semaphore_mem>>, %arg14: memref<!tpu.dma_semaphore, #tpu.memory_space<semaphore_mem>>) attributes {dimension_semantics = [#tpu.dimension_semantics<core_parallel>, #tpu.dimension_semantics<subcore_parallel>], iteration_bounds = array<i64: 2, 16>, scalar_prefetch = 0 : i64, scratch_operands = 8 : i64, tpu.core_type = #tpu.core_type<sc_vector_subcore>, window_params = [{transform_indices = #map}, {transform_indices = #map}, {transform_indices = #map1}, {transform_indices = #map1}, {transform_indices = #map}]} {
    %mul3A = arith.constant 632 : i32
    %mul3A_0 = arith.muli %arg1, %mul3A : i32
    "tpu.region"() ({
      %run_scoped3A = tpu.sem_alloc : memref<!tpu.dma_semaphore, #tpu.memory_space<semaphore_mem>>
      %dma_start3A_36 = arith.constant 0 : i32
      %dma_start3A_37 = tpu.memref_slice %arg11[%mul3A_0, %dma_start3A_36] : memref<10112x64xf32, #tpu.memory_space<vmem_shared>> -> memref<632x64xf32, #tpu.memory_space<vmem_shared>>
      tpu.enqueue_dma source(%arg5 : memref<632x64xf32, #tpu.memory_space<hbm>>) target(%dma_start3A_37 : memref<632x64xf32, #tpu.memory_space<vmem_shared>>) target_semaphore(%run_scoped3A : memref<!tpu.dma_semaphore, #tpu.memory_space<semaphore_mem>>)
      %dma_wait3A = arith.constant 0 : i32
      %dma_wait3A_38 = tpu.memref_slice %arg11[%mul3A_0, %dma_wait3A] : memref<10112x64xf32, #tpu.memory_space<vmem_shared>> -> memref<632x64xf32, #tpu.memory_space<vmem_shared>>
      tpu.wait_dma2 semaphore(%run_scoped3A : memref<!tpu.dma_semaphore, #tpu.memory_space<semaphore_mem>>) src(%arg5 : memref<632x64xf32, #tpu.memory_space<hbm>>) dst(%dma_wait3A_38 : memref<632x64xf32, #tpu.memory_space<vmem_shared>>)
      tpu.yield
    }) : () -> ()
    %mul3A_1 = arith.constant 10000 : i32
    %mul3A_2 = arith.muli %arg0, %mul3A_1 : i32
    %mul3A_3 = arith.constant 625 : i32
    %mul3A_4 = arith.muli %arg1, %mul3A_3 : i32
    %add3A = arith.addi %mul3A_2, %mul3A_4 : i32
    %mul3A_5 = arith.constant 625 : i32
    %mul3A_6 = arith.muli %arg1, %mul3A_5 : i32
    "tpu.region"() ({
      %run_scoped3A = tpu.sem_alloc : memref<!tpu.dma_semaphore, #tpu.memory_space<semaphore_mem>>
      %dma_start3A_36 = arith.constant 0 : i32
      %dma_start3A_37 = tpu.memref_slice %arg12[%mul3A_6, %dma_start3A_36] : memref<10000x64xf32, #tpu.memory_space<vmem_shared>> -> memref<625x64xf32, #tpu.memory_space<vmem_shared>>
      %dma_start3A_38 = arith.constant 0 : i32
      %dma_start3A_39 = tpu.memref_slice %arg4[%add3A, %dma_start3A_38] : memref<20000x64xf32, #tpu.memory_space<hbm>> -> memref<625x64xf32, #tpu.memory_space<hbm>>
      tpu.enqueue_dma source(%dma_start3A_39 : memref<625x64xf32, #tpu.memory_space<hbm>>) target(%dma_start3A_37 : memref<625x64xf32, #tpu.memory_space<vmem_shared>>) target_semaphore(%run_scoped3A : memref<!tpu.dma_semaphore, #tpu.memory_space<semaphore_mem>>)
      %dma_wait3A = arith.constant 0 : i32
      %dma_wait3A_40 = tpu.memref_slice %arg12[%mul3A_6, %dma_wait3A] : memref<10000x64xf32, #tpu.memory_space<vmem_shared>> -> memref<625x64xf32, #tpu.memory_space<vmem_shared>>
      %dma_wait3A_41 = arith.constant 0 : i32
      %dma_wait3A_42 = tpu.memref_slice %arg4[%add3A, %dma_wait3A_41] : memref<20000x64xf32, #tpu.memory_space<hbm>> -> memref<625x64xf32, #tpu.memory_space<hbm>>
      tpu.wait_dma2 semaphore(%run_scoped3A : memref<!tpu.dma_semaphore, #tpu.memory_space<semaphore_mem>>) src(%dma_wait3A_42 : memref<625x64xf32, #tpu.memory_space<hbm>>) dst(%dma_wait3A_40 : memref<625x64xf32, #tpu.memory_space<vmem_shared>>)
      tpu.yield
    }) : () -> ()
    %barrier3A = arith.constant 0 : index
    tpu.barrier barrier_id(%barrier3A)
    "tpu.region"() ({
      %run_scoped3A = tpu.sem_alloc : memref<!tpu.dma_semaphore, #tpu.memory_space<semaphore_mem>>
      %dma_start3A_36 = arith.constant 0 : i32
      %dma_start3A_37 = arith.constant 0 : i32
      %dma_start3A_38 = tpu.memref_slice %arg2[%arg1, %dma_start3A_36, %dma_start3A_37] : memref<16x160x128xi32, #tpu.memory_space<hbm>> -> memref<1x160x128xi32, #tpu.memory_space<hbm>>
      %dma_start3A_39 = tpu.memref_squeeze %dma_start3A_38 : memref<1x160x128xi32, #tpu.memory_space<hbm>> -> memref<160x128xi32, #tpu.memory_space<hbm>>
      %dma_start3A_40 = arith.constant 0 : i32
      %dma_start3A_41 = arith.constant 0 : i32
      %dma_start3A_42 = tpu.memref_slice %dma_start3A_39[%dma_start3A_40, %dma_start3A_41] : memref<160x128xi32, #tpu.memory_space<hbm>> -> memref<80x128xi32, #tpu.memory_space<hbm>>
      %dma_start3A_43 = arith.constant 0 : i32
      %dma_start3A_44 = arith.constant 0 : i32
      %dma_start3A_45 = tpu.memref_slice %arg2[%arg1, %dma_start3A_43, %dma_start3A_44] : memref<16x160x128xi32, #tpu.memory_space<hbm>> -> memref<1x160x128xi32, #tpu.memory_space<hbm>>
      %dma_start3A_46 = tpu.memref_squeeze %dma_start3A_45 : memref<1x160x128xi32, #tpu.memory_space<hbm>> -> memref<160x128xi32, #tpu.memory_space<hbm>>
      %dma_start3A_47 = arith.constant 0 : i32
      %dma_start3A_48 = arith.constant 0 : i32
      %dma_start3A_49 = tpu.memref_slice %dma_start3A_46[%dma_start3A_47, %dma_start3A_48] : memref<160x128xi32, #tpu.memory_space<hbm>> -> memref<80x128xi32, #tpu.memory_space<hbm>>
      tpu.enqueue_dma source(%dma_start3A_49 : memref<80x128xi32, #tpu.memory_space<hbm>>) target(%arg7 : memref<80x128xi32, #tpu.memory_space<vmem>>) target_semaphore(%run_scoped3A : memref<!tpu.dma_semaphore, #tpu.memory_space<semaphore_mem>>)
      %dma_wait3A = arith.constant 0 : i32
      %dma_wait3A_50 = arith.constant 0 : i32
      %dma_wait3A_51 = tpu.memref_slice %arg2[%arg1, %dma_wait3A, %dma_wait3A_50] : memref<16x160x128xi32, #tpu.memory_space<hbm>> -> memref<1x160x128xi32, #tpu.memory_space<hbm>>
      %dma_wait3A_52 = tpu.memref_squeeze %dma_wait3A_51 : memref<1x160x128xi32, #tpu.memory_space<hbm>> -> memref<160x128xi32, #tpu.memory_space<hbm>>
      %dma_wait3A_53 = arith.constant 0 : i32
      %dma_wait3A_54 = arith.constant 0 : i32
      %dma_wait3A_55 = tpu.memref_slice %dma_wait3A_52[%dma_wait3A_53, %dma_wait3A_54] : memref<160x128xi32, #tpu.memory_space<hbm>> -> memref<80x128xi32, #tpu.memory_space<hbm>>
      %dma_wait3A_56 = arith.constant 0 : i32
      %dma_wait3A_57 = arith.constant 0 : i32
      %dma_wait3A_58 = tpu.memref_slice %arg2[%arg1, %dma_wait3A_56, %dma_wait3A_57] : memref<16x160x128xi32, #tpu.memory_space<hbm>> -> memref<1x160x128xi32, #tpu.memory_space<hbm>>
      %dma_wait3A_59 = tpu.memref_squeeze %dma_wait3A_58 : memref<1x160x128xi32, #tpu.memory_space<hbm>> -> memref<160x128xi32, #tpu.memory_space<hbm>>
      %dma_wait3A_60 = arith.constant 0 : i32
      %dma_wait3A_61 = arith.constant 0 : i32
      %dma_wait3A_62 = tpu.memref_slice %dma_wait3A_59[%dma_wait3A_60, %dma_wait3A_61] : memref<160x128xi32, #tpu.memory_space<hbm>> -> memref<80x128xi32, #tpu.memory_space<hbm>>
      tpu.wait_dma2 semaphore(%run_scoped3A : memref<!tpu.dma_semaphore, #tpu.memory_space<semaphore_mem>>) src(%dma_wait3A_62 : memref<80x128xi32, #tpu.memory_space<hbm>>) dst(%arg7 : memref<80x128xi32, #tpu.memory_space<vmem>>)
      tpu.yield
    }) : () -> ()
    "tpu.region"() ({
      %run_scoped3A = tpu.sem_alloc : memref<!tpu.dma_semaphore, #tpu.memory_space<semaphore_mem>>
      %dma_start3A_36 = arith.constant 0 : i32
      %dma_start3A_37 = arith.constant 0 : i32
      %dma_start3A_38 = tpu.memref_slice %arg3[%arg1, %dma_start3A_36, %dma_start3A_37] : memref<16x160x128xi32, #tpu.memory_space<hbm>> -> memref<1x160x128xi32, #tpu.memory_space<hbm>>
      %dma_start3A_39 = tpu.memref_squeeze %dma_start3A_38 : memref<1x160x128xi32, #tpu.memory_space<hbm>> -> memref<160x128xi32, #tpu.memory_space<hbm>>
      %dma_start3A_40 = arith.constant 0 : i32
      %dma_start3A_41 = arith.constant 0 : i32
      %dma_start3A_42 = tpu.memref_slice %dma_start3A_39[%dma_start3A_40, %dma_start3A_41] : memref<160x128xi32, #tpu.memory_space<hbm>> -> memref<80x128xi32, #tpu.memory_space<hbm>>
      %dma_start3A_43 = arith.constant 0 : i32
      %dma_start3A_44 = arith.constant 0 : i32
      %dma_start3A_45 = tpu.memref_slice %arg3[%arg1, %dma_start3A_43, %dma_start3A_44] : memref<16x160x128xi32, #tpu.memory_space<hbm>> -> memref<1x160x128xi32, #tpu.memory_space<hbm>>
      %dma_start3A_46 = tpu.memref_squeeze %dma_start3A_45 : memref<1x160x128xi32, #tpu.memory_space<hbm>> -> memref<160x128xi32, #tpu.memory_space<hbm>>
      %dma_start3A_47 = arith.constant 0 : i32
      %dma_start3A_48 = arith.constant 0 : i32
      %dma_start3A_49 = tpu.memref_slice %dma_start3A_46[%dma_start3A_47, %dma_start3A_48] : memref<160x128xi32, #tpu.memory_space<hbm>> -> memref<80x128xi32, #tpu.memory_space<hbm>>
      tpu.enqueue_dma source(%dma_start3A_49 : memref<80x128xi32, #tpu.memory_space<hbm>>) target(%arg8 : memref<80x128xi32, #tpu.memory_space<vmem>>) target_semaphore(%run_scoped3A : memref<!tpu.dma_semaphore, #tpu.memory_space<semaphore_mem>>)
      %dma_wait3A = arith.constant 0 : i32
      %dma_wait3A_50 = arith.constant 0 : i32
      %dma_wait3A_51 = tpu.memref_slice %arg3[%arg1, %dma_wait3A, %dma_wait3A_50] : memref<16x160x128xi32, #tpu.memory_space<hbm>> -> memref<1x160x128xi32, #tpu.memory_space<hbm>>
      %dma_wait3A_52 = tpu.memref_squeeze %dma_wait3A_51 : memref<1x160x128xi32, #tpu.memory_space<hbm>> -> memref<160x128xi32, #tpu.memory_space<hbm>>
      %dma_wait3A_53 = arith.constant 0 : i32
      %dma_wait3A_54 = arith.constant 0 : i32
      %dma_wait3A_55 = tpu.memref_slice %dma_wait3A_52[%dma_wait3A_53, %dma_wait3A_54] : memref<160x128xi32, #tpu.memory_space<hbm>> -> memref<80x128xi32, #tpu.memory_space<hbm>>
      %dma_wait3A_56 = arith.constant 0 : i32
      %dma_wait3A_57 = arith.constant 0 : i32
      %dma_wait3A_58 = tpu.memref_slice %arg3[%arg1, %dma_wait3A_56, %dma_wait3A_57] : memref<16x160x128xi32, #tpu.memory_space<hbm>> -> memref<1x160x128xi32, #tpu.memory_space<hbm>>
      %dma_wait3A_59 = tpu.memref_squeeze %dma_wait3A_58 : memref<1x160x128xi32, #tpu.memory_space<hbm>> -> memref<160x128xi32, #tpu.memory_space<hbm>>
      %dma_wait3A_60 = arith.constant 0 : i32
      %dma_wait3A_61 = arith.constant 0 : i32
      %dma_wait3A_62 = tpu.memref_slice %dma_wait3A_59[%dma_wait3A_60, %dma_wait3A_61] : memref<160x128xi32, #tpu.memory_space<hbm>> -> memref<80x128xi32, #tpu.memory_space<hbm>>
      tpu.wait_dma2 semaphore(%run_scoped3A : memref<!tpu.dma_semaphore, #tpu.memory_space<semaphore_mem>>) src(%dma_wait3A_62 : memref<80x128xi32, #tpu.memory_space<hbm>>) dst(%arg8 : memref<80x128xi32, #tpu.memory_space<vmem>>)
      tpu.yield
    }) : () -> ()
    %dma_start3A = arith.constant 0 : i32
    %dma_start3A_7 = arith.constant 0 : i32
    %dma_start3A_8 = tpu.memref_slice %arg7[%dma_start3A, %dma_start3A_7] : memref<80x128xi32, #tpu.memory_space<vmem>> -> memref<1x128xi32, #tpu.memory_space<vmem>>
    %dma_start3A_9 = tpu.memref_squeeze %dma_start3A_8 : memref<1x128xi32, #tpu.memory_space<vmem>> -> memref<128xi32, #tpu.memory_space<vmem>>
    %dma_start3A_10 = arith.constant 0 : i32
    %dma_start3A_11 = arith.constant 0 : i32
    %dma_start3A_12 = tpu.memref_slice %arg12[%dma_start3A_10, %dma_start3A_11] : memref<10000x64xf32, #tpu.memory_space<vmem_shared>> -> memref<10000x64xf32, #tpu.memory_space<vmem_shared>>
    tpu.enqueue_indirect_dma source(%dma_start3A_12 : memref<10000x64xf32, #tpu.memory_space<vmem_shared>>) target(%arg9 : memref<128x64xf32, #tpu.memory_space<vmem>>) offsets(%dma_start3A_9 : memref<128xi32, #tpu.memory_space<vmem>>) semaphore(%arg13 : memref<!tpu.dma_semaphore, #tpu.memory_space<semaphore_mem>>)
    %scan3A = arith.constant 0 : i32
    %scan3A_13 = arith.constant 0 : i32
    %scan3A_14 = arith.constant 40 : i32
    %scan3A_15 = arith.addi %scan3A_13, %scan3A_14 : i32
    %scan3A_16 = arith.constant 1 : i32
    scf.for %scan3A_36 = %scan3A_13 to %scan3A_15 step %scan3A_16  : i32 {
      %mul3A_37 = arith.constant 2 : i32
      %mul3A_38 = arith.muli %mul3A_37, %scan3A_36 : i32
      %add3A_39 = arith.constant 1 : i32
      %add3A_40 = arith.addi %mul3A_38, %add3A_39 : i32
      %dma_start3A_41 = arith.constant 0 : i32
      %dma_start3A_42 = tpu.memref_slice %arg7[%add3A_40, %dma_start3A_41] : memref<80x128xi32, #tpu.memory_space<vmem>> -> memref<1x128xi32, #tpu.memory_space<vmem>>
      %dma_start3A_43 = tpu.memref_squeeze %dma_start3A_42 : memref<1x128xi32, #tpu.memory_space<vmem>> -> memref<128xi32, #tpu.memory_space<vmem>>
      %dma_start3A_44 = arith.constant 0 : i32
      %dma_start3A_45 = arith.constant 0 : i32
      %dma_start3A_46 = tpu.memref_slice %arg12[%dma_start3A_44, %dma_start3A_45] : memref<10000x64xf32, #tpu.memory_space<vmem_shared>> -> memref<10000x64xf32, #tpu.memory_space<vmem_shared>>
      tpu.enqueue_indirect_dma source(%dma_start3A_46 : memref<10000x64xf32, #tpu.memory_space<vmem_shared>>) target(%arg10 : memref<128x64xf32, #tpu.memory_space<vmem>>) offsets(%dma_start3A_43 : memref<128xi32, #tpu.memory_space<vmem>>) semaphore(%arg14 : memref<!tpu.dma_semaphore, #tpu.memory_space<semaphore_mem>>)
      %dma_wait3A = arith.constant 0 : i32
      %dma_wait3A_47 = tpu.memref_slice %arg7[%mul3A_38, %dma_wait3A] : memref<80x128xi32, #tpu.memory_space<vmem>> -> memref<1x128xi32, #tpu.memory_space<vmem>>
      %dma_wait3A_48 = tpu.memref_squeeze %dma_wait3A_47 : memref<1x128xi32, #tpu.memory_space<vmem>> -> memref<128xi32, #tpu.memory_space<vmem>>
      %dma_wait3A_49 = arith.constant 0 : i32
      %dma_wait3A_50 = arith.constant 0 : i32
      %dma_wait3A_51 = tpu.memref_slice %arg12[%dma_wait3A_49, %dma_wait3A_50] : memref<10000x64xf32, #tpu.memory_space<vmem_shared>> -> memref<10000x64xf32, #tpu.memory_space<vmem_shared>>
      tpu.wait_indirect_dma semaphore(%arg13 : memref<!tpu.dma_semaphore, #tpu.memory_space<semaphore_mem>>) src(%dma_wait3A_51 : memref<10000x64xf32, #tpu.memory_space<vmem_shared>>) dst(%arg9 : memref<128x64xf32, #tpu.memory_space<vmem>>)
      "tpu.region"() ({
        %run_scoped3A = tpu.sem_alloc : memref<!tpu.dma_semaphore, #tpu.memory_space<semaphore_mem>>
        %dma_start3A_66 = arith.constant 0 : i32
        %dma_start3A_67 = tpu.memref_slice %arg8[%mul3A_38, %dma_start3A_66] : memref<80x128xi32, #tpu.memory_space<vmem>> -> memref<1x128xi32, #tpu.memory_space<vmem>>
        %dma_start3A_68 = tpu.memref_squeeze %dma_start3A_67 : memref<1x128xi32, #tpu.memory_space<vmem>> -> memref<128xi32, #tpu.memory_space<vmem>>
        %dma_start3A_69 = arith.constant 0 : i32
        %dma_start3A_70 = arith.constant 0 : i32
        %dma_start3A_71 = tpu.memref_slice %arg11[%dma_start3A_69, %dma_start3A_70] : memref<10112x64xf32, #tpu.memory_space<vmem_shared>> -> memref<10112x64xf32, #tpu.memory_space<vmem_shared>>
        tpu.enqueue_indirect_dma source(%arg9 : memref<128x64xf32, #tpu.memory_space<vmem>>) target(%dma_start3A_71 : memref<10112x64xf32, #tpu.memory_space<vmem_shared>>) offsets(%dma_start3A_68 : memref<128xi32, #tpu.memory_space<vmem>>) semaphore(%run_scoped3A : memref<!tpu.dma_semaphore, #tpu.memory_space<semaphore_mem>>) {add = true}
        %dma_wait3A_72 = arith.constant 0 : i32
        %dma_wait3A_73 = tpu.memref_slice %arg8[%mul3A_38, %dma_wait3A_72] : memref<80x128xi32, #tpu.memory_space<vmem>> -> memref<1x128xi32, #tpu.memory_space<vmem>>
        %dma_wait3A_74 = tpu.memref_squeeze %dma_wait3A_73 : memref<1x128xi32, #tpu.memory_space<vmem>> -> memref<128xi32, #tpu.memory_space<vmem>>
        %dma_wait3A_75 = arith.constant 0 : i32
        %dma_wait3A_76 = arith.constant 0 : i32
        %dma_wait3A_77 = tpu.memref_slice %arg11[%dma_wait3A_75, %dma_wait3A_76] : memref<10112x64xf32, #tpu.memory_space<vmem_shared>> -> memref<10112x64xf32, #tpu.memory_space<vmem_shared>>
        tpu.wait_indirect_dma semaphore(%run_scoped3A : memref<!tpu.dma_semaphore, #tpu.memory_space<semaphore_mem>>) src(%arg9 : memref<128x64xf32, #tpu.memory_space<vmem>>) dst(%dma_wait3A_77 : memref<10112x64xf32, #tpu.memory_space<vmem_shared>>)
        tpu.yield
      }) : () -> ()
      %add3A_52 = arith.constant 2 : i32
      %add3A_53 = arith.addi %mul3A_38, %add3A_52 : i32
      %lt3A = arith.constant 80 : i32
      %lt3A_54 = arith.cmpi slt, %add3A_53, %lt3A : i32
      %convert_element_type3A = arith.extui %lt3A_54 : i1 to i32
      %cond3A = arith.constant 0 : i32
      %cond3A_55 = arith.cmpi ne, %convert_element_type3A, %cond3A : i32
      scf.if %cond3A_55 {
        %add3A_66 = arith.constant 2 : i32
        %add3A_67 = arith.addi %mul3A_38, %add3A_66 : i32
        %dma_start3A_68 = arith.constant 0 : i32
        %dma_start3A_69 = tpu.memref_slice %arg7[%add3A_67, %dma_start3A_68] : memref<80x128xi32, #tpu.memory_space<vmem>> -> memref<1x128xi32, #tpu.memory_space<vmem>>
        %dma_start3A_70 = tpu.memref_squeeze %dma_start3A_69 : memref<1x128xi32, #tpu.memory_space<vmem>> -> memref<128xi32, #tpu.memory_space<vmem>>
        %dma_start3A_71 = arith.constant 0 : i32
        %dma_start3A_72 = arith.constant 0 : i32
        %dma_start3A_73 = tpu.memref_slice %arg12[%dma_start3A_71, %dma_start3A_72] : memref<10000x64xf32, #tpu.memory_space<vmem_shared>> -> memref<10000x64xf32, #tpu.memory_space<vmem_shared>>
        tpu.enqueue_indirect_dma source(%dma_start3A_73 : memref<10000x64xf32, #tpu.memory_space<vmem_shared>>) target(%arg9 : memref<128x64xf32, #tpu.memory_space<vmem>>) offsets(%dma_start3A_70 : memref<128xi32, #tpu.memory_space<vmem>>) semaphore(%arg13 : memref<!tpu.dma_semaphore, #tpu.memory_space<semaphore_mem>>)
      } else {
      }
      %add3A_56 = arith.constant 1 : i32
      %add3A_57 = arith.addi %mul3A_38, %add3A_56 : i32
      %dma_wait3A_58 = arith.constant 0 : i32
      %dma_wait3A_59 = tpu.memref_slice %arg7[%add3A_57, %dma_wait3A_58] : memref<80x128xi32, #tpu.memory_space<vmem>> -> memref<1x128xi32, #tpu.memory_space<vmem>>
      %dma_wait3A_60 = tpu.memref_squeeze %dma_wait3A_59 : memref<1x128xi32, #tpu.memory_space<vmem>> -> memref<128xi32, #tpu.memory_space<vmem>>
      %dma_wait3A_61 = arith.constant 0 : i32
      %dma_wait3A_62 = arith.constant 0 : i32
      %dma_wait3A_63 = tpu.memref_slice %arg12[%dma_wait3A_61, %dma_wait3A_62] : memref<10000x64xf32, #tpu.memory_space<vmem_shared>> -> memref<10000x64xf32, #tpu.memory_space<vmem_shared>>
      tpu.wait_indirect_dma semaphore(%arg14 : memref<!tpu.dma_semaphore, #tpu.memory_space<semaphore_mem>>) src(%dma_wait3A_63 : memref<10000x64xf32, #tpu.memory_space<vmem_shared>>) dst(%arg10 : memref<128x64xf32, #tpu.memory_space<vmem>>)
      %add3A_64 = arith.constant 1 : i32
      %add3A_65 = arith.addi %mul3A_38, %add3A_64 : i32
      "tpu.region"() ({
        %run_scoped3A = tpu.sem_alloc : memref<!tpu.dma_semaphore, #tpu.memory_space<semaphore_mem>>
        %dma_start3A_66 = arith.constant 0 : i32
        %dma_start3A_67 = tpu.memref_slice %arg8[%add3A_65, %dma_start3A_66] : memref<80x128xi32, #tpu.memory_space<vmem>> -> memref<1x128xi32, #tpu.memory_space<vmem>>
        %dma_start3A_68 = tpu.memref_squeeze %dma_start3A_67 : memref<1x128xi32, #tpu.memory_space<vmem>> -> memref<128xi32, #tpu.memory_space<vmem>>
        %dma_start3A_69 = arith.constant 0 : i32
        %dma_start3A_70 = arith.constant 0 : i32
        %dma_start3A_71 = tpu.memref_slice %arg11[%dma_start3A_69, %dma_start3A_70] : memref<10112x64xf32, #tpu.memory_space<vmem_shared>> -> memref<10112x64xf32, #tpu.memory_space<vmem_shared>>
        tpu.enqueue_indirect_dma source(%arg10 : memref<128x64xf32, #tpu.memory_space<vmem>>) target(%dma_start3A_71 : memref<10112x64xf32, #tpu.memory_space<vmem_shared>>) offsets(%dma_start3A_68 : memref<128xi32, #tpu.memory_space<vmem>>) semaphore(%run_scoped3A : memref<!tpu.dma_semaphore, #tpu.memory_space<semaphore_mem>>) {add = true}
        %dma_wait3A_72 = arith.constant 0 : i32
        %dma_wait3A_73 = tpu.memref_slice %arg8[%add3A_65, %dma_wait3A_72] : memref<80x128xi32, #tpu.memory_space<vmem>> -> memref<1x128xi32, #tpu.memory_space<vmem>>
        %dma_wait3A_74 = tpu.memref_squeeze %dma_wait3A_73 : memref<1x128xi32, #tpu.memory_space<vmem>> -> memref<128xi32, #tpu.memory_space<vmem>>
        %dma_wait3A_75 = arith.constant 0 : i32
        %dma_wait3A_76 = arith.constant 0 : i32
        %dma_wait3A_77 = tpu.memref_slice %arg11[%dma_wait3A_75, %dma_wait3A_76] : memref<10112x64xf32, #tpu.memory_space<vmem_shared>> -> memref<10112x64xf32, #tpu.memory_space<vmem_shared>>
        tpu.wait_indirect_dma semaphore(%run_scoped3A : memref<!tpu.dma_semaphore, #tpu.memory_space<semaphore_mem>>) src(%arg10 : memref<128x64xf32, #tpu.memory_space<vmem>>) dst(%dma_wait3A_77 : memref<10112x64xf32, #tpu.memory_space<vmem_shared>>)
        tpu.yield
      }) : () -> ()
    }
    %scan3A_17 = arith.constant 40 : i32
    "tpu.region"() ({
      %run_scoped3A = tpu.sem_alloc : memref<!tpu.dma_semaphore, #tpu.memory_space<semaphore_mem>>
      %dma_start3A_36 = arith.constant 0 : i32
      %dma_start3A_37 = arith.constant 0 : i32
      %dma_start3A_38 = tpu.memref_slice %arg2[%arg1, %dma_start3A_36, %dma_start3A_37] : memref<16x160x128xi32, #tpu.memory_space<hbm>> -> memref<1x160x128xi32, #tpu.memory_space<hbm>>
      %dma_start3A_39 = tpu.memref_squeeze %dma_start3A_38 : memref<1x160x128xi32, #tpu.memory_space<hbm>> -> memref<160x128xi32, #tpu.memory_space<hbm>>
      %dma_start3A_40 = arith.constant 80 : i32
      %dma_start3A_41 = arith.constant 0 : i32
      %dma_start3A_42 = tpu.memref_slice %dma_start3A_39[%dma_start3A_40, %dma_start3A_41] : memref<160x128xi32, #tpu.memory_space<hbm>> -> memref<80x128xi32, #tpu.memory_space<hbm>>
      %dma_start3A_43 = arith.constant 0 : i32
      %dma_start3A_44 = arith.constant 0 : i32
      %dma_start3A_45 = tpu.memref_slice %arg2[%arg1, %dma_start3A_43, %dma_start3A_44] : memref<16x160x128xi32, #tpu.memory_space<hbm>> -> memref<1x160x128xi32, #tpu.memory_space<hbm>>
      %dma_start3A_46 = tpu.memref_squeeze %dma_start3A_45 : memref<1x160x128xi32, #tpu.memory_space<hbm>> -> memref<160x128xi32, #tpu.memory_space<hbm>>
      %dma_start3A_47 = arith.constant 80 : i32
      %dma_start3A_48 = arith.constant 0 : i32
      %dma_start3A_49 = tpu.memref_slice %dma_start3A_46[%dma_start3A_47, %dma_start3A_48] : memref<160x128xi32, #tpu.memory_space<hbm>> -> memref<80x128xi32, #tpu.memory_space<hbm>>
      tpu.enqueue_dma source(%dma_start3A_49 : memref<80x128xi32, #tpu.memory_space<hbm>>) target(%arg7 : memref<80x128xi32, #tpu.memory_space<vmem>>) target_semaphore(%run_scoped3A : memref<!tpu.dma_semaphore, #tpu.memory_space<semaphore_mem>>)
      %dma_wait3A = arith.constant 0 : i32
      %dma_wait3A_50 = arith.constant 0 : i32
      %dma_wait3A_51 = tpu.memref_slice %arg2[%arg1, %dma_wait3A, %dma_wait3A_50] : memref<16x160x128xi32, #tpu.memory_space<hbm>> -> memref<1x160x128xi32, #tpu.memory_space<hbm>>
      %dma_wait3A_52 = tpu.memref_squeeze %dma_wait3A_51 : memref<1x160x128xi32, #tpu.memory_space<hbm>> -> memref<160x128xi32, #tpu.memory_space<hbm>>
      %dma_wait3A_53 = arith.constant 80 : i32
      %dma_wait3A_54 = arith.constant 0 : i32
      %dma_wait3A_55 = tpu.memref_slice %dma_wait3A_52[%dma_wait3A_53, %dma_wait3A_54] : memref<160x128xi32, #tpu.memory_space<hbm>> -> memref<80x128xi32, #tpu.memory_space<hbm>>
      %dma_wait3A_56 = arith.constant 0 : i32
      %dma_wait3A_57 = arith.constant 0 : i32
      %dma_wait3A_58 = tpu.memref_slice %arg2[%arg1, %dma_wait3A_56, %dma_wait3A_57] : memref<16x160x128xi32, #tpu.memory_space<hbm>> -> memref<1x160x128xi32, #tpu.memory_space<hbm>>
      %dma_wait3A_59 = tpu.memref_squeeze %dma_wait3A_58 : memref<1x160x128xi32, #tpu.memory_space<hbm>> -> memref<160x128xi32, #tpu.memory_space<hbm>>
      %dma_wait3A_60 = arith.constant 80 : i32
      %dma_wait3A_61 = arith.constant 0 : i32
      %dma_wait3A_62 = tpu.memref_slice %dma_wait3A_59[%dma_wait3A_60, %dma_wait3A_61] : memref<160x128xi32, #tpu.memory_space<hbm>> -> memref<80x128xi32, #tpu.memory_space<hbm>>
      tpu.wait_dma2 semaphore(%run_scoped3A : memref<!tpu.dma_semaphore, #tpu.memory_space<semaphore_mem>>) src(%dma_wait3A_62 : memref<80x128xi32, #tpu.memory_space<hbm>>) dst(%arg7 : memref<80x128xi32, #tpu.memory_space<vmem>>)
      tpu.yield
    }) : () -> ()
    "tpu.region"() ({
      %run_scoped3A = tpu.sem_alloc : memref<!tpu.dma_semaphore, #tpu.memory_space<semaphore_mem>>
      %dma_start3A_36 = arith.constant 0 : i32
      %dma_start3A_37 = arith.constant 0 : i32
      %dma_start3A_38 = tpu.memref_slice %arg3[%arg1, %dma_start3A_36, %dma_start3A_37] : memref<16x160x128xi32, #tpu.memory_space<hbm>> -> memref<1x160x128xi32, #tpu.memory_space<hbm>>
      %dma_start3A_39 = tpu.memref_squeeze %dma_start3A_38 : memref<1x160x128xi32, #tpu.memory_space<hbm>> -> memref<160x128xi32, #tpu.memory_space<hbm>>
      %dma_start3A_40 = arith.constant 80 : i32
      %dma_start3A_41 = arith.constant 0 : i32
      %dma_start3A_42 = tpu.memref_slice %dma_start3A_39[%dma_start3A_40, %dma_start3A_41] : memref<160x128xi32, #tpu.memory_space<hbm>> -> memref<80x128xi32, #tpu.memory_space<hbm>>
      %dma_start3A_43 = arith.constant 0 : i32
      %dma_start3A_44 = arith.constant 0 : i32
      %dma_start3A_45 = tpu.memref_slice %arg3[%arg1, %dma_start3A_43, %dma_start3A_44] : memref<16x160x128xi32, #tpu.memory_space<hbm>> -> memref<1x160x128xi32, #tpu.memory_space<hbm>>
      %dma_start3A_46 = tpu.memref_squeeze %dma_start3A_45 : memref<1x160x128xi32, #tpu.memory_space<hbm>> -> memref<160x128xi32, #tpu.memory_space<hbm>>
      %dma_start3A_47 = arith.constant 80 : i32
      %dma_start3A_48 = arith.constant 0 : i32
      %dma_start3A_49 = tpu.memref_slice %dma_start3A_46[%dma_start3A_47, %dma_start3A_48] : memref<160x128xi32, #tpu.memory_space<hbm>> -> memref<80x128xi32, #tpu.memory_space<hbm>>
      tpu.enqueue_dma source(%dma_start3A_49 : memref<80x128xi32, #tpu.memory_space<hbm>>) target(%arg8 : memref<80x128xi32, #tpu.memory_space<vmem>>) target_semaphore(%run_scoped3A : memref<!tpu.dma_semaphore, #tpu.memory_space<semaphore_mem>>)
      %dma_wait3A = arith.constant 0 : i32
      %dma_wait3A_50 = arith.constant 0 : i32
      %dma_wait3A_51 = tpu.memref_slice %arg3[%arg1, %dma_wait3A, %dma_wait3A_50] : memref<16x160x128xi32, #tpu.memory_space<hbm>> -> memref<1x160x128xi32, #tpu.memory_space<hbm>>
      %dma_wait3A_52 = tpu.memref_squeeze %dma_wait3A_51 : memref<1x160x128xi32, #tpu.memory_space<hbm>> -> memref<160x128xi32, #tpu.memory_space<hbm>>
      %dma_wait3A_53 = arith.constant 80 : i32
      %dma_wait3A_54 = arith.constant 0 : i32
      %dma_wait3A_55 = tpu.memref_slice %dma_wait3A_52[%dma_wait3A_53, %dma_wait3A_54] : memref<160x128xi32, #tpu.memory_space<hbm>> -> memref<80x128xi32, #tpu.memory_space<hbm>>
      %dma_wait3A_56 = arith.constant 0 : i32
      %dma_wait3A_57 = arith.constant 0 : i32
      %dma_wait3A_58 = tpu.memref_slice %arg3[%arg1, %dma_wait3A_56, %dma_wait3A_57] : memref<16x160x128xi32, #tpu.memory_space<hbm>> -> memref<1x160x128xi32, #tpu.memory_space<hbm>>
      %dma_wait3A_59 = tpu.memref_squeeze %dma_wait3A_58 : memref<1x160x128xi32, #tpu.memory_space<hbm>> -> memref<160x128xi32, #tpu.memory_space<hbm>>
      %dma_wait3A_60 = arith.constant 80 : i32
      %dma_wait3A_61 = arith.constant 0 : i32
      %dma_wait3A_62 = tpu.memref_slice %dma_wait3A_59[%dma_wait3A_60, %dma_wait3A_61] : memref<160x128xi32, #tpu.memory_space<hbm>> -> memref<80x128xi32, #tpu.memory_space<hbm>>
      tpu.wait_dma2 semaphore(%run_scoped3A : memref<!tpu.dma_semaphore, #tpu.memory_space<semaphore_mem>>) src(%dma_wait3A_62 : memref<80x128xi32, #tpu.memory_space<hbm>>) dst(%arg8 : memref<80x128xi32, #tpu.memory_space<vmem>>)
      tpu.yield
    }) : () -> ()
    %dma_start3A_18 = arith.constant 0 : i32
    %dma_start3A_19 = arith.constant 0 : i32
    %dma_start3A_20 = tpu.memref_slice %arg7[%dma_start3A_18, %dma_start3A_19] : memref<80x128xi32, #tpu.memory_space<vmem>> -> memref<1x128xi32, #tpu.memory_space<vmem>>
    %dma_start3A_21 = tpu.memref_squeeze %dma_start3A_20 : memref<1x128xi32, #tpu.memory_space<vmem>> -> memref<128xi32, #tpu.memory_space<vmem>>
    %dma_start3A_22 = arith.constant 0 : i32
    %dma_start3A_23 = arith.constant 0 : i32
    %dma_start3A_24 = tpu.memref_slice %arg12[%dma_start3A_22, %dma_start3A_23] : memref<10000x64xf32, #tpu.memory_space<vmem_shared>> -> memref<10000x64xf32, #tpu.memory_space<vmem_shared>>
    tpu.enqueue_indirect_dma source(%dma_start3A_24 : memref<10000x64xf32, #tpu.memory_space<vmem_shared>>) target(%arg9 : memref<128x64xf32, #tpu.memory_space<vmem>>) offsets(%dma_start3A_21 : memref<128xi32, #tpu.memory_space<vmem>>) semaphore(%arg13 : memref<!tpu.dma_semaphore, #tpu.memory_space<semaphore_mem>>)
    %scan3A_25 = arith.constant 0 : i32
    %scan3A_26 = arith.constant 0 : i32
    %scan3A_27 = arith.constant 40 : i32
    %scan3A_28 = arith.addi %scan3A_26, %scan3A_27 : i32
    %scan3A_29 = arith.constant 1 : i32
    scf.for %scan3A_36 = %scan3A_26 to %scan3A_28 step %scan3A_29  : i32 {
      %mul3A_37 = arith.constant 2 : i32
      %mul3A_38 = arith.muli %mul3A_37, %scan3A_36 : i32
      %add3A_39 = arith.constant 1 : i32
      %add3A_40 = arith.addi %mul3A_38, %add3A_39 : i32
      %dma_start3A_41 = arith.constant 0 : i32
      %dma_start3A_42 = tpu.memref_slice %arg7[%add3A_40, %dma_start3A_41] : memref<80x128xi32, #tpu.memory_space<vmem>> -> memref<1x128xi32, #tpu.memory_space<vmem>>
      %dma_start3A_43 = tpu.memref_squeeze %dma_start3A_42 : memref<1x128xi32, #tpu.memory_space<vmem>> -> memref<128xi32, #tpu.memory_space<vmem>>
      %dma_start3A_44 = arith.constant 0 : i32
      %dma_start3A_45 = arith.constant 0 : i32
      %dma_start3A_46 = tpu.memref_slice %arg12[%dma_start3A_44, %dma_start3A_45] : memref<10000x64xf32, #tpu.memory_space<vmem_shared>> -> memref<10000x64xf32, #tpu.memory_space<vmem_shared>>
      tpu.enqueue_indirect_dma source(%dma_start3A_46 : memref<10000x64xf32, #tpu.memory_space<vmem_shared>>) target(%arg10 : memref<128x64xf32, #tpu.memory_space<vmem>>) offsets(%dma_start3A_43 : memref<128xi32, #tpu.memory_space<vmem>>) semaphore(%arg14 : memref<!tpu.dma_semaphore, #tpu.memory_space<semaphore_mem>>)
      %dma_wait3A = arith.constant 0 : i32
      %dma_wait3A_47 = tpu.memref_slice %arg7[%mul3A_38, %dma_wait3A] : memref<80x128xi32, #tpu.memory_space<vmem>> -> memref<1x128xi32, #tpu.memory_space<vmem>>
      %dma_wait3A_48 = tpu.memref_squeeze %dma_wait3A_47 : memref<1x128xi32, #tpu.memory_space<vmem>> -> memref<128xi32, #tpu.memory_space<vmem>>
      %dma_wait3A_49 = arith.constant 0 : i32
      %dma_wait3A_50 = arith.constant 0 : i32
      %dma_wait3A_51 = tpu.memref_slice %arg12[%dma_wait3A_49, %dma_wait3A_50] : memref<10000x64xf32, #tpu.memory_space<vmem_shared>> -> memref<10000x64xf32, #tpu.memory_space<vmem_shared>>
      tpu.wait_indirect_dma semaphore(%arg13 : memref<!tpu.dma_semaphore, #tpu.memory_space<semaphore_mem>>) src(%dma_wait3A_51 : memref<10000x64xf32, #tpu.memory_space<vmem_shared>>) dst(%arg9 : memref<128x64xf32, #tpu.memory_space<vmem>>)
      "tpu.region"() ({
        %run_scoped3A = tpu.sem_alloc : memref<!tpu.dma_semaphore, #tpu.memory_space<semaphore_mem>>
        %dma_start3A_66 = arith.constant 0 : i32
        %dma_start3A_67 = tpu.memref_slice %arg8[%mul3A_38, %dma_start3A_66] : memref<80x128xi32, #tpu.memory_space<vmem>> -> memref<1x128xi32, #tpu.memory_space<vmem>>
        %dma_start3A_68 = tpu.memref_squeeze %dma_start3A_67 : memref<1x128xi32, #tpu.memory_space<vmem>> -> memref<128xi32, #tpu.memory_space<vmem>>
        %dma_start3A_69 = arith.constant 0 : i32
        %dma_start3A_70 = arith.constant 0 : i32
        %dma_start3A_71 = tpu.memref_slice %arg11[%dma_start3A_69, %dma_start3A_70] : memref<10112x64xf32, #tpu.memory_space<vmem_shared>> -> memref<10112x64xf32, #tpu.memory_space<vmem_shared>>
        tpu.enqueue_indirect_dma source(%arg9 : memref<128x64xf32, #tpu.memory_space<vmem>>) target(%dma_start3A_71 : memref<10112x64xf32, #tpu.memory_space<vmem_shared>>) offsets(%dma_start3A_68 : memref<128xi32, #tpu.memory_space<vmem>>) semaphore(%run_scoped3A : memref<!tpu.dma_semaphore, #tpu.memory_space<semaphore_mem>>) {add = true}
        %dma_wait3A_72 = arith.constant 0 : i32
        %dma_wait3A_73 = tpu.memref_slice %arg8[%mul3A_38, %dma_wait3A_72] : memref<80x128xi32, #tpu.memory_space<vmem>> -> memref<1x128xi32, #tpu.memory_space<vmem>>
        %dma_wait3A_74 = tpu.memref_squeeze %dma_wait3A_73 : memref<1x128xi32, #tpu.memory_space<vmem>> -> memref<128xi32, #tpu.memory_space<vmem>>
        %dma_wait3A_75 = arith.constant 0 : i32
        %dma_wait3A_76 = arith.constant 0 : i32
        %dma_wait3A_77 = tpu.memref_slice %arg11[%dma_wait3A_75, %dma_wait3A_76] : memref<10112x64xf32, #tpu.memory_space<vmem_shared>> -> memref<10112x64xf32, #tpu.memory_space<vmem_shared>>
        tpu.wait_indirect_dma semaphore(%run_scoped3A : memref<!tpu.dma_semaphore, #tpu.memory_space<semaphore_mem>>) src(%arg9 : memref<128x64xf32, #tpu.memory_space<vmem>>) dst(%dma_wait3A_77 : memref<10112x64xf32, #tpu.memory_space<vmem_shared>>)
        tpu.yield
      }) : () -> ()
      %add3A_52 = arith.constant 2 : i32
      %add3A_53 = arith.addi %mul3A_38, %add3A_52 : i32
      %lt3A = arith.constant 80 : i32
      %lt3A_54 = arith.cmpi slt, %add3A_53, %lt3A : i32
      %convert_element_type3A = arith.extui %lt3A_54 : i1 to i32
      %cond3A = arith.constant 0 : i32
      %cond3A_55 = arith.cmpi ne, %convert_element_type3A, %cond3A : i32
      scf.if %cond3A_55 {
        %add3A_66 = arith.constant 2 : i32
        %add3A_67 = arith.addi %mul3A_38, %add3A_66 : i32
        %dma_start3A_68 = arith.constant 0 : i32
        %dma_start3A_69 = tpu.memref_slice %arg7[%add3A_67, %dma_start3A_68] : memref<80x128xi32, #tpu.memory_space<vmem>> -> memref<1x128xi32, #tpu.memory_space<vmem>>
        %dma_start3A_70 = tpu.memref_squeeze %dma_start3A_69 : memref<1x128xi32, #tpu.memory_space<vmem>> -> memref<128xi32, #tpu.memory_space<vmem>>
        %dma_start3A_71 = arith.constant 0 : i32
        %dma_start3A_72 = arith.constant 0 : i32
        %dma_start3A_73 = tpu.memref_slice %arg12[%dma_start3A_71, %dma_start3A_72] : memref<10000x64xf32, #tpu.memory_space<vmem_shared>> -> memref<10000x64xf32, #tpu.memory_space<vmem_shared>>
        tpu.enqueue_indirect_dma source(%dma_start3A_73 : memref<10000x64xf32, #tpu.memory_space<vmem_shared>>) target(%arg9 : memref<128x64xf32, #tpu.memory_space<vmem>>) offsets(%dma_start3A_70 : memref<128xi32, #tpu.memory_space<vmem>>) semaphore(%arg13 : memref<!tpu.dma_semaphore, #tpu.memory_space<semaphore_mem>>)
      } else {
      }
      %add3A_56 = arith.constant 1 : i32
      %add3A_57 = arith.addi %mul3A_38, %add3A_56 : i32
      %dma_wait3A_58 = arith.constant 0 : i32
      %dma_wait3A_59 = tpu.memref_slice %arg7[%add3A_57, %dma_wait3A_58] : memref<80x128xi32, #tpu.memory_space<vmem>> -> memref<1x128xi32, #tpu.memory_space<vmem>>
      %dma_wait3A_60 = tpu.memref_squeeze %dma_wait3A_59 : memref<1x128xi32, #tpu.memory_space<vmem>> -> memref<128xi32, #tpu.memory_space<vmem>>
      %dma_wait3A_61 = arith.constant 0 : i32
      %dma_wait3A_62 = arith.constant 0 : i32
      %dma_wait3A_63 = tpu.memref_slice %arg12[%dma_wait3A_61, %dma_wait3A_62] : memref<10000x64xf32, #tpu.memory_space<vmem_shared>> -> memref<10000x64xf32, #tpu.memory_space<vmem_shared>>
      tpu.wait_indirect_dma semaphore(%arg14 : memref<!tpu.dma_semaphore, #tpu.memory_space<semaphore_mem>>) src(%dma_wait3A_63 : memref<10000x64xf32, #tpu.memory_space<vmem_shared>>) dst(%arg10 : memref<128x64xf32, #tpu.memory_space<vmem>>)
      %add3A_64 = arith.constant 1 : i32
      %add3A_65 = arith.addi %mul3A_38, %add3A_64 : i32
      "tpu.region"() ({
        %run_scoped3A = tpu.sem_alloc : memref<!tpu.dma_semaphore, #tpu.memory_space<semaphore_mem>>
        %dma_start3A_66 = arith.constant 0 : i32
        %dma_start3A_67 = tpu.memref_slice %arg8[%add3A_65, %dma_start3A_66] : memref<80x128xi32, #tpu.memory_space<vmem>> -> memref<1x128xi32, #tpu.memory_space<vmem>>
        %dma_start3A_68 = tpu.memref_squeeze %dma_start3A_67 : memref<1x128xi32, #tpu.memory_space<vmem>> -> memref<128xi32, #tpu.memory_space<vmem>>
        %dma_start3A_69 = arith.constant 0 : i32
        %dma_start3A_70 = arith.constant 0 : i32
        %dma_start3A_71 = tpu.memref_slice %arg11[%dma_start3A_69, %dma_start3A_70] : memref<10112x64xf32, #tpu.memory_space<vmem_shared>> -> memref<10112x64xf32, #tpu.memory_space<vmem_shared>>
        tpu.enqueue_indirect_dma source(%arg10 : memref<128x64xf32, #tpu.memory_space<vmem>>) target(%dma_start3A_71 : memref<10112x64xf32, #tpu.memory_space<vmem_shared>>) offsets(%dma_start3A_68 : memref<128xi32, #tpu.memory_space<vmem>>) semaphore(%run_scoped3A : memref<!tpu.dma_semaphore, #tpu.memory_space<semaphore_mem>>) {add = true}
        %dma_wait3A_72 = arith.constant 0 : i32
        %dma_wait3A_73 = tpu.memref_slice %arg8[%add3A_65, %dma_wait3A_72] : memref<80x128xi32, #tpu.memory_space<vmem>> -> memref<1x128xi32, #tpu.memory_space<vmem>>
        %dma_wait3A_74 = tpu.memref_squeeze %dma_wait3A_73 : memref<1x128xi32, #tpu.memory_space<vmem>> -> memref<128xi32, #tpu.memory_space<vmem>>
        %dma_wait3A_75 = arith.constant 0 : i32
        %dma_wait3A_76 = arith.constant 0 : i32
        %dma_wait3A_77 = tpu.memref_slice %arg11[%dma_wait3A_75, %dma_wait3A_76] : memref<10112x64xf32, #tpu.memory_space<vmem_shared>> -> memref<10112x64xf32, #tpu.memory_space<vmem_shared>>
        tpu.wait_indirect_dma semaphore(%run_scoped3A : memref<!tpu.dma_semaphore, #tpu.memory_space<semaphore_mem>>) src(%arg10 : memref<128x64xf32, #tpu.memory_space<vmem>>) dst(%dma_wait3A_77 : memref<10112x64xf32, #tpu.memory_space<vmem_shared>>)
        tpu.yield
      }) : () -> ()
    }
    %scan3A_30 = arith.constant 40 : i32
    %barrier3A_31 = arith.constant 0 : index
    tpu.barrier barrier_id(%barrier3A_31)
    %mul3A_32 = arith.constant 632 : i32
    %mul3A_33 = arith.muli %arg1, %mul3A_32 : i32
    %mul3A_34 = arith.constant 632 : i32
    %mul3A_35 = arith.muli %arg1, %mul3A_34 : i32
    "tpu.region"() ({
      %run_scoped3A = tpu.sem_alloc : memref<!tpu.dma_semaphore, #tpu.memory_space<semaphore_mem>>
      %dma_start3A_36 = arith.constant 0 : i32
      %dma_start3A_37 = arith.constant 0 : i32
      %dma_start3A_38 = tpu.memref_slice %arg6[%arg0, %dma_start3A_36, %dma_start3A_37] : memref<2x10112x64xf32, #tpu.memory_space<hbm>> -> memref<1x10112x64xf32, #tpu.memory_space<hbm>>
      %dma_start3A_39 = tpu.memref_squeeze %dma_start3A_38 : memref<1x10112x64xf32, #tpu.memory_space<hbm>> -> memref<10112x64xf32, #tpu.memory_space<hbm>>
      %dma_start3A_40 = arith.constant 0 : i32
      %dma_start3A_41 = tpu.memref_slice %dma_start3A_39[%mul3A_35, %dma_start3A_40] : memref<10112x64xf32, #tpu.memory_space<hbm>> -> memref<632x64xf32, #tpu.memory_space<hbm>>
      %dma_start3A_42 = arith.constant 0 : i32
      %dma_start3A_43 = tpu.memref_slice %arg11[%mul3A_33, %dma_start3A_42] : memref<10112x64xf32, #tpu.memory_space<vmem_shared>> -> memref<632x64xf32, #tpu.memory_space<vmem_shared>>
      tpu.enqueue_dma source(%dma_start3A_43 : memref<632x64xf32, #tpu.memory_space<vmem_shared>>) target(%dma_start3A_41 : memref<632x64xf32, #tpu.memory_space<hbm>>) target_semaphore(%run_scoped3A : memref<!tpu.dma_semaphore, #tpu.memory_space<semaphore_mem>>)
      %dma_wait3A = arith.constant 0 : i32
      %dma_wait3A_44 = arith.constant 0 : i32
      %dma_wait3A_45 = tpu.memref_slice %arg6[%arg0, %dma_wait3A, %dma_wait3A_44] : memref<2x10112x64xf32, #tpu.memory_space<hbm>> -> memref<1x10112x64xf32, #tpu.memory_space<hbm>>
      %dma_wait3A_46 = tpu.memref_squeeze %dma_wait3A_45 : memref<1x10112x64xf32, #tpu.memory_space<hbm>> -> memref<10112x64xf32, #tpu.memory_space<hbm>>
      %dma_wait3A_47 = arith.constant 0 : i32
      %dma_wait3A_48 = tpu.memref_slice %dma_wait3A_46[%mul3A_35, %dma_wait3A_47] : memref<10112x64xf32, #tpu.memory_space<hbm>> -> memref<632x64xf32, #tpu.memory_space<hbm>>
      %dma_wait3A_49 = arith.constant 0 : i32
      %dma_wait3A_50 = tpu.memref_slice %arg11[%mul3A_33, %dma_wait3A_49] : memref<10112x64xf32, #tpu.memory_space<vmem_shared>> -> memref<632x64xf32, #tpu.memory_space<vmem_shared>>
      tpu.wait_dma2 semaphore(%run_scoped3A : memref<!tpu.dma_semaphore, #tpu.memory_space<semaphore_mem>>) src(%dma_wait3A_50 : memref<632x64xf32, #tpu.memory_space<vmem_shared>>) dst(%dma_wait3A_48 : memref<632x64xf32, #tpu.memory_space<hbm>>)
      tpu.yield
    }) : () -> ()
    return
  }
}

module attributes {stable_mosaic.version = 14 : i64} {
  func.func @_tc_g1(%arg0: i32, %arg1: memref<2000x128xf32, #tpu.memory_space<vmem>>, %arg2: memref<128x128xf32, #tpu.memory_space<vmem>>, %arg3: memref<2000x2xf32, #tpu.memory_space<vmem>>, %arg4: memref<2x2000x64xf32, #tpu.memory_space<vmem>>) attributes {dimension_semantics = [#tpu.dimension_semantics<arbitrary>], iteration_bounds = array<i64: 5>, scalar_prefetch = 0 : i64, scratch_operands = 0 : i64, tpu.core_type = #tpu.core_type<tc>, window_params = [{transform_indices = @transform_0, window_bounds = array<i64: 2000, 128>}, {pipeline_mode = #tpu.pipeline_mode<synchronous>, transform_indices = @transform_1, window_bounds = array<i64: 128, 128>}, {transform_indices = @transform_2, window_bounds = array<i64: 2000, 2>}, {transform_indices = @transform_3, window_bounds = array<i64: 2, 2000, 64>}]} {
    %get3A = arith.constant 0 : index
    %get3A_0 = arith.constant 0 : index
    %get3A_1 = vector.load %arg3[%get3A, %get3A_0] : memref<2000x2xf32, #tpu.memory_space<vmem>>, vector<2000x1xf32>
    %add3A = arith.constant 1.000000e+00 : f32
    %add3A_2 = vector.broadcast %add3A : f32 to vector<2000x1xf32>
    %add3A_3 = arith.addf %add3A_2, %get3A_1 : vector<2000x1xf32>
    %get3A_4 = arith.constant 0 : index
    %get3A_5 = arith.constant 1 : index
    %get3A_6 = vector.load %arg3[%get3A_4, %get3A_5] : memref<2000x2xf32, #tpu.memory_space<vmem>>, vector<2000x1xf32>
    %add3A_7 = arith.addf %add3A_3, %get3A_6 : vector<2000x1xf32>
    %rsqrt3A = math.rsqrt %add3A_7 : vector<2000x1xf32>
    %get3A_8 = arith.constant 0 : index
    %get3A_9 = arith.constant 0 : index
    %get3A_10 = vector.load %arg1[%get3A_8, %get3A_9] : memref<2000x128xf32, #tpu.memory_space<vmem>>, vector<2000x128xf32>
    %get3A_11 = arith.constant 0 : index
    %get3A_12 = arith.constant 0 : index
    %get3A_13 = vector.load %arg2[%get3A_11, %get3A_12] : memref<128x128xf32, #tpu.memory_space<vmem>>, vector<128x128xf32>
    %dot_general3A = arith.constant dense<0.000000e+00> : vector<2000x128xf32>
    %dot_general3A_14 = tpu.matmul %get3A_10, %get3A_13, %dot_general3A {dimension_numbers = #tpu.dot_dimension_numbers<[1], [0], [0], [1], [0, 0, 1, 1], [], []>, transpose_lhs_hint = false} : vector<2000x128xf32>, vector<128x128xf32>, vector<2000x128xf32> -> vector<2000x128xf32>
    %mul3A = vector.broadcast %rsqrt3A : vector<2000x1xf32> to vector<2000x128xf32>
    %mul3A_15 = arith.mulf %dot_general3A_14, %mul3A : vector<2000x128xf32>
    %slice3A = vector.extract_strided_slice %mul3A_15 {offsets = [0, 0], sizes = [2000, 64], strides = [1, 1]} : vector<2000x128xf32> to vector<2000x64xf32>
    %swap3A = arith.constant 0 : index
    %swap3A_16 = arith.constant 0 : index
    %swap3A_17 = arith.constant 0 : index
    %swap3A_18 = vector.load %arg4[%swap3A, %swap3A_16, %swap3A_17] : memref<2x2000x64xf32, #tpu.memory_space<vmem>>, vector<1x2000x64xf32>
    %swap3A_19 = vector.shape_cast %swap3A_18 : vector<1x2000x64xf32> to vector<2000x64xf32>
    %swap3A_20 = vector.shape_cast %slice3A : vector<2000x64xf32> to vector<1x2000x64xf32>
    tpu.vector_store %arg4[%swap3A, %swap3A_16, %swap3A_17], %swap3A_20 {strides = array<i32>} : memref<2x2000x64xf32, #tpu.memory_space<vmem>>, vector<1x2000x64xf32>,
    %slice3A_21 = vector.extract_strided_slice %mul3A_15 {offsets = [0, 64], sizes = [2000, 64], strides = [1, 1]} : vector<2000x128xf32> to vector<2000x64xf32>
    %swap3A_22 = arith.constant 1 : index
    %swap3A_23 = arith.constant 0 : index
    %swap3A_24 = arith.constant 0 : index
    %swap3A_25 = vector.load %arg4[%swap3A_22, %swap3A_23, %swap3A_24] : memref<2x2000x64xf32, #tpu.memory_space<vmem>>, vector<1x2000x64xf32>
    %swap3A_26 = vector.shape_cast %swap3A_25 : vector<1x2000x64xf32> to vector<2000x64xf32>
    %swap3A_27 = vector.shape_cast %slice3A_21 : vector<2000x64xf32> to vector<1x2000x64xf32>
    tpu.vector_store %arg4[%swap3A_22, %swap3A_23, %swap3A_24], %swap3A_27 {strides = array<i32>} : memref<2x2000x64xf32, #tpu.memory_space<vmem>>, vector<1x2000x64xf32>,
    return
  }
  func.func @transform_0(%arg0: i32) -> (i32, i32) {
    %c0_i32 = arith.constant 0 : i32
    %c0_i32_0 = arith.constant 0 : i32
    return %arg0, %c0_i32 : i32, i32
  }
  func.func @transform_1(%arg0: i32) -> (i32, i32) {
    %c0_i32 = arith.constant 0 : i32
    %c0_i32_0 = arith.constant 0 : i32
    %c0_i32_1 = arith.constant 0 : i32
    return %c0_i32, %c0_i32_0 : i32, i32
  }
  func.func @transform_2(%arg0: i32) -> (i32, i32) {
    %c0_i32 = arith.constant 0 : i32
    %c0_i32_0 = arith.constant 0 : i32
    return %arg0, %c0_i32 : i32, i32
  }
  func.func @transform_3(%arg0: i32) -> (i32, i32, i32) {
    %c0_i32 = arith.constant 0 : i32
    %c0_i32_0 = arith.constant 0 : i32
    %c0_i32_1 = arith.constant 0 : i32
    return %c0_i32, %arg0, %c0_i32_0 : i32, i32, i32
  }
}

module attributes {stable_mosaic.version = 14 : i64} {
  func.func @_tc_mid(%arg0: i32, %arg1: memref<2x2000x64xf32, #tpu.memory_space<vmem>>, %arg2: memref<2x2000x64xf32, #tpu.memory_space<vmem>>, %arg3: memref<2000x2xf32, #tpu.memory_space<vmem>>, %arg4: memref<128xf32, #tpu.memory_space<vmem>>, %arg5: memref<128x128xf32, #tpu.memory_space<vmem>>, %arg6: memref<2x2000x64xf32, #tpu.memory_space<vmem>>) attributes {dimension_semantics = [#tpu.dimension_semantics<arbitrary>], iteration_bounds = array<i64: 5>, scalar_prefetch = 0 : i64, scratch_operands = 0 : i64, tpu.core_type = #tpu.core_type<tc>, window_params = [{transform_indices = @transform_0, window_bounds = array<i64: 2, 2000, 64>}, {transform_indices = @transform_1, window_bounds = array<i64: 2, 2000, 64>}, {transform_indices = @transform_2, window_bounds = array<i64: 2000, 2>}, {pipeline_mode = #tpu.pipeline_mode<synchronous>, transform_indices = @transform_3, window_bounds = array<i64: 128>}, {pipeline_mode = #tpu.pipeline_mode<synchronous>, transform_indices = @transform_4, window_bounds = array<i64: 128, 128>}, {transform_indices = @transform_5, window_bounds = array<i64: 2, 2000, 64>}]} {
    %get3A = arith.constant 0 : index
    %get3A_0 = arith.constant 0 : index
    %get3A_1 = vector.load %arg3[%get3A, %get3A_0] : memref<2000x2xf32, #tpu.memory_space<vmem>>, vector<2000x1xf32>
    %add3A = arith.constant 1.000000e+00 : f32
    %add3A_2 = vector.broadcast %add3A : f32 to vector<2000x1xf32>
    %add3A_3 = arith.addf %add3A_2, %get3A_1 : vector<2000x1xf32>
    %get3A_4 = arith.constant 0 : index
    %get3A_5 = arith.constant 1 : index
    %get3A_6 = vector.load %arg3[%get3A_4, %get3A_5] : memref<2000x2xf32, #tpu.memory_space<vmem>>, vector<2000x1xf32>
    %add3A_7 = arith.addf %add3A_3, %get3A_6 : vector<2000x1xf32>
    %rsqrt3A = math.rsqrt %add3A_7 : vector<2000x1xf32>
    %get3A_8 = arith.constant 0 : index
    %get3A_9 = arith.constant 0 : index
    %get3A_10 = arith.constant 0 : index
    %get3A_11 = vector.load %arg1[%get3A_8, %get3A_9, %get3A_10] : memref<2x2000x64xf32, #tpu.memory_space<vmem>>, vector<1x2000x64xf32>
    %get3A_12 = vector.shape_cast %get3A_11 : vector<1x2000x64xf32> to vector<2000x64xf32>
    %get3A_13 = arith.constant 0 : index
    %get3A_14 = arith.constant 0 : index
    %get3A_15 = arith.constant 0 : index
    %get3A_16 = vector.load %arg2[%get3A_13, %get3A_14, %get3A_15] : memref<2x2000x64xf32, #tpu.memory_space<vmem>>, vector<1x2000x64xf32>
    %get3A_17 = vector.shape_cast %get3A_16 : vector<1x2000x64xf32> to vector<2000x64xf32>
    %add3A_18 = arith.addf %get3A_12, %get3A_17 : vector<2000x64xf32>
    %get3A_19 = arith.constant 1 : index
    %get3A_20 = arith.constant 0 : index
    %get3A_21 = arith.constant 0 : index
    %get3A_22 = vector.load %arg1[%get3A_19, %get3A_20, %get3A_21] : memref<2x2000x64xf32, #tpu.memory_space<vmem>>, vector<1x2000x64xf32>
    %get3A_23 = vector.shape_cast %get3A_22 : vector<1x2000x64xf32> to vector<2000x64xf32>
    %get3A_24 = arith.constant 1 : index
    %get3A_25 = arith.constant 0 : index
    %get3A_26 = arith.constant 0 : index
    %get3A_27 = vector.load %arg2[%get3A_24, %get3A_25, %get3A_26] : memref<2x2000x64xf32, #tpu.memory_space<vmem>>, vector<1x2000x64xf32>
    %get3A_28 = vector.shape_cast %get3A_27 : vector<1x2000x64xf32> to vector<2000x64xf32>
    %add3A_29 = arith.addf %get3A_23, %get3A_28 : vector<2000x64xf32>
    %concatenate3A = tpu.concatenate %add3A_18, %add3A_29 in 1 : vector<2000x64xf32>, vector<2000x64xf32> -> vector<2000x128xf32>
    %mul3A = vector.broadcast %rsqrt3A : vector<2000x1xf32> to vector<2000x128xf32>
    %mul3A_30 = arith.mulf %concatenate3A, %mul3A : vector<2000x128xf32>
    %get3A_31 = arith.constant 0 : index
    %get3A_32 = vector.load %arg4[%get3A_31] : memref<128xf32, #tpu.memory_space<vmem>>, vector<128xf32>
    %broadcast_in_dim3A = vector.shape_cast %get3A_32 : vector<128xf32> to vector<1x128xf32>
    %add3A_33 = vector.broadcast %broadcast_in_dim3A : vector<1x128xf32> to vector<2000x128xf32>
    %add3A_34 = arith.addf %mul3A_30, %add3A_33 : vector<2000x128xf32>
    %max3A = arith.constant 0.000000e+00 : f32
    %max3A_35 = vector.broadcast %max3A : f32 to vector<2000x128xf32>
    %max3A_36 = arith.maximumf %add3A_34, %max3A_35 : vector<2000x128xf32>
    %get3A_37 = arith.constant 0 : index
    %get3A_38 = arith.constant 0 : index
    %get3A_39 = vector.load %arg5[%get3A_37, %get3A_38] : memref<128x128xf32, #tpu.memory_space<vmem>>, vector<128x128xf32>
    %dot_general3A = arith.constant dense<0.000000e+00> : vector<2000x128xf32>
    %dot_general3A_40 = tpu.matmul %max3A_36, %get3A_39, %dot_general3A {dimension_numbers = #tpu.dot_dimension_numbers<[1], [0], [0], [1], [0, 0, 1, 1], [], []>, transpose_lhs_hint = false} : vector<2000x128xf32>, vector<128x128xf32>, vector<2000x128xf32> -> vector<2000x128xf32>
    %mul3A_41 = vector.broadcast %rsqrt3A : vector<2000x1xf32> to vector<2000x128xf32>
    %mul3A_42 = arith.mulf %dot_general3A_40, %mul3A_41 : vector<2000x128xf32>
    %slice3A = vector.extract_strided_slice %mul3A_42 {offsets = [0, 0], sizes = [2000, 64], strides = [1, 1]} : vector<2000x128xf32> to vector<2000x64xf32>
    %swap3A = arith.constant 0 : index
    %swap3A_43 = arith.constant 0 : index
    %swap3A_44 = arith.constant 0 : index
    %swap3A_45 = vector.load %arg6[%swap3A, %swap3A_43, %swap3A_44] : memref<2x2000x64xf32, #tpu.memory_space<vmem>>, vector<1x2000x64xf32>
    %swap3A_46 = vector.shape_cast %swap3A_45 : vector<1x2000x64xf32> to vector<2000x64xf32>
    %swap3A_47 = vector.shape_cast %slice3A : vector<2000x64xf32> to vector<1x2000x64xf32>
    tpu.vector_store %arg6[%swap3A, %swap3A_43, %swap3A_44], %swap3A_47 {strides = array<i32>} : memref<2x2000x64xf32, #tpu.memory_space<vmem>>, vector<1x2000x64xf32>,
    %slice3A_48 = vector.extract_strided_slice %mul3A_42 {offsets = [0, 64], sizes = [2000, 64], strides = [1, 1]} : vector<2000x128xf32> to vector<2000x64xf32>
    %swap3A_49 = arith.constant 1 : index
    %swap3A_50 = arith.constant 0 : index
    %swap3A_51 = arith.constant 0 : index
    %swap3A_52 = vector.load %arg6[%swap3A_49, %swap3A_50, %swap3A_51] : memref<2x2000x64xf32, #tpu.memory_space<vmem>>, vector<1x2000x64xf32>
    %swap3A_53 = vector.shape_cast %swap3A_52 : vector<1x2000x64xf32> to vector<2000x64xf32>
    %swap3A_54 = vector.shape_cast %slice3A_48 : vector<2000x64xf32> to vector<1x2000x64xf32>
    tpu.vector_store %arg6[%swap3A_49, %swap3A_50, %swap3A_51], %swap3A_54 {strides = array<i32>} : memref<2x2000x64xf32, #tpu.memory_space<vmem>>, vector<1x2000x64xf32>,
    return
  }
  func.func @transform_0(%arg0: i32) -> (i32, i32, i32) {
    %c0_i32 = arith.constant 0 : i32
    %c0_i32_0 = arith.constant 0 : i32
    %c0_i32_1 = arith.constant 0 : i32
    return %c0_i32, %arg0, %c0_i32_0 : i32, i32, i32
  }
  func.func @transform_1(%arg0: i32) -> (i32, i32, i32) {
    %c0_i32 = arith.constant 0 : i32
    %c0_i32_0 = arith.constant 0 : i32
    %c0_i32_1 = arith.constant 0 : i32
    return %c0_i32, %arg0, %c0_i32_0 : i32, i32, i32
  }
  func.func @transform_2(%arg0: i32) -> (i32, i32) {
    %c0_i32 = arith.constant 0 : i32
    %c0_i32_0 = arith.constant 0 : i32
    return %arg0, %c0_i32 : i32, i32
  }
  func.func @transform_3(%arg0: i32) -> i32 {
    %c0_i32 = arith.constant 0 : i32
    %c0_i32_0 = arith.constant 0 : i32
    return %c0_i32 : i32
  }
  func.func @transform_4(%arg0: i32) -> (i32, i32) {
    %c0_i32 = arith.constant 0 : i32
    %c0_i32_0 = arith.constant 0 : i32
    %c0_i32_1 = arith.constant 0 : i32
    return %c0_i32, %c0_i32_0 : i32, i32
  }
  func.func @transform_5(%arg0: i32) -> (i32, i32, i32) {
    %c0_i32 = arith.constant 0 : i32
    %c0_i32_0 = arith.constant 0 : i32
    %c0_i32_1 = arith.constant 0 : i32
    return %c0_i32, %arg0, %c0_i32_0 : i32, i32, i32
  }
}

module attributes {stable_mosaic.version = 14 : i64} {
  func.func @_tc_head(%arg0: i32, %arg1: memref<2x2000x64xf32, #tpu.memory_space<vmem>>, %arg2: memref<2x2000x64xf32, #tpu.memory_space<vmem>>, %arg3: memref<2000x2xf32, #tpu.memory_space<vmem>>, %arg4: memref<128xf32, #tpu.memory_space<vmem>>, %arg5: memref<128x8xf32, #tpu.memory_space<vmem>>, %arg6: memref<8xf32, #tpu.memory_space<vmem>>, %arg7: memref<2000x2xf32, #tpu.memory_space<vmem>>, %arg8: memref<2000x5xf32, #tpu.memory_space<vmem>>) attributes {dimension_semantics = [#tpu.dimension_semantics<arbitrary>], iteration_bounds = array<i64: 5>, scalar_prefetch = 0 : i64, scratch_operands = 0 : i64, tpu.core_type = #tpu.core_type<tc>, window_params = [{transform_indices = @transform_0, window_bounds = array<i64: 2, 2000, 64>}, {transform_indices = @transform_1, window_bounds = array<i64: 2, 2000, 64>}, {transform_indices = @transform_2, window_bounds = array<i64: 2000, 2>}, {pipeline_mode = #tpu.pipeline_mode<synchronous>, transform_indices = @transform_3, window_bounds = array<i64: 128>}, {pipeline_mode = #tpu.pipeline_mode<synchronous>, transform_indices = @transform_4, window_bounds = array<i64: 128, 8>}, {pipeline_mode = #tpu.pipeline_mode<synchronous>, transform_indices = @transform_5, window_bounds = array<i64: 8>}, {transform_indices = @transform_6, window_bounds = array<i64: 2000, 2>}, {transform_indices = @transform_7, window_bounds = array<i64: 2000, 5>}]} {
    %get3A = arith.constant 0 : index
    %get3A_0 = arith.constant 0 : index
    %get3A_1 = vector.load %arg3[%get3A, %get3A_0] : memref<2000x2xf32, #tpu.memory_space<vmem>>, vector<2000x1xf32>
    %add3A = arith.constant 1.000000e+00 : f32
    %add3A_2 = vector.broadcast %add3A : f32 to vector<2000x1xf32>
    %add3A_3 = arith.addf %add3A_2, %get3A_1 : vector<2000x1xf32>
    %get3A_4 = arith.constant 0 : index
    %get3A_5 = arith.constant 1 : index
    %get3A_6 = vector.load %arg3[%get3A_4, %get3A_5] : memref<2000x2xf32, #tpu.memory_space<vmem>>, vector<2000x1xf32>
    %add3A_7 = arith.addf %add3A_3, %get3A_6 : vector<2000x1xf32>
    %rsqrt3A = math.rsqrt %add3A_7 : vector<2000x1xf32>
    %get3A_8 = arith.constant 0 : index
    %get3A_9 = arith.constant 0 : index
    %get3A_10 = arith.constant 0 : index
    %get3A_11 = vector.load %arg1[%get3A_8, %get3A_9, %get3A_10] : memref<2x2000x64xf32, #tpu.memory_space<vmem>>, vector<1x2000x64xf32>
    %get3A_12 = vector.shape_cast %get3A_11 : vector<1x2000x64xf32> to vector<2000x64xf32>
    %get3A_13 = arith.constant 0 : index
    %get3A_14 = arith.constant 0 : index
    %get3A_15 = arith.constant 0 : index
    %get3A_16 = vector.load %arg2[%get3A_13, %get3A_14, %get3A_15] : memref<2x2000x64xf32, #tpu.memory_space<vmem>>, vector<1x2000x64xf32>
    %get3A_17 = vector.shape_cast %get3A_16 : vector<1x2000x64xf32> to vector<2000x64xf32>
    %add3A_18 = arith.addf %get3A_12, %get3A_17 : vector<2000x64xf32>
    %get3A_19 = arith.constant 1 : index
    %get3A_20 = arith.constant 0 : index
    %get3A_21 = arith.constant 0 : index
    %get3A_22 = vector.load %arg1[%get3A_19, %get3A_20, %get3A_21] : memref<2x2000x64xf32, #tpu.memory_space<vmem>>, vector<1x2000x64xf32>
    %get3A_23 = vector.shape_cast %get3A_22 : vector<1x2000x64xf32> to vector<2000x64xf32>
    %get3A_24 = arith.constant 1 : index
    %get3A_25 = arith.constant 0 : index
    %get3A_26 = arith.constant 0 : index
    %get3A_27 = vector.load %arg2[%get3A_24, %get3A_25, %get3A_26] : memref<2x2000x64xf32, #tpu.memory_space<vmem>>, vector<1x2000x64xf32>
    %get3A_28 = vector.shape_cast %get3A_27 : vector<1x2000x64xf32> to vector<2000x64xf32>
    %add3A_29 = arith.addf %get3A_23, %get3A_28 : vector<2000x64xf32>
    %concatenate3A = tpu.concatenate %add3A_18, %add3A_29 in 1 : vector<2000x64xf32>, vector<2000x64xf32> -> vector<2000x128xf32>
    %mul3A = vector.broadcast %rsqrt3A : vector<2000x1xf32> to vector<2000x128xf32>
    %mul3A_30 = arith.mulf %concatenate3A, %mul3A : vector<2000x128xf32>
    %get3A_31 = arith.constant 0 : index
    %get3A_32 = vector.load %arg4[%get3A_31] : memref<128xf32, #tpu.memory_space<vmem>>, vector<128xf32>
    %broadcast_in_dim3A = vector.shape_cast %get3A_32 : vector<128xf32> to vector<1x128xf32>
    %add3A_33 = vector.broadcast %broadcast_in_dim3A : vector<1x128xf32> to vector<2000x128xf32>
    %add3A_34 = arith.addf %mul3A_30, %add3A_33 : vector<2000x128xf32>
    %max3A = arith.constant 0.000000e+00 : f32
    %max3A_35 = vector.broadcast %max3A : f32 to vector<2000x128xf32>
    %max3A_36 = arith.maximumf %add3A_34, %max3A_35 : vector<2000x128xf32>
    %get3A_37 = arith.constant 0 : index
    %get3A_38 = arith.constant 0 : index
    %get3A_39 = vector.load %arg5[%get3A_37, %get3A_38] : memref<128x8xf32, #tpu.memory_space<vmem>>, vector<128x8xf32>
    %dot_general3A = arith.constant dense<0.000000e+00> : vector<2000x8xf32>
    %dot_general3A_40 = tpu.matmul %max3A_36, %get3A_39, %dot_general3A {dimension_numbers = #tpu.dot_dimension_numbers<[1], [0], [0], [1], [0, 0, 1, 1], [], []>, transpose_lhs_hint = false} : vector<2000x128xf32>, vector<128x8xf32>, vector<2000x8xf32> -> vector<2000x8xf32>
    %get3A_41 = arith.constant 0 : index
    %get3A_42 = vector.load %arg6[%get3A_41] : memref<8xf32, #tpu.memory_space<vmem>>, vector<8xf32>
    %broadcast_in_dim3A_43 = vector.shape_cast %get3A_42 : vector<8xf32> to vector<1x8xf32>
    %add3A_44 = vector.broadcast %broadcast_in_dim3A_43 : vector<1x8xf32> to vector<2000x8xf32>
    %add3A_45 = arith.addf %dot_general3A_40, %add3A_44 : vector<2000x8xf32>
    %slice3A = vector.extract_strided_slice %add3A_45 {offsets = [0, 0], sizes = [2000, 2], strides = [1, 1]} : vector<2000x8xf32> to vector<2000x2xf32>
    %slice3A_46 = vector.extract_strided_slice %add3A_45 {offsets = [0, 2], sizes = [2000, 2], strides = [1, 1]} : vector<2000x8xf32> to vector<2000x2xf32>
    %slice3A_47 = vector.extract_strided_slice %add3A_45 {offsets = [0, 4], sizes = [2000, 4], strides = [1, 1]} : vector<2000x8xf32> to vector<2000x4xf32>
    %reduce_max3A = arith.constant dense<0xFF800000> : vector<2000xf32>
    %reduce_max3A_48 = vector.multi_reduction <maximumf>, %slice3A_46, %reduce_max3A [1] : vector<2000x2xf32> to vector<2000xf32>
    %broadcast_in_dim3A_49 = vector.shape_cast %reduce_max3A_48 : vector<2000xf32> to vector<2000x1xf32>
    %sub3A = vector.broadcast %broadcast_in_dim3A_49 : vector<2000x1xf32> to vector<2000x2xf32>
    %sub3A_50 = arith.subf %slice3A_46, %sub3A : vector<2000x2xf32>
    %exp3A = math.exp %sub3A_50 : vector<2000x2xf32>
    %reduce_sum3A = arith.constant dense<0.000000e+00> : vector<2000xf32>
    %reduce_sum3A_51 = vector.multi_reduction <add>, %exp3A, %reduce_sum3A [1] : vector<2000x2xf32> to vector<2000xf32>
    %broadcast_in_dim3A_52 = vector.shape_cast %reduce_sum3A_51 : vector<2000xf32> to vector<2000x1xf32>
    %log3A = math.log %broadcast_in_dim3A_52 : vector<2000x1xf32>
    %add3A_53 = arith.addf %broadcast_in_dim3A_49, %log3A : vector<2000x1xf32>
    %sub3A_54 = vector.broadcast %add3A_53 : vector<2000x1xf32> to vector<2000x2xf32>
    %sub3A_55 = arith.subf %slice3A_46, %sub3A_54 : vector<2000x2xf32>
    %reduce_max3A_56 = arith.constant dense<0xFF800000> : vector<2000xf32>
    %reduce_max3A_57 = vector.multi_reduction <maximumf>, %slice3A_47, %reduce_max3A_56 [1] : vector<2000x4xf32> to vector<2000xf32>
    %broadcast_in_dim3A_58 = vector.shape_cast %reduce_max3A_57 : vector<2000xf32> to vector<2000x1xf32>
    %sub3A_59 = vector.broadcast %broadcast_in_dim3A_58 : vector<2000x1xf32> to vector<2000x4xf32>
    %sub3A_60 = arith.subf %slice3A_47, %sub3A_59 : vector<2000x4xf32>
    %exp3A_61 = math.exp %sub3A_60 : vector<2000x4xf32>
    %reduce_sum3A_62 = arith.constant dense<0.000000e+00> : vector<2000xf32>
    %reduce_sum3A_63 = vector.multi_reduction <add>, %exp3A_61, %reduce_sum3A_62 [1] : vector<2000x4xf32> to vector<2000xf32>
    %broadcast_in_dim3A_64 = vector.shape_cast %reduce_sum3A_63 : vector<2000xf32> to vector<2000x1xf32>
    %log3A_65 = math.log %broadcast_in_dim3A_64 : vector<2000x1xf32>
    %add3A_66 = arith.addf %broadcast_in_dim3A_58, %log3A_65 : vector<2000x1xf32>
    %sub3A_67 = vector.broadcast %add3A_66 : vector<2000x1xf32> to vector<2000x4xf32>
    %sub3A_68 = arith.subf %slice3A_47, %sub3A_67 : vector<2000x4xf32>
    %slice3A_69 = vector.extract_strided_slice %slice3A {offsets = [0, 1], sizes = [2000, 1], strides = [1, 1]} : vector<2000x2xf32> to vector<2000x1xf32>
    %slice3A_70 = vector.extract_strided_slice %slice3A {offsets = [0, 0], sizes = [2000, 1], strides = [1, 1]} : vector<2000x2xf32> to vector<2000x1xf32>
    %gt3A = arith.cmpf ogt, %slice3A_69, %slice3A_70 : vector<2000x1xf32>
    %broadcast_in_dim3A_71 = arith.constant 0xFF800000 : f32
    %broadcast_in_dim3A_72 = vector.broadcast %broadcast_in_dim3A_71 : f32 to vector<2000x1xf32>
    %slice3A_73 = vector.extract_strided_slice %sub3A_55 {offsets = [0, 0], sizes = [2000, 1], strides = [1, 1]} : vector<2000x2xf32> to vector<2000x1xf32>
    %select_n3A = arith.select %gt3A, %broadcast_in_dim3A_72, %slice3A_73 : vector<2000x1xi1>, vector<2000x1xf32>
    %slice3A_74 = vector.extract_strided_slice %sub3A_68 {offsets = [0, 0], sizes = [2000, 1], strides = [1, 1]} : vector<2000x4xf32> to vector<2000x1xf32>
    %slice3A_75 = vector.extract_strided_slice %sub3A_55 {offsets = [0, 1], sizes = [2000, 1], strides = [1, 1]} : vector<2000x2xf32> to vector<2000x1xf32>
    %select_n3A_76 = arith.select %gt3A, %slice3A_74, %slice3A_75 : vector<2000x1xi1>, vector<2000x1xf32>
    %slice3A_77 = vector.extract_strided_slice %sub3A_68 {offsets = [0, 1], sizes = [2000, 3], strides = [1, 1]} : vector<2000x4xf32> to vector<2000x3xf32>
    %broadcast_in_dim3A_78 = vector.shape_cast %gt3A : vector<2000x1xi1> to vector<2000x1xi1>
    %broadcast_in_dim3A_79 = vector.broadcast %broadcast_in_dim3A_78 : vector<2000x1xi1> to vector<2000x3xi1>
    %broadcast_in_dim3A_80 = vector.shape_cast %broadcast_in_dim3A_72 : vector<2000x1xf32> to vector<2000x1xf32>
    %broadcast_in_dim3A_81 = vector.broadcast %broadcast_in_dim3A_80 : vector<2000x1xf32> to vector<2000x3xf32>
    %select_n3A_82 = arith.select %broadcast_in_dim3A_79, %slice3A_77, %broadcast_in_dim3A_81 : vector<2000x3xi1>, vector<2000x3xf32>
    %reduce_max3A_83 = arith.constant dense<0xFF800000> : vector<2000xf32>
    %reduce_max3A_84 = vector.multi_reduction <maximumf>, %slice3A, %reduce_max3A_83 [1] : vector<2000x2xf32> to vector<2000xf32>
    %broadcast_in_dim3A_85 = vector.shape_cast %reduce_max3A_84 : vector<2000xf32> to vector<2000x1xf32>
    %sub3A_86 = vector.broadcast %broadcast_in_dim3A_85 : vector<2000x1xf32> to vector<2000x2xf32>
    %sub3A_87 = arith.subf %slice3A, %sub3A_86 : vector<2000x2xf32>
    %exp3A_88 = math.exp %sub3A_87 : vector<2000x2xf32>
    %reduce_sum3A_89 = arith.constant dense<0.000000e+00> : vector<2000xf32>
    %reduce_sum3A_90 = vector.multi_reduction <add>, %exp3A_88, %reduce_sum3A_89 [1] : vector<2000x2xf32> to vector<2000xf32>
    %broadcast_in_dim3A_91 = vector.shape_cast %reduce_sum3A_90 : vector<2000xf32> to vector<2000x1xf32>
    %log3A_92 = math.log %broadcast_in_dim3A_91 : vector<2000x1xf32>
    %add3A_93 = arith.addf %broadcast_in_dim3A_85, %log3A_92 : vector<2000x1xf32>
    %sub3A_94 = vector.broadcast %add3A_93 : vector<2000x1xf32> to vector<2000x2xf32>
    %sub3A_95 = arith.subf %slice3A, %sub3A_94 : vector<2000x2xf32>
    %swap3A = arith.constant 0 : index
    %swap3A_96 = arith.constant 0 : index
    %swap3A_97 = vector.load %arg7[%swap3A, %swap3A_96] : memref<2000x2xf32, #tpu.memory_space<vmem>>, vector<2000x2xf32>
    tpu.vector_store %arg7[%swap3A, %swap3A_96], %sub3A_95 {strides = array<i32>} : memref<2000x2xf32, #tpu.memory_space<vmem>>, vector<2000x2xf32>,
    %concatenate3A_98 = tpu.concatenate %select_n3A, %select_n3A_76, %select_n3A_82 in 1 : vector<2000x1xf32>, vector<2000x1xf32>, vector<2000x3xf32> -> vector<2000x5xf32>
    %swap3A_99 = arith.constant 0 : index
    %swap3A_100 = arith.constant 0 : index
    %swap3A_101 = vector.load %arg8[%swap3A_99, %swap3A_100] : memref<2000x5xf32, #tpu.memory_space<vmem>>, vector<2000x5xf32>
    tpu.vector_store %arg8[%swap3A_99, %swap3A_100], %concatenate3A_98 {strides = array<i32>} : memref<2000x5xf32, #tpu.memory_space<vmem>>, vector<2000x5xf32>,
    return
  }
  func.func @transform_0(%arg0: i32) -> (i32, i32, i32) {
    %c0_i32 = arith.constant 0 : i32
    %c0_i32_0 = arith.constant 0 : i32
    %c0_i32_1 = arith.constant 0 : i32
    return %c0_i32, %arg0, %c0_i32_0 : i32, i32, i32
  }
  func.func @transform_1(%arg0: i32) -> (i32, i32, i32) {
    %c0_i32 = arith.constant 0 : i32
    %c0_i32_0 = arith.constant 0 : i32
    %c0_i32_1 = arith.constant 0 : i32
    return %c0_i32, %arg0, %c0_i32_0 : i32, i32, i32
  }
  func.func @transform_2(%arg0: i32) -> (i32, i32) {
    %c0_i32 = arith.constant 0 : i32
    %c0_i32_0 = arith.constant 0 : i32
    return %arg0, %c0_i32 : i32, i32
  }
  func.func @transform_3(%arg0: i32) -> i32 {
    %c0_i32 = arith.constant 0 : i32
    %c0_i32_0 = arith.constant 0 : i32
    return %c0_i32 : i32
  }
  func.func @transform_4(%arg0: i32) -> (i32, i32) {
    %c0_i32 = arith.constant 0 : i32
    %c0_i32_0 = arith.constant 0 : i32
    %c0_i32_1 = arith.constant 0 : i32
    return %c0_i32, %c0_i32_0 : i32, i32
  }
  func.func @transform_5(%arg0: i32) -> i32 {
    %c0_i32 = arith.constant 0 : i32
    %c0_i32_0 = arith.constant 0 : i32
    return %c0_i32 : i32
  }
  func.func @transform_6(%arg0: i32) -> (i32, i32) {
    %c0_i32 = arith.constant 0 : i32
    %c0_i32_0 = arith.constant 0 : i32
    return %arg0, %c0_i32 : i32, i32
  }
  func.func @transform_7(%arg0: i32) -> (i32, i32) {
    %c0_i32 = arith.constant 0 : i32
    %c0_i32_0 = arith.constant 0 : i32
    return %arg0, %c0_i32 : i32, i32
  }
}

</mosaic_0001>

<sc_bundles>
// kernel: kernel.11.cloned.1.call-start
scs
__scs_entry_jumppad:
0x0: {  	(pc) =	sbr.rel $0x88, $3  }
0x1: {  	(tag) =	ssettag $0x0;
	lr =	simm.s32 $0x1  }
0x2: {  	[smem:$0x3F95] =	sst lr;
	_ =	strace $0xD0000000  }
0x3: {  	_ = 	snop  }
0x4: {  	_ = 	snop  }
0x5: {  	_ = 	snop  }
0x6: {  	_ = 	snop  }
0x7: {  	_ = 	snop  }
__scs_overlays_trampoline_lowered:
0x8: {  	[smem:$0x3FA4] =	sst s0  }
0x9: {  	[smem:$0x3FA5] =	sst s1  }
0xa: {  	[smem:$0x3FA6] =	sst s2  }
0xb: {  	[smem:$0x3FA7] =	sst s3  }
0xc: {  	[smem:$0x3FA8] =	sst s4  }
0xd: {  	[smem:$0x3FA9] =	sst s5  }
0xe: {  	[smem:$0x3FAA] =	sst s6  }
0xf: {  	[smem:$0x3FAB] =	sst s7  }
0x10: {  	[smem:$0x3FAC] =	sst s8  }
0x11: {  	[smem:$0x3FAD] =	sst s9;
	s0 =	simm.s32 @!p0 $0x0  }
0x12: {  	s1 =	sld [smem:$0x3F93];
	s0 =	simm.s32 @p0 $0x1  }
0x13: {  	[smem:$0x3FAE] =	sst s0;
	s0 =	simm.s32 @!p1 $0x0  }
0x14: {  	s2 =	sld [smem:$0x3F92];
	s0 =	simm.s32 @p1 $0x1  }
0x15: {  	[smem:$0x3FAF] =	sst s0;
	s0 =	simm.s32 @!p2 $0x0  }
0x16: {  	s3 =	sld [smem:$0x3FDB];
	s0 =	simm.s32 @p2 $0x1  }
0x17: {  	s4 =	simm.s32 $0x1BF5;
	[smem:$0x3FB1] =	sst s0  }
0x18: {  	s0 =	sld [smem:$0x3F94];
	_ =	swait.ge [sflag:s4], $0x0  }
0x19: {  	s7 =	sld [smem:$0x3F95]  }
0x1a: {  	s8 =	sadd.s32 $0xFFFFE003, lr  }
0x1b: {  	s9 =	sadd.s32 $0xFFFFFEF7, lr;
	s5 =	simm.s32 $0xFFFFFFFF;
	p2 =	slt.u32 s8, $0xFFFFF086  }
0x1c: {  	p1 =	slt.u32 s9, $0xF7A;
	s5 =	simm.s32 @!p2 $0x0  }
0x1d: {  	s5 =	simm.s32 @p1 $0x1;
	p0 =	seq.s32 s7, s2  }
0x1e: {  	s7 =	smul.u32 @!p0 $0xF7A, s2;
	p2 =	seq.s32 @!p0 s5, $0x0  }
0x1f: {  	s9 =	smul.u32 $0xF7A, s1;
	s8 =	simm.s32 @!p0 $0x1BF5;
	p2 =	por !p2, p0  }
0x20: {  	[sflag:s8] =	ssyncset.s32 @!p0 $0xFFFFF086;
	s6 =	sadd.s32 @!p0 s3, s7;
	s7 =	simm.s32 @!p0 $0x108  }
0x21: {  	s3 =	sadd.s32 s3, s9;
	s6 =	sadd.s32 @!p0 $0x88, s6;
	s7 =	simm.s32 @p2 $0x1082  }
0x22: {  	[simem:s7], [sflag:s8] =	dma.local @!p0 [hbm:s6], $0xF7A  }
0x23: {  	s9 =	sor.u32 $0xD0000000, s2;
	s6 =	simm.s32 $0x108;
	_ =	swait.ge @!p0 [sflag:s8], $0x0  }
0x24: {  	s3 =	sadd.s32 $0x88, s3;
	s6 =	simm.s32 @!p1 $0x1082;
	[sflag:s4] =	ssyncset.s32 $0xFFFFF086  }
0x25: {  	[simem:s6], [sflag:s4] =	dma.local [hbm:s3], $0xF7A  }
0x26: {  	[smem:$0x3F95] =	sst s1;
	(tag) =	ssettag s2;
	_ =	strace s9  }
0x27: {  	s1 =	sld [smem:$0x3FA5]  }
0x28: {  	s2 =	sld [smem:$0x3FA6]  }
0x29: {  	s4 =	sld [smem:$0x3FA8]  }
0x2a: {  	p0 =	seq.s32 s5, $0x0;
	s5 =	sld [smem:$0x3FA9]  }
0x2b: {  	s6 =	sld [smem:$0x3FAA]  }
0x2c: {  	s7 =	sld [smem:$0x3FAB]  }
0x2d: {  	s3 =	simm.s32 $0x108;
	s8 =	sld [smem:$0x3FAC]  }
0x2e: {  	s3 =	simm.s32 @!p0 $0x1082;
	s9 =	sld [smem:$0x3FAD]  }
0x2f: {  	lr =	sadd.s32 s0, s3;
	s0 =	sld [smem:$0x3FA4]  }
0x30: {  	s3 =	sld [smem:$0x3FA7]  }
0x31: {  	[smem:$0x3FB0] =	sst s10  }
0x32: {  	s10 =	sld [smem:$0x3FAE];
	_ =	sdelay $0x3  }
0x33: {  	p0 =	seq.s32 s10, $0x1;
	s10 =	sld [smem:$0x3FB0];
	_ =	sdelay $0x3  }
0x34: {  	[smem:$0x3FB0] =	sst s10  }
0x35: {  	s10 =	sld [smem:$0x3FAF];
	_ =	sdelay $0x3  }
0x36: {  	p1 =	seq.s32 s10, $0x1;
	s10 =	sld [smem:$0x3FB0];
	_ =	sdelay $0x3  }
0x37: {  	[smem:$0x3FB0] =	sst s10  }
0x38: {  	s10 =	sld [smem:$0x3FB1]  }
0x39: {  	_ = 	snop;
	(pc) =	sbr.ind lr, $3  }
0x3a: {  	_ = 	snop  }
0x3b: {  	_ = 	snop  }
0x3c: {  	p2 =	seq.s32 s10, $0x1;
	s10 =	sld [smem:$0x3FB0]  }
0x3d: {  	_ =	shalt  }
0x3e: {  	_ =	shalt  }
0x3f: {  	_ =	shalt  }
0x40: {  	_ =	shalt  }
0x41: {  	_ =	shalt  }
0x42: {  	_ =	shalt  }
0x43: {  	_ =	shalt  }
0x44: {  	_ =	shalt  }
0x45: {  	_ =	shalt  }
0x46: {  	_ =	shalt  }
0x47: {  	_ =	shalt  }
0x48: {  	_ =	shalt  }
0x49: {  	_ =	shalt  }
0x4a: {  	_ =	shalt  }
0x4b: {  	_ =	shalt  }
0x4c: {  	_ =	shalt  }
0x4d: {  	_ =	shalt  }
0x4e: {  	_ =	shalt  }
0x4f: {  	_ =	shalt  }
0x50: {  	_ =	shalt  }
0x51: {  	_ =	shalt  }
0x52: {  	_ =	shalt  }
0x53: {  	_ =	shalt  }
0x54: {  	_ =	shalt  }
0x55: {  	_ =	shalt  }
0x56: {  	_ =	shalt  }
0x57: {  	_ =	shalt  }
0x58: {  	_ =	shalt  }
0x59: {  	_ =	shalt  }
0x5a: {  	_ =	shalt  }
0x5b: {  	_ =	shalt  }
0x5c: {  	_ =	shalt  }
0x5d: {  	_ =	shalt  }
0x5e: {  	_ =	shalt  }
0x5f: {  	_ =	shalt  }
0x60: {  	_ =	shalt  }
0x61: {  	_ =	shalt  }
0x62: {  	_ =	shalt  }
0x63: {  	_ =	shalt  }
0x64: {  	_ =	shalt  }
0x65: {  	_ =	shalt  }
0x66: {  	_ =	shalt  }
0x67: {  	_ =	shalt  }
0x68: {  	_ =	shalt  }
0x69: {  	_ =	shalt  }
0x6a: {  	_ =	shalt  }
0x6b: {  	_ =	shalt  }
0x6c: {  	_ =	shalt  }
0x6d: {  	_ =	shalt  }
0x6e: {  	_ =	shalt  }
0x6f: {  	_ =	shalt  }
0x70: {  	_ =	shalt  }
0x71: {  	_ =	shalt  }
0x72: {  	_ =	shalt  }
0x73: {  	_ =	shalt  }
0x74: {  	_ =	shalt  }
0x75: {  	_ =	shalt  }
0x76: {  	_ =	shalt  }
0x77: {  	_ =	shalt  }
0x78: {  	_ =	shalt  }
0x79: {  	_ =	shalt  }
0x7a: {  	_ =	shalt  }
0x7b: {  	_ =	shalt  }
0x7c: {  	_ =	shalt  }
0x7d: {  	_ =	shalt  }
0x7e: {  	_ =	shalt  }
0x7f: {  	_ =	shalt  }
0x80: {  	_ =	shalt  }
0x81: {  	_ =	shalt  }
0x82: {  	_ =	shalt  }
0x83: {  	_ =	shalt  }
0x84: {  	_ =	shalt  }
0x85: {  	_ =	shalt  }
0x86: {  	_ =	shalt  }
0x87: {  	_ =	shalt  }
.Lfunc_end0:
.L_simem_size_0:
called_computation.1_lowered:
.L_overlay_start_0:
0x88: {  	s2 =	sld [smem:$0x3FD9]  }
0x89: {  	s3 =	sld [smem:$0x3FFE];
	_ =	sdelay $0x1  }
0x8a: {  	s1 =	srdreg.scid  }
0x8b: {  	s0 =	sand.u32 $0x1, s1  }
0x8c: {  	s14 =	sshll.u32 s0, $0xA;
	s2 =	sadd.s32 s3, s2  }
0x8d: {  	s2 =	sadd.s32 s2, s14  }
0x8e: {  	[smem:$0x3FBC] =	sst s2  }
0x8f: {  	_ = 	snop  }
0x90: {  	s2 =	sld [smem:$0x3FD0];
	_ =	sdelay $0x2  }
0x91: {  	s15 =	simm.s32 $0xA;
	s4 =	simm.s32 $0x10  }
0x92: {  	[smem:s4], [sflag:s15] =	dma.local [hbm:s2], $0x1  }
0x93: {  	_ =	swait.eq [sflag:s15], $0x1  }
0x94: {  	[sflag:s15] =	ssyncset.done $0x0  }
0x95: {  	[sflag:s15] =	ssyncadd.s32 $0xFFFFFFFF  }
0x96: {  	s16 =	sld [smem:$0x11];
	(tm) =	ssettm $0x1  }
0x97: {  	s17 =	sld [smem:$0x3FFB];
	_ =	sdelay $0x3  }
0x98: {  	_ =	strace s17  }
0x99: {  	s3 =	sld [smem:$0x3FFC];
	_ =	sdelay $0x3  }
0x9a: {  	_ =	strace s3  }
0x9b: {  	s3 =	sld [smem:$0x3FFD];
	_ =	sdelay $0x3  }
0x9c: {  	_ =	strace s3  }
0x9d: {  	_ =	strace $0x8FFFFFFF  }
0x9e: {  	s18 =	sld [smem:$0x3FDB];
	_ =	sdelay $0x1  }
0x9f: {  	s19 =	simm.s32 $_scs_section_size  }
0xa0: {  	s5 =	simm.s32 $_size__tile_overlayer_lowered;
	s6 =	simm.s32 $_tile_overlayer_lowered  }
0xa1: {  	s22 =	simm.s32 $0x1BFF;
	s21 =	sshll.u32 s6, $0x1;
	s3 =	sadd.s32 s19, s18  }
0xa2: {  	s7 =	simm.s32 $0x0;
	s20 =	sshll.u32 s5, $0x1;
	s5 =	sadd.s32 s21, s3  }
0xa3: {  	[timem:s7], [sflag:s22] =	dma.local [hbm:s5], s20  }
0xa4: {  	_ =	swait.ge [sflag:s22], s20  }
0xa5: {  	s4 =	ssub.s32 $0x0, s20;
	[sflag:s22] =	ssyncset.done $0x0  }
0xa6: {  	[sflag:s22] =	ssyncadd.s32 s4;
	_ =	sdelay $0x1  }
0xa7: {  	s23 =	simm.s32 $0x1B8B  }
0xa8: {  	_ =	swait.ge [sflag:s23], $0x1  }
0xa9: {  	[sflag:s23] =	ssyncset.done $0x0  }
0xaa: {  	s25 =	simm.s32 $0x1B8E;
	s24 =	sld [smem:$0x3FFE];
	[sflag:s23] =	ssyncadd.s32 $0xFFFFFFFF  }
0xab: {  	s26 =	simm.s32 $execute0_lowered;
	[smem:$0x3FD2] =	sst s25  }
0xac: {  	s5 =	sshll.u32 s26, $0x1;
	_ =	strace $0x80000049;
	[dreg:$0x1] =	wrdreg $0xFFFFFFFF  }
0xad: {  	s28 =	simm.s32 $_size_execute0_lowered;
	s3 =	sadd.s32 s3, s5;
	[dreg:$0x0] =	wrdreg $0x0  }
0xae: {  	s5 =	sshll.u32 s28, $0x1;
	[dreg:$0x2] =	wrdreg s3  }
0xaf: {  	[dreg:$0x3] =	wrdreg s5  }
0xb0: {  	[dreg:$0x4] =	wrdreg $0xC0  }
0xb1: {  	_ =	task [dreg:s7], $0x5FFFF  }
0xb2: {  	[dreg:$0x1] =	wrdreg $0xFFFFFFFF  }
0xb3: {  	[dreg:$0x0] =	wrdreg $0x60  }
0xb4: {  	[dreg:$0x2] =	wrdreg s24  }
0xb5: {  	[dreg:$0x3] =	wrdreg s16  }
0xb6: {  	[dreg:$0x4] =	wrdreg $0x90000  }
0xb7: {  	[dreg:$0x5] =	wrdreg $0x12E000  }
0xb8: {  	[dreg:$0x6] =	wrdreg $0x9  }
0xb9: {  	_ =	task.clear_ibuf [dreg:s7], $0x7FFFF;
	_ =	strace $0x90000049  }
0xba: {  	s29 =	simm.s32 $0x9;
	_ =	strace $0x8000004B  }
0xbb: {  	_ =	swait.ge [sflag:s29], $0x1  }
0xbc: {  	[sflag:s29] =	ssyncadd.s32 $0xFFFFFFFF  }
0xbd: {  	_ =	strace $0x9000004B  }
0xbe: {  	_ =	sfence  }
0xbf: {  	s30 =	sld [smem:$0x0];
	_ =	sdelay $0x2  }
0xc0: {  	s31 =	sshll.u32 s1, $0xD;
	s1 =	sshrl.u32 s1, $0x2  }
0xc1: {  	s3 =	sand.u32 $0x4000, s31;
	s1 =	sadd.s32 s1, s30  }
0xc2: {  	s0 =	sor.u32 s3, s0;
	s1 =	sshll.u32 s1, $0x11  }
0xc3: {  	s0 =	sor.u32 s1, s0  }
0xc4: {  	s0 =	sadd.s32 $0x8F2B, s0  }
0xc5: {  	[sflag:s0] =	ssyncadd.remote.s32 $0x1  }
0xc6: {  	_ =	sfence.sel $0xFFFF  }
0xc7: {  	[dreg:$0x0] =	wrdreg $0xFFFFFFFF;
	(pc) =	sbr.abs _section_cstart, $3  }
0xc8: {  	[dreg:$0x1] =	wrdreg $0xFFFFFFFF  }
0xc9: {  	_ =	task.clear_ibuf [dreg:s7], $0x2FFFF;
	_ =	strace $0x9FFFFFFF  }
0xca: {  	(tm) =	ssettm $0x7FFFFFFF  }
0xcb: {  	_ =	shalt  }
tec
execute0_lowered:
.L_overlay_start_1:
0x0: {  	(tag) =	ssettag $0x1  }
0x1: {  	s6 =	rddreg [dreg:$0x0]  }
0x2: {  	s1 =	rddreg [dreg:$0x1]  }
0x3: {  	s3 =	rddreg [dreg:$0x2];
	s0 =	stileid.u32  }
0x4: {  	s2 =	srdreg.scid;
	s4 =	rddreg [dreg:$0x3];
	s5 =	simm.s32 $0x0  }
0x5: {  	s16 =	simm.s32 $0x5000;
	s17 =	simm.s32 $0x7000;
	s7 =	smul.u32 $0xA00, s0  }
0x6: {  	s18 =	simm.s32 $0x1;
	s19 =	simm.s32 $0x2;
	s10 =	smul.u32 $0x1388, s0  }
0x7: {  	s20 =	simm.s32 $0x2780;
	s21 =	simm.s32 $0x4F00;
	s29 =	smul.u32 $0x9E00, s0  }
0x8: {  	s8 =	sand.u32 $0x1, s2;
	s2 =	rddreg [dreg:$0x4];
	s13 =	smul.u32 $0x27100, s0  }
0x9: {  	s22 =	simm.s32 $0x4F80;
	[smem:$0x7FF] =	sst s5;
	s9 =	smul.u32 $0x13880, s8  }
0xa: {  	s30 =	sshll.u32 s0, $0x6;
	s28 =	smul.u32 $0x13C00, s8;
	s8 =	ssub.s32 $0x2, s8  }
0xb: {  	_ =	strace $0x8000004A;
	s11 =	sadd.s32 s7, s6;
	s12 =	sshrl.u32 s8, $0x1  }
0xc: {  	s15 =	sadd.s32 s29, s3;
	s31 =	sshrl.u32 s13, $0x2;
	s24 =	sshrl.u32 s29, $0x3  }
0xd: {  	s9 =	sadd.s32 s10, s9;
	s14 =	sadd.s32 s28, s6;
	s12 =	ssub.s32 s8, s12  }
0xe: {  	s13 =	sadd.s32 s31, s4;
	s8 =	sadd.s32 $0xC600, s11;
	s9 =	sadd.s32 s9, s6  }
0xf: {  	s6 =	sor.u32 $0x1C03, s30;
	s23 =	sadd.s32 $0x8BA00, s14;
	s10 =	smax.u32 s12, $0x1  }
0x10: {  	s12 =	simm.s32 $0x3;
	s13 =	sshrl.u32 s13, $0x3;
	s14 =	simm.s32 $0x2800  }
0x11: {  	s7 =	sadd.s32 $0x64800, s9;
	s9 =	sadd.s32 $0x2600, s11;
	s11 =	sshrl.u32 s15, $0x3  }
0x12: {  	s15 =	simm.s32 $0x80;
	s23 =	sadd.s32 s24, s23;
	s24 =	simm.s32 $0x0  }
.LBB2_1:
0x13: {  	[spmem:s11], [sflag:s6] =	dma.local [hbm:s1], $0x13C0  }
0x14: {  	_ =	swait.ge [sflag:s12], $0x13C0  }
0x15: {  	[sflag:s12] =	ssyncset.done $0x0  }
0x16: {  	[sflag:s12] =	ssyncadd.s32 $0xFFFFEC40  }
0x17: {  	[spmem:s13], [sflag:s6] =	dma.local [hbm:s7], $0x1388  }
0x18: {  	_ =	swait.ge [sflag:s12], $0x1388  }
0x19: {  	[sflag:s12] =	ssyncset.done $0x0  }
0x1a: {  	[sflag:s12] =	ssyncadd.s32 $0xFFFFEC78  }
0x1b: {  	[bflag:$0x0] =	sbarrier.arrive $0xFFFF  }
0x1c: {  	[tilespmem:s5], [sflag:$0x3] =	stream.linear.gather [hbm4b:s8+s5], $0x2800, $0x38;
	[tilespmem:$0x1CA40] =	vst v63  }
0x1d: {  	_ =	swait.ge [sflag:s12], $0x2800  }
0x1e: {  	[sflag:s12] =	ssyncset.done $0x0  }
0x1f: {  	[sflag:s12] =	ssyncadd.s32 $0xFFFFD800  }
0x20: {  	[tilespmem:s14], [sflag:$0x3] =	stream.linear.gather [hbm4b:s9+s5], $0x2800, $0x38;
	[tilespmem:$0x1CA40] =	vst v63  }
0x21: {  	_ =	swait.ge [sflag:s12], $0x2800  }
0x22: {  	[sflag:s12] =	ssyncset.done $0x0  }
0x23: {  	[sflag:s12] =	ssyncadd.s32 $0xFFFFD800  }
0x24: {  	[tilespmem:s16], [sflag:$0x1] =	stream.indirect.gather [spmem:s4], $0x40, s5, s15, $0xb8;
	[tilespmem:$0x1CA40] =	vst v63  }
0x25: {  	s25 =	simm.s32 $0x80  }
0x26: {  	[tilespmem:s17], [sflag:$0x2] =	stream.indirect.gather [spmem:s4], $0x40, s25, s15, $0xb8;
	[tilespmem:$0x1CA40] =	vst v63  }
0x27: {  	_ =	swait.ge [sflag:s18], $0x2000  }
0x28: {  	[sflag:s18] =	ssyncset.done $0x0  }
0x29: {  	s29 =	simm.s32 $0x2800;
	[sflag:s18] =	ssyncadd.s32 $0xFFFFE000  }
0x2a: {  	[spmem:s3] =	stream.indirect.scatter.add.f32 [tilespmem:s16], [sflag:$0x3], $0x40, s29, s15, $0xb8;
	[tilespmem:$0x1CA40] =	vst v63  }
0x2b: {  	_ =	swait.ge [sflag:s12], $0x2000  }
0x2c: {  	[sflag:s12] =	ssyncset.done $0x0  }
0x2d: {  	s30 =	simm.s32 $0x100;
	[sflag:s12] =	ssyncadd.s32 $0xFFFFE000  }
0x2e: {  	[tilespmem:s16], [sflag:$0x1] =	stream.indirect.gather [spmem:s4], $0x40, s30, s15, $0xb8;
	[tilespmem:$0x1CA40] =	vst v63  }
0x2f: {  	_ =	swait.ge [sflag:s19], $0x2000  }
0x30: {  	[sflag:s19] =	ssyncset.done $0x0  }
0x31: {  	s31 =	simm.s32 $0x2880;
	[sflag:s19] =	ssyncadd.s32 $0xFFFFE000  }
0x32: {  	[spmem:s3] =	stream.indirect.scatter.add.f32 [tilespmem:s17], [sflag:$0x3], $0x40, s31, s15, $0xb8;
	[tilespmem:$0x1CA40] =	vst v63  }
0x33: {  	_ =	swait.ge [sflag:s12], $0x2000  }
0x34: {  	s26 =	simm.s32 $0x800;
	s25 =	simm.s32 $0x100;
	[sflag:s12] =	ssyncset.done $0x0  }
.LBB2_2:
0x35: {  	s28 =	sadd.s32 $0x80, s25  }
0x36: {  	[sflag:s12] =	ssyncadd.s32 $0xFFFFE000;
	s29 =	smov.u32 s26;
	s30 =	sadd.s32 $0x400, s26  }
0x37: {  	[tilespmem:s17], [sflag:$0x2] =	stream.indirect.gather [spmem:s4], $0x40, s28, s15, $0xb8;
	[tilespmem:$0x1CA40] =	vst v63  }
0x38: {  	p0 =	sne.s32 s26, $0x9800;
	_ =	swait.ge [sflag:s18], $0x2000  }
0x39: {  	[sflag:s18] =	ssyncset.done $0x0  }
0x3a: {  	s26 =	sadd.s32 $0x2800, s25;
	[sflag:s18] =	ssyncadd.s32 $0xFFFFE000  }
0x3b: {  	[spmem:s3] =	stream.indirect.scatter.add.f32 [tilespmem:s16], [sflag:$0x3], $0x40, s26, s15, $0xb8;
	[tilespmem:$0x1CA40] =	vst v63  }
0x3c: {  	_ =	swait.ge [sflag:s12], $0x2000  }
0x3d: {  	[sflag:s12] =	ssyncset.done $0x0  }
0x3e: {  	s26 =	sadd.s32 $0x100, s25;
	[sflag:s12] =	ssyncadd.s32 $0xFFFFE000  }
0x3f: {  	[tilespmem:s16], [sflag:$0x1] =	stream.indirect.gather [spmem:s4], $0x40, s26, s15, $0xb8;
	[tilespmem:$0x1CA40] =	vst v63  }
0x40: {  	_ =	swait.ge [sflag:s19], $0x2000  }
.Ltmp0:
0x41: {  	[sflag:s19] =	ssyncset.done $0x0;
	(pc) =	sbr.rel @p0 .LBB2_2-.Ltmp0, $4  }
0x42: {  	s25 =	sadd.s32 $0x2880, s25;
	[sflag:s19] =	ssyncadd.s32 $0xFFFFE000  }
0x43: {  	[spmem:s3] =	stream.indirect.scatter.add.f32 [tilespmem:s17], [sflag:$0x3], $0x40, s25, s15, $0xb8;
	[tilespmem:$0x1CA40] =	vst v63  }
0x44: {  	_ =	swait.ge [sflag:s12], $0x2000  }
0x45: {  	s26 =	smov.u32 s30;
	s25 =	sshra.s32 s29, $0x2;
	[sflag:s12] =	ssyncset.done $0x0  }
0x46: {  	s26 =	sadd.s32 $0x80, s25;
	[sflag:s12] =	ssyncadd.s32 $0xFFFFE000  }
0x47: {  	[tilespmem:s17], [sflag:$0x2] =	stream.indirect.gather [spmem:s4], $0x40, s26, s15, $0xb8;
	[tilespmem:$0x1CA40] =	vst v63  }
0x48: {  	_ =	swait.ge [sflag:s18], $0x2000  }
0x49: {  	[sflag:s18] =	ssyncset.done $0x0  }
0x4a: {  	s30 =	sadd.s32 $0x2800, s25;
	[sflag:s18] =	ssyncadd.s32 $0xFFFFE000  }
0x4b: {  	[spmem:s3] =	stream.indirect.scatter.add.f32 [tilespmem:s16], [sflag:$0x3], $0x40, s30, s15, $0xb8;
	[tilespmem:$0x1CA40] =	vst v63  }
0x4c: {  	_ =	swait.ge [sflag:s12], $0x2000  }
0x4d: {  	[sflag:s12] =	ssyncset.done $0x0  }
0x4e: {  	s31 =	sadd.s32 $0x100, s25;
	[sflag:s12] =	ssyncadd.s32 $0xFFFFE000  }
0x4f: {  	[tilespmem:s16], [sflag:$0x1] =	stream.indirect.gather [spmem:s4], $0x40, s31, s15, $0xb8;
	[tilespmem:$0x1CA40] =	vst v63  }
0x50: {  	_ =	swait.ge [sflag:s19], $0x2000  }
0x51: {  	[sflag:s19] =	ssyncset.done $0x0  }
0x52: {  	s28 =	sadd.s32 $0x2880, s25;
	[sflag:s19] =	ssyncadd.s32 $0xFFFFE000  }
0x53: {  	[spmem:s3] =	stream.indirect.scatter.add.f32 [tilespmem:s17], [sflag:$0x3], $0x40, s28, s15, $0xb8;
	[tilespmem:$0x1CA40] =	vst v63  }
0x54: {  	_ =	swait.ge [sflag:s12], $0x2000  }
0x55: {  	[sflag:s12] =	ssyncset.done $0x0  }
0x56: {  	[sflag:s12] =	ssyncadd.s32 $0xFFFFE000  }
0x57: {  	[tilespmem:s17], [sflag:$0x2] =	stream.indirect.gather [spmem:s4], $0x40, s20, s15, $0xb8;
	[tilespmem:$0x1CA40] =	vst v63  }
0x58: {  	_ =	swait.ge [sflag:s18], $0x2000  }
0x59: {  	[sflag:s18] =	ssyncset.done $0x0  }
0x5a: {  	[sflag:s18] =	ssyncadd.s32 $0xFFFFE000  }
0x5b: {  	[spmem:s3] =	stream.indirect.scatter.add.f32 [tilespmem:s16], [sflag:$0x3], $0x40, s21, s15, $0xb8;
	[tilespmem:$0x1CA40] =	vst v63  }
0x5c: {  	_ =	swait.ge [sflag:s12], $0x2000  }
0x5d: {  	[sflag:s12] =	ssyncset.done $0x0  }
0x5e: {  	[sflag:s12] =	ssyncadd.s32 $0xFFFFE000  }
0x5f: {  	_ =	swait.ge [sflag:s19], $0x2000  }
0x60: {  	[sflag:s19] =	ssyncset.done $0x0  }
0x61: {  	[sflag:s19] =	ssyncadd.s32 $0xFFFFE000  }
0x62: {  	[spmem:s3] =	stream.indirect.scatter.add.f32 [tilespmem:s17], [sflag:$0x3], $0x40, s22, s15, $0xb8;
	[tilespmem:$0x1CA40] =	vst v63  }
0x63: {  	_ =	swait.ge [sflag:s12], $0x2000  }
0x64: {  	[sflag:s12] =	ssyncset.done $0x0  }
0x65: {  	s29 =	sadd.s32 $0x500, s8;
	s30 =	simm.s32 $0x0;
	[sflag:s12] =	ssyncadd.s32 $0xFFFFE000  }
0x66: {  	[tilespmem:s30], [sflag:$0x3] =	stream.linear.gather [hbm4b:s29+s30], $0x2800, $0x38;
	[tilespmem:$0x1CA40] =	vst v63  }
0x67: {  	_ =	swait.ge [sflag:s12], $0x2800  }
0x68: {  	[sflag:s12] =	ssyncset.done $0x0  }
0x69: {  	s31 =	sadd.s32 $0x500, s9;
	[sflag:s12] =	ssyncadd.s32 $0xFFFFD800  }
0x6a: {  	[tilespmem:s14], [sflag:$0x3] =	stream.linear.gather [hbm4b:s31+s30], $0x2800, $0x38;
	[tilespmem:$0x1CA40] =	vst v63  }
0x6b: {  	_ =	swait.ge [sflag:s12], $0x2800  }
0x6c: {  	[sflag:s12] =	ssyncset.done $0x0  }
0x6d: {  	[sflag:s12] =	ssyncadd.s32 $0xFFFFD800  }
0x6e: {  	[tilespmem:s16], [sflag:$0x1] =	stream.indirect.gather [spmem:s4], $0x40, s30, s15, $0xb8;
	[tilespmem:$0x1CA40] =	vst v63  }
0x6f: {  	s28 =	simm.s32 $0x80  }
0x70: {  	[tilespmem:s17], [sflag:$0x2] =	stream.indirect.gather [spmem:s4], $0x40, s28, s15, $0xb8;
	[tilespmem:$0x1CA40] =	vst v63  }
0x71: {  	_ =	swait.ge [sflag:s18], $0x2000  }
0x72: {  	[sflag:s18] =	ssyncset.done $0x0  }
0x73: {  	s29 =	simm.s32 $0x2800;
	[sflag:s18] =	ssyncadd.s32 $0xFFFFE000  }
0x74: {  	[spmem:s3] =	stream.indirect.scatter.add.f32 [tilespmem:s16], [sflag:$0x3], $0x40, s29, s15, $0xb8;
	[tilespmem:$0x1CA40] =	vst v63  }
0x75: {  	_ =	swait.ge [sflag:s12], $0x2000  }
0x76: {  	[sflag:s12] =	ssyncset.done $0x0  }
0x77: {  	s30 =	simm.s32 $0x100;
	[sflag:s12] =	ssyncadd.s32 $0xFFFFE000  }
0x78: {  	[tilespmem:s16], [sflag:$0x1] =	stream.indirect.gather [spmem:s4], $0x40, s30, s15, $0xb8;
	[tilespmem:$0x1CA40] =	vst v63  }
0x79: {  	_ =	swait.ge [sflag:s19], $0x2000  }
0x7a: {  	[sflag:s19] =	ssyncset.done $0x0  }
0x7b: {  	s31 =	simm.s32 $0x2880;
	[sflag:s19] =	ssyncadd.s32 $0xFFFFE000  }
0x7c: {  	[spmem:s3] =	stream.indirect.scatter.add.f32 [tilespmem:s17], [sflag:$0x3], $0x40, s31, s15, $0xb8;
	[tilespmem:$0x1CA40] =	vst v63  }
0x7d: {  	_ =	swait.ge [sflag:s12], $0x2000  }
0x7e: {  	s25 =	simm.s32 $0x100;
	s26 =	simm.s32 $0x800;
	[sflag:s12] =	ssyncset.done $0x0  }
.LBB2_4:
0x7f: {  	s28 =	sadd.s32 $0x80, s25  }
0x80: {  	[sflag:s12] =	ssyncadd.s32 $0xFFFFE000;
	s29 =	smov.u32 s26;
	s30 =	sadd.s32 $0x400, s26  }
0x81: {  	[tilespmem:s17], [sflag:$0x2] =	stream.indirect.gather [spmem:s4], $0x40, s28, s15, $0xb8;
	[tilespmem:$0x1CA40] =	vst v63  }
0x82: {  	p0 =	sne.s32 s26, $0x9800;
	_ =	swait.ge [sflag:s18], $0x2000  }
0x83: {  	[sflag:s18] =	ssyncset.done $0x0  }
0x84: {  	s26 =	sadd.s32 $0x2800, s25;
	[sflag:s18] =	ssyncadd.s32 $0xFFFFE000  }
0x85: {  	[spmem:s3] =	stream.indirect.scatter.add.f32 [tilespmem:s16], [sflag:$0x3], $0x40, s26, s15, $0xb8;
	[tilespmem:$0x1CA40] =	vst v63  }
0x86: {  	_ =	swait.ge [sflag:s12], $0x2000  }
0x87: {  	[sflag:s12] =	ssyncset.done $0x0  }
0x88: {  	s26 =	sadd.s32 $0x100, s25;
	[sflag:s12] =	ssyncadd.s32 $0xFFFFE000  }
0x89: {  	[tilespmem:s16], [sflag:$0x1] =	stream.indirect.gather [spmem:s4], $0x40, s26, s15, $0xb8;
	[tilespmem:$0x1CA40] =	vst v63  }
0x8a: {  	_ =	swait.ge [sflag:s19], $0x2000  }
.Ltmp1:
0x8b: {  	[sflag:s19] =	ssyncset.done $0x0;
	(pc) =	sbr.rel @p0 .LBB2_4-.Ltmp1, $4  }
0x8c: {  	s25 =	sadd.s32 $0x2880, s25;
	[sflag:s19] =	ssyncadd.s32 $0xFFFFE000  }
0x8d: {  	[spmem:s3] =	stream.indirect.scatter.add.f32 [tilespmem:s17], [sflag:$0x3], $0x40, s25, s15, $0xb8;
	[tilespmem:$0x1CA40] =	vst v63  }
0x8e: {  	_ =	swait.ge [sflag:s12], $0x2000  }
0x8f: {  	s26 =	smov.u32 s30;
	s25 =	sshra.s32 s29, $0x2;
	[sflag:s12] =	ssyncset.done $0x0  }
0x90: {  	s26 =	sadd.s32 $0x80, s25;
	[sflag:s12] =	ssyncadd.s32 $0xFFFFE000  }
0x91: {  	[tilespmem:s17], [sflag:$0x2] =	stream.indirect.gather [spmem:s4], $0x40, s26, s15, $0xb8;
	[tilespmem:$0x1CA40] =	vst v63  }
0x92: {  	_ =	swait.ge [sflag:s18], $0x2000  }
0x93: {  	[sflag:s18] =	ssyncset.done $0x0  }
0x94: {  	s29 =	sadd.s32 $0x2800, s25;
	[sflag:s18] =	ssyncadd.s32 $0xFFFFE000  }
0x95: {  	[spmem:s3] =	stream.indirect.scatter.add.f32 [tilespmem:s16], [sflag:$0x3], $0x40, s29, s15, $0xb8;
	[tilespmem:$0x1CA40] =	vst v63  }
0x96: {  	_ =	swait.ge [sflag:s12], $0x2000  }
0x97: {  	[sflag:s12] =	ssyncset.done $0x0  }
0x98: {  	s30 =	sadd.s32 $0x100, s25;
	[sflag:s12] =	ssyncadd.s32 $0xFFFFE000  }
0x99: {  	[tilespmem:s16], [sflag:$0x1] =	stream.indirect.gather [spmem:s4], $0x40, s30, s15, $0xb8;
	[tilespmem:$0x1CA40] =	vst v63  }
0x9a: {  	_ =	swait.ge [sflag:s19], $0x2000  }
0x9b: {  	[sflag:s19] =	ssyncset.done $0x0  }
0x9c: {  	s31 =	sadd.s32 $0x2880, s25;
	[sflag:s19] =	ssyncadd.s32 $0xFFFFE000  }
0x9d: {  	[spmem:s3] =	stream.indirect.scatter.add.f32 [tilespmem:s17], [sflag:$0x3], $0x40, s31, s15, $0xb8;
	[tilespmem:$0x1CA40] =	vst v63  }
0x9e: {  	_ =	swait.ge [sflag:s12], $0x2000  }
0x9f: {  	[sflag:s12] =	ssyncset.done $0x0  }
0xa0: {  	[sflag:s12] =	ssyncadd.s32 $0xFFFFE000  }
0xa1: {  	[tilespmem:s17], [sflag:$0x2] =	stream.indirect.gather [spmem:s4], $0x40, s20, s15, $0xb8;
	[tilespmem:$0x1CA40] =	vst v63  }
0xa2: {  	_ =	swait.ge [sflag:s18], $0x2000  }
0xa3: {  	[sflag:s18] =	ssyncset.done $0x0  }
0xa4: {  	[sflag:s18] =	ssyncadd.s32 $0xFFFFE000  }
0xa5: {  	[spmem:s3] =	stream.indirect.scatter.add.f32 [tilespmem:s16], [sflag:$0x3], $0x40, s21, s15, $0xb8;
	[tilespmem:$0x1CA40] =	vst v63  }
0xa6: {  	_ =	swait.ge [sflag:s12], $0x2000  }
0xa7: {  	[sflag:s12] =	ssyncset.done $0x0  }
0xa8: {  	[sflag:s12] =	ssyncadd.s32 $0xFFFFE000  }
0xa9: {  	_ =	swait.ge [sflag:s19], $0x2000  }
0xaa: {  	[sflag:s19] =	ssyncset.done $0x0  }
0xab: {  	[sflag:s19] =	ssyncadd.s32 $0xFFFFE000  }
0xac: {  	[spmem:s3] =	stream.indirect.scatter.add.f32 [tilespmem:s17], [sflag:$0x3], $0x40, s22, s15, $0xb8;
	[tilespmem:$0x1CA40] =	vst v63  }
0xad: {  	_ =	swait.ge [sflag:s12], $0x2000  }
0xae: {  	s24 =	sadd.s32 $0x1, s24;
	[sflag:s12] =	ssyncset.done $0x0  }
0xaf: {  	p0 =	sne.s32 s24, s10;
	[sflag:s12] =	ssyncadd.s32 $0xFFFFE000  }
.Ltmp2:
0xb0: {  	[bflag:$0x0] =	sbarrier.arrive $0xFFFF;
	(pc) =	sbr.rel @p0 .LBB2_1-.Ltmp2, $4  }
0xb1: {  	[hbm:s23], [sflag:s6] =	dma.local [spmem:s11], $0x13C0  }
0xb2: {  	_ =	swait.ge [sflag:s12], $0x13C0  }
0xb3: {  	[sflag:s12] =	ssyncset.done $0x0  }
0xb4: {  	[sflag:s12] =	ssyncadd.s32 $0xFFFFEC40  }
0xb5: {  	_ =	sfence.sel $0x180000  }
0xb6: {  	[bflag:$0x0] =	sbarrier.arrive $0xFFFF  }
0xb7: {  	p0 =	sne.s32 s0, $0x0;
	_ =	strace $0x9000004A  }
0xb8: {  	s0 =	sadd.s32 @!p0 $0x100000, s2;
	[bflag:$0x2] =	sbarrier.arrive $0xFFFF  }
0xb9: {  	[sflag:s0] =	ssyncadd.tile.s32 @!p0 $0x1;
	_ =	shalt  }
.Lfunc_end2:
_tile_overlayer_lowered:
.L_overlay_start_2:
0xba: {  	(tag) =	ssettag $0x2  }
0xbb: {  	s0 =	rddreg [dreg:$0x0];
	s2 =	stileid.u32  }
0xbc: {  	s1 =	rddreg [dreg:$0x1];
	p0 =	sne.s32 s2, $0x0  }
0xbd: {  	s3 =	rddreg [dreg:$0x2];
	[bflag:$0x3] =	sbarrier.arrive $0xFFFF;
	s2 =	simm.s32 @!p0 $0x1C03  }
0xbe: {  	[timem:s3], [sflag:s2] =	dma.local @!p0 [hbm:s0], s1  }
0xbf: {  	s0 =	simm.s32 @!p0 $0x3  }
0xc0: {  	_ =	swait.ge @!p0 [sflag:s0], s1  }
0xc1: {  	s1 =	ssub.s32 @!p0 $0x0, s1;
	[sflag:s0] =	ssyncset.done @!p0 $0x0  }
0xc2: {  	[sflag:s0] =	ssyncadd.s32 @!p0 s1  }
0xc3: {  	[bflag:$0x3] =	sbarrier.arrive $0xFFFF  }
0xc4: {  	_ =	shalt  }

// kernel: kernel.14.cloned.1.call-start
scs
__scs_entry_jumppad:
0x0: {  	(pc) =	sbr.rel $0x88, $3  }
0x1: {  	(tag) =	ssettag $0x0;
	lr =	simm.s32 $0x1  }
0x2: {  	[smem:$0x3F95] =	sst lr;
	_ =	strace $0xD0000000  }
0x3: {  	_ = 	snop  }
0x4: {  	_ = 	snop  }
0x5: {  	_ = 	snop  }
0x6: {  	_ = 	snop  }
0x7: {  	_ = 	snop  }
__scs_overlays_trampoline_lowered:
0x8: {  	[smem:$0x3FA4] =	sst s0  }
0x9: {  	[smem:$0x3FA5] =	sst s1  }
0xa: {  	[smem:$0x3FA6] =	sst s2  }
0xb: {  	[smem:$0x3FA7] =	sst s3  }
0xc: {  	[smem:$0x3FA8] =	sst s4  }
0xd: {  	[smem:$0x3FA9] =	sst s5  }
0xe: {  	[smem:$0x3FAA] =	sst s6  }
0xf: {  	[smem:$0x3FAB] =	sst s7  }
0x10: {  	[smem:$0x3FAC] =	sst s8  }
0x11: {  	[smem:$0x3FAD] =	sst s9;
	s0 =	simm.s32 @!p0 $0x0  }
0x12: {  	s1 =	sld [smem:$0x3F93];
	s0 =	simm.s32 @p0 $0x1  }
0x13: {  	[smem:$0x3FAE] =	sst s0;
	s0 =	simm.s32 @!p1 $0x0  }
0x14: {  	s2 =	sld [smem:$0x3F92];
	s0 =	simm.s32 @p1 $0x1  }
0x15: {  	[smem:$0x3FAF] =	sst s0;
	s0 =	simm.s32 @!p2 $0x0  }
0x16: {  	s3 =	sld [smem:$0x3FDB];
	s0 =	simm.s32 @p2 $0x1  }
0x17: {  	s4 =	simm.s32 $0x1BF5;
	[smem:$0x3FB1] =	sst s0  }
0x18: {  	s0 =	sld [smem:$0x3F94];
	_ =	swait.ge [sflag:s4], $0x0  }
0x19: {  	s7 =	sld [smem:$0x3F95]  }
0x1a: {  	s8 =	sadd.s32 $0xFFFFE003, lr  }
0x1b: {  	s9 =	sadd.s32 $0xFFFFFEF7, lr;
	s5 =	simm.s32 $0xFFFFFFFF;
	p2 =	slt.u32 s8, $0xFFFFF086  }
0x1c: {  	p1 =	slt.u32 s9, $0xF7A;
	s5 =	simm.s32 @!p2 $0x0  }
0x1d: {  	s5 =	simm.s32 @p1 $0x1;
	p0 =	seq.s32 s7, s2  }
0x1e: {  	s7 =	smul.u32 @!p0 $0xF7A, s2;
	p2 =	seq.s32 @!p0 s5, $0x0  }
0x1f: {  	s9 =	smul.u32 $0xF7A, s1;
	s8 =	simm.s32 @!p0 $0x1BF5;
	p2 =	por !p2, p0  }
0x20: {  	[sflag:s8] =	ssyncset.s32 @!p0 $0xFFFFF086;
	s6 =	sadd.s32 @!p0 s3, s7;
	s7 =	simm.s32 @!p0 $0x108  }
0x21: {  	s3 =	sadd.s32 s3, s9;
	s6 =	sadd.s32 @!p0 $0x88, s6;
	s7 =	simm.s32 @p2 $0x1082  }
0x22: {  	[simem:s7], [sflag:s8] =	dma.local @!p0 [hbm:s6], $0xF7A  }
0x23: {  	s9 =	sor.u32 $0xD0000000, s2;
	s6 =	simm.s32 $0x108;
	_ =	swait.ge @!p0 [sflag:s8], $0x0  }
0x24: {  	s3 =	sadd.s32 $0x88, s3;
	s6 =	simm.s32 @!p1 $0x1082;
	[sflag:s4] =	ssyncset.s32 $0xFFFFF086  }
0x25: {  	[simem:s6], [sflag:s4] =	dma.local [hbm:s3], $0xF7A  }
0x26: {  	[smem:$0x3F95] =	sst s1;
	(tag) =	ssettag s2;
	_ =	strace s9  }
0x27: {  	s1 =	sld [smem:$0x3FA5]  }
0x28: {  	s2 =	sld [smem:$0x3FA6]  }
0x29: {  	s4 =	sld [smem:$0x3FA8]  }
0x2a: {  	p0 =	seq.s32 s5, $0x0;
	s5 =	sld [smem:$0x3FA9]  }
0x2b: {  	s6 =	sld [smem:$0x3FAA]  }
0x2c: {  	s7 =	sld [smem:$0x3FAB]  }
0x2d: {  	s3 =	simm.s32 $0x108;
	s8 =	sld [smem:$0x3FAC]  }
0x2e: {  	s3 =	simm.s32 @!p0 $0x1082;
	s9 =	sld [smem:$0x3FAD]  }
0x2f: {  	lr =	sadd.s32 s0, s3;
	s0 =	sld [smem:$0x3FA4]  }
0x30: {  	s3 =	sld [smem:$0x3FA7]  }
0x31: {  	[smem:$0x3FB0] =	sst s10  }
0x32: {  	s10 =	sld [smem:$0x3FAE];
	_ =	sdelay $0x3  }
0x33: {  	p0 =	seq.s32 s10, $0x1;
	s10 =	sld [smem:$0x3FB0];
	_ =	sdelay $0x3  }
0x34: {  	[smem:$0x3FB0] =	sst s10  }
0x35: {  	s10 =	sld [smem:$0x3FAF];
	_ =	sdelay $0x3  }
0x36: {  	p1 =	seq.s32 s10, $0x1;
	s10 =	sld [smem:$0x3FB0];
	_ =	sdelay $0x3  }
0x37: {  	[smem:$0x3FB0] =	sst s10  }
0x38: {  	s10 =	sld [smem:$0x3FB1]  }
0x39: {  	_ = 	snop;
	(pc) =	sbr.ind lr, $3  }
0x3a: {  	_ = 	snop  }
0x3b: {  	_ = 	snop  }
0x3c: {  	p2 =	seq.s32 s10, $0x1;
	s10 =	sld [smem:$0x3FB0]  }
0x3d: {  	_ =	shalt  }
0x3e: {  	_ =	shalt  }
0x3f: {  	_ =	shalt  }
0x40: {  	_ =	shalt  }
0x41: {  	_ =	shalt  }
0x42: {  	_ =	shalt  }
0x43: {  	_ =	shalt  }
0x44: {  	_ =	shalt  }
0x45: {  	_ =	shalt  }
0x46: {  	_ =	shalt  }
0x47: {  	_ =	shalt  }
0x48: {  	_ =	shalt  }
0x49: {  	_ =	shalt  }
0x4a: {  	_ =	shalt  }
0x4b: {  	_ =	shalt  }
0x4c: {  	_ =	shalt  }
0x4d: {  	_ =	shalt  }
0x4e: {  	_ =	shalt  }
0x4f: {  	_ =	shalt  }
0x50: {  	_ =	shalt  }
0x51: {  	_ =	shalt  }
0x52: {  	_ =	shalt  }
0x53: {  	_ =	shalt  }
0x54: {  	_ =	shalt  }
0x55: {  	_ =	shalt  }
0x56: {  	_ =	shalt  }
0x57: {  	_ =	shalt  }
0x58: {  	_ =	shalt  }
0x59: {  	_ =	shalt  }
0x5a: {  	_ =	shalt  }
0x5b: {  	_ =	shalt  }
0x5c: {  	_ =	shalt  }
0x5d: {  	_ =	shalt  }
0x5e: {  	_ =	shalt  }
0x5f: {  	_ =	shalt  }
0x60: {  	_ =	shalt  }
0x61: {  	_ =	shalt  }
0x62: {  	_ =	shalt  }
0x63: {  	_ =	shalt  }
0x64: {  	_ =	shalt  }
0x65: {  	_ =	shalt  }
0x66: {  	_ =	shalt  }
0x67: {  	_ =	shalt  }
0x68: {  	_ =	shalt  }
0x69: {  	_ =	shalt  }
0x6a: {  	_ =	shalt  }
0x6b: {  	_ =	shalt  }
0x6c: {  	_ =	shalt  }
0x6d: {  	_ =	shalt  }
0x6e: {  	_ =	shalt  }
0x6f: {  	_ =	shalt  }
0x70: {  	_ =	shalt  }
0x71: {  	_ =	shalt  }
0x72: {  	_ =	shalt  }
0x73: {  	_ =	shalt  }
0x74: {  	_ =	shalt  }
0x75: {  	_ =	shalt  }
0x76: {  	_ =	shalt  }
0x77: {  	_ =	shalt  }
0x78: {  	_ =	shalt  }
0x79: {  	_ =	shalt  }
0x7a: {  	_ =	shalt  }
0x7b: {  	_ =	shalt  }
0x7c: {  	_ =	shalt  }
0x7d: {  	_ =	shalt  }
0x7e: {  	_ =	shalt  }
0x7f: {  	_ =	shalt  }
0x80: {  	_ =	shalt  }
0x81: {  	_ =	shalt  }
0x82: {  	_ =	shalt  }
0x83: {  	_ =	shalt  }
0x84: {  	_ =	shalt  }
0x85: {  	_ =	shalt  }
0x86: {  	_ =	shalt  }
0x87: {  	_ =	shalt  }
.Lfunc_end0:
.L_simem_size_0:
called_computation.2_lowered:
.L_overlay_start_0:
0x88: {  	s2 =	sld [smem:$0x3FD9]  }
0x89: {  	s3 =	sld [smem:$0x3FFE];
	_ =	sdelay $0x1  }
0x8a: {  	s1 =	srdreg.scid  }
0x8b: {  	s0 =	sand.u32 $0x1, s1  }
0x8c: {  	s14 =	sshll.u32 s0, $0xA;
	s2 =	sadd.s32 s3, s2  }
0x8d: {  	s2 =	sadd.s32 s2, s14  }
0x8e: {  	[smem:$0x3FBC] =	sst s2  }
0x8f: {  	_ = 	snop  }
0x90: {  	s2 =	sld [smem:$0x3FD0];
	_ =	sdelay $0x2  }
0x91: {  	s15 =	simm.s32 $0xA;
	s4 =	simm.s32 $0x10  }
0x92: {  	[smem:s4], [sflag:s15] =	dma.local [hbm:s2], $0x1  }
0x93: {  	_ =	swait.eq [sflag:s15], $0x1  }
0x94: {  	[sflag:s15] =	ssyncset.done $0x0  }
0x95: {  	[sflag:s15] =	ssyncadd.s32 $0xFFFFFFFF  }
0x96: {  	s16 =	sld [smem:$0x11];
	(tm) =	ssettm $0x1  }
0x97: {  	s17 =	sld [smem:$0x3FFB];
	_ =	sdelay $0x3  }
0x98: {  	_ =	strace s17  }
0x99: {  	s3 =	sld [smem:$0x3FFC];
	_ =	sdelay $0x3  }
0x9a: {  	_ =	strace s3  }
0x9b: {  	s3 =	sld [smem:$0x3FFD];
	_ =	sdelay $0x3  }
0x9c: {  	_ =	strace s3  }
0x9d: {  	_ =	strace $0x8FFFFFFF  }
0x9e: {  	s18 =	sld [smem:$0x3FDB];
	_ =	sdelay $0x1  }
0x9f: {  	s19 =	simm.s32 $_scs_section_size  }
0xa0: {  	s5 =	simm.s32 $_size__tile_overlayer_lowered;
	s6 =	simm.s32 $_tile_overlayer_lowered  }
0xa1: {  	s22 =	simm.s32 $0x1BFF;
	s21 =	sshll.u32 s6, $0x1;
	s3 =	sadd.s32 s19, s18  }
0xa2: {  	s7 =	simm.s32 $0x0;
	s20 =	sshll.u32 s5, $0x1;
	s5 =	sadd.s32 s21, s3  }
0xa3: {  	[timem:s7], [sflag:s22] =	dma.local [hbm:s5], s20  }
0xa4: {  	_ =	swait.ge [sflag:s22], s20  }
0xa5: {  	s4 =	ssub.s32 $0x0, s20;
	[sflag:s22] =	ssyncset.done $0x0  }
0xa6: {  	[sflag:s22] =	ssyncadd.s32 s4;
	_ =	sdelay $0x1  }
0xa7: {  	s23 =	simm.s32 $0x1B8B  }
0xa8: {  	_ =	swait.ge [sflag:s23], $0x1  }
0xa9: {  	[sflag:s23] =	ssyncset.done $0x0  }
0xaa: {  	s25 =	simm.s32 $0x1B8E;
	s24 =	sld [smem:$0x3FFE];
	[sflag:s23] =	ssyncadd.s32 $0xFFFFFFFF  }
0xab: {  	s26 =	simm.s32 $execute0_lowered;
	[smem:$0x3FD2] =	sst s25  }
0xac: {  	s5 =	sshll.u32 s26, $0x1;
	_ =	strace $0x8000004C;
	[dreg:$0x1] =	wrdreg $0xFFFFFFFF  }
0xad: {  	s28 =	simm.s32 $_size_execute0_lowered;
	s3 =	sadd.s32 s3, s5;
	[dreg:$0x0] =	wrdreg $0x0  }
0xae: {  	s5 =	sshll.u32 s28, $0x1;
	[dreg:$0x2] =	wrdreg s3  }
0xaf: {  	[dreg:$0x3] =	wrdreg s5  }
0xb0: {  	[dreg:$0x4] =	wrdreg $0xC0  }
0xb1: {  	_ =	task [dreg:s7], $0x5FFFF  }
0xb2: {  	[dreg:$0x1] =	wrdreg $0xFFFFFFFF  }
0xb3: {  	[dreg:$0x0] =	wrdreg $0x60  }
0xb4: {  	[dreg:$0x2] =	wrdreg s24  }
0xb5: {  	[dreg:$0x3] =	wrdreg s16  }
0xb6: {  	[dreg:$0x4] =	wrdreg $0x90000  }
0xb7: {  	[dreg:$0x5] =	wrdreg $0x12E000  }
0xb8: {  	[dreg:$0x6] =	wrdreg $0x9  }
0xb9: {  	_ =	task.clear_ibuf [dreg:s7], $0x7FFFF;
	_ =	strace $0x9000004C  }
0xba: {  	s29 =	simm.s32 $0x9;
	_ =	strace $0x8000004E  }
0xbb: {  	_ =	swait.ge [sflag:s29], $0x1  }
0xbc: {  	[sflag:s29] =	ssyncadd.s32 $0xFFFFFFFF  }
0xbd: {  	_ =	strace $0x9000004E  }
0xbe: {  	_ =	sfence  }
0xbf: {  	s30 =	sld [smem:$0x0];
	_ =	sdelay $0x2  }
0xc0: {  	s31 =	sshll.u32 s1, $0xD;
	s1 =	sshrl.u32 s1, $0x2  }
0xc1: {  	s3 =	sand.u32 $0x4000, s31;
	s1 =	sadd.s32 s1, s30  }
0xc2: {  	s0 =	sor.u32 s3, s0;
	s1 =	sshll.u32 s1, $0x11  }
0xc3: {  	s0 =	sor.u32 s1, s0  }
0xc4: {  	s0 =	sadd.s32 $0x8F2B, s0  }
0xc5: {  	[sflag:s0] =	ssyncadd.remote.s32 $0x1  }
0xc6: {  	_ =	sfence.sel $0xFFFF  }
0xc7: {  	[dreg:$0x0] =	wrdreg $0xFFFFFFFF;
	(pc) =	sbr.abs _section_cstart, $3  }
0xc8: {  	[dreg:$0x1] =	wrdreg $0xFFFFFFFF  }
0xc9: {  	_ =	task.clear_ibuf [dreg:s7], $0x2FFFF;
	_ =	strace $0x9FFFFFFF  }
0xca: {  	(tm) =	ssettm $0x7FFFFFFF  }
0xcb: {  	_ =	shalt  }
tec
execute0_lowered:
.L_overlay_start_1:
0x0: {  	(tag) =	ssettag $0x1  }
0x1: {  	s6 =	rddreg [dreg:$0x0]  }
0x2: {  	s1 =	rddreg [dreg:$0x1]  }
0x3: {  	s3 =	rddreg [dreg:$0x2];
	s0 =	stileid.u32  }
0x4: {  	s2 =	srdreg.scid;
	s4 =	rddreg [dreg:$0x3];
	s5 =	simm.s32 $0x0  }
0x5: {  	s16 =	simm.s32 $0x5000;
	s17 =	simm.s32 $0x7000;
	s7 =	smul.u32 $0xA00, s0  }
0x6: {  	s18 =	simm.s32 $0x1;
	s19 =	simm.s32 $0x2;
	s10 =	smul.u32 $0x1388, s0  }
0x7: {  	s20 =	simm.s32 $0x2780;
	s21 =	simm.s32 $0x4F00;
	s29 =	smul.u32 $0x9E00, s0  }
0x8: {  	s8 =	sand.u32 $0x1, s2;
	s2 =	rddreg [dreg:$0x4];
	s13 =	smul.u32 $0x27100, s0  }
0x9: {  	s22 =	simm.s32 $0x4F80;
	[smem:$0x7FF] =	sst s5;
	s9 =	smul.u32 $0x13880, s8  }
0xa: {  	s30 =	sshll.u32 s0, $0x6;
	s28 =	smul.u32 $0x13C00, s8;
	s8 =	ssub.s32 $0x2, s8  }
0xb: {  	_ =	strace $0x8000004D;
	s11 =	sadd.s32 s7, s6;
	s12 =	sshrl.u32 s8, $0x1  }
0xc: {  	s15 =	sadd.s32 s29, s3;
	s31 =	sshrl.u32 s13, $0x2;
	s24 =	sshrl.u32 s29, $0x3  }
0xd: {  	s9 =	sadd.s32 s10, s9;
	s14 =	sadd.s32 s28, s6;
	s12 =	ssub.s32 s8, s12  }
0xe: {  	s13 =	sadd.s32 s31, s4;
	s8 =	sadd.s32 $0xC600, s11;
	s9 =	sadd.s32 s9, s6  }
0xf: {  	s6 =	sor.u32 $0x1C03, s30;
	s23 =	sadd.s32 $0x8BA00, s14;
	s10 =	smax.u32 s12, $0x1  }
0x10: {  	s12 =	simm.s32 $0x3;
	s13 =	sshrl.u32 s13, $0x3;
	s14 =	simm.s32 $0x2800  }
0x11: {  	s7 =	sadd.s32 $0x64800, s9;
	s9 =	sadd.s32 $0x2600, s11;
	s11 =	sshrl.u32 s15, $0x3  }
0x12: {  	s15 =	simm.s32 $0x80;
	s23 =	sadd.s32 s24, s23;
	s24 =	simm.s32 $0x0  }
.LBB2_1:
0x13: {  	[spmem:s11], [sflag:s6] =	dma.local [hbm:s1], $0x13C0  }
0x14: {  	_ =	swait.ge [sflag:s12], $0x13C0  }
0x15: {  	[sflag:s12] =	ssyncset.done $0x0  }
0x16: {  	[sflag:s12] =	ssyncadd.s32 $0xFFFFEC40  }
0x17: {  	[spmem:s13], [sflag:s6] =	dma.local [hbm:s7], $0x1388  }
0x18: {  	_ =	swait.ge [sflag:s12], $0x1388  }
0x19: {  	[sflag:s12] =	ssyncset.done $0x0  }
0x1a: {  	[sflag:s12] =	ssyncadd.s32 $0xFFFFEC78  }
0x1b: {  	[bflag:$0x0] =	sbarrier.arrive $0xFFFF  }
0x1c: {  	[tilespmem:s5], [sflag:$0x3] =	stream.linear.gather [hbm4b:s8+s5], $0x2800, $0x38;
	[tilespmem:$0x1CA40] =	vst v63  }
0x1d: {  	_ =	swait.ge [sflag:s12], $0x2800  }
0x1e: {  	[sflag:s12] =	ssyncset.done $0x0  }
0x1f: {  	[sflag:s12] =	ssyncadd.s32 $0xFFFFD800  }
0x20: {  	[tilespmem:s14], [sflag:$0x3] =	stream.linear.gather [hbm4b:s9+s5], $0x2800, $0x38;
	[tilespmem:$0x1CA40] =	vst v63  }
0x21: {  	_ =	swait.ge [sflag:s12], $0x2800  }
0x22: {  	[sflag:s12] =	ssyncset.done $0x0  }
0x23: {  	[sflag:s12] =	ssyncadd.s32 $0xFFFFD800  }
0x24: {  	[tilespmem:s16], [sflag:$0x1] =	stream.indirect.gather [spmem:s4], $0x40, s5, s15, $0xb8;
	[tilespmem:$0x1CA40] =	vst v63  }
0x25: {  	s25 =	simm.s32 $0x80  }
0x26: {  	[tilespmem:s17], [sflag:$0x2] =	stream.indirect.gather [spmem:s4], $0x40, s25, s15, $0xb8;
	[tilespmem:$0x1CA40] =	vst v63  }
0x27: {  	_ =	swait.ge [sflag:s18], $0x2000  }
0x28: {  	[sflag:s18] =	ssyncset.done $0x0  }
0x29: {  	s29 =	simm.s32 $0x2800;
	[sflag:s18] =	ssyncadd.s32 $0xFFFFE000  }
0x2a: {  	[spmem:s3] =	stream.indirect.scatter.add.f32 [tilespmem:s16], [sflag:$0x3], $0x40, s29, s15, $0xb8;
	[tilespmem:$0x1CA40] =	vst v63  }
0x2b: {  	_ =	swait.ge [sflag:s12], $0x2000  }
0x2c: {  	[sflag:s12] =	ssyncset.done $0x0  }
0x2d: {  	s30 =	simm.s32 $0x100;
	[sflag:s12] =	ssyncadd.s32 $0xFFFFE000  }
0x2e: {  	[tilespmem:s16], [sflag:$0x1] =	stream.indirect.gather [spmem:s4], $0x40, s30, s15, $0xb8;
	[tilespmem:$0x1CA40] =	vst v63  }
0x2f: {  	_ =	swait.ge [sflag:s19], $0x2000  }
0x30: {  	[sflag:s19] =	ssyncset.done $0x0  }
0x31: {  	s31 =	simm.s32 $0x2880;
	[sflag:s19] =	ssyncadd.s32 $0xFFFFE000  }
0x32: {  	[spmem:s3] =	stream.indirect.scatter.add.f32 [tilespmem:s17], [sflag:$0x3], $0x40, s31, s15, $0xb8;
	[tilespmem:$0x1CA40] =	vst v63  }
0x33: {  	_ =	swait.ge [sflag:s12], $0x2000  }
0x34: {  	s26 =	simm.s32 $0x800;
	s25 =	simm.s32 $0x100;
	[sflag:s12] =	ssyncset.done $0x0  }
.LBB2_2:
0x35: {  	s28 =	sadd.s32 $0x80, s25  }
0x36: {  	[sflag:s12] =	ssyncadd.s32 $0xFFFFE000;
	s29 =	smov.u32 s26;
	s30 =	sadd.s32 $0x400, s26  }
0x37: {  	[tilespmem:s17], [sflag:$0x2] =	stream.indirect.gather [spmem:s4], $0x40, s28, s15, $0xb8;
	[tilespmem:$0x1CA40] =	vst v63  }
0x38: {  	p0 =	sne.s32 s26, $0x9800;
	_ =	swait.ge [sflag:s18], $0x2000  }
0x39: {  	[sflag:s18] =	ssyncset.done $0x0  }
0x3a: {  	s26 =	sadd.s32 $0x2800, s25;
	[sflag:s18] =	ssyncadd.s32 $0xFFFFE000  }
0x3b: {  	[spmem:s3] =	stream.indirect.scatter.add.f32 [tilespmem:s16], [sflag:$0x3], $0x40, s26, s15, $0xb8;
	[tilespmem:$0x1CA40] =	vst v63  }
0x3c: {  	_ =	swait.ge [sflag:s12], $0x2000  }
0x3d: {  	[sflag:s12] =	ssyncset.done $0x0  }
0x3e: {  	s26 =	sadd.s32 $0x100, s25;
	[sflag:s12] =	ssyncadd.s32 $0xFFFFE000  }
0x3f: {  	[tilespmem:s16], [sflag:$0x1] =	stream.indirect.gather [spmem:s4], $0x40, s26, s15, $0xb8;
	[tilespmem:$0x1CA40] =	vst v63  }
0x40: {  	_ =	swait.ge [sflag:s19], $0x2000  }
.Ltmp0:
0x41: {  	[sflag:s19] =	ssyncset.done $0x0;
	(pc) =	sbr.rel @p0 .LBB2_2-.Ltmp0, $4  }
0x42: {  	s25 =	sadd.s32 $0x2880, s25;
	[sflag:s19] =	ssyncadd.s32 $0xFFFFE000  }
0x43: {  	[spmem:s3] =	stream.indirect.scatter.add.f32 [tilespmem:s17], [sflag:$0x3], $0x40, s25, s15, $0xb8;
	[tilespmem:$0x1CA40] =	vst v63  }
0x44: {  	_ =	swait.ge [sflag:s12], $0x2000  }
0x45: {  	s26 =	smov.u32 s30;
	s25 =	sshra.s32 s29, $0x2;
	[sflag:s12] =	ssyncset.done $0x0  }
0x46: {  	s26 =	sadd.s32 $0x80, s25;
	[sflag:s12] =	ssyncadd.s32 $0xFFFFE000  }
0x47: {  	[tilespmem:s17], [sflag:$0x2] =	stream.indirect.gather [spmem:s4], $0x40, s26, s15, $0xb8;
	[tilespmem:$0x1CA40] =	vst v63  }
0x48: {  	_ =	swait.ge [sflag:s18], $0x2000  }
0x49: {  	[sflag:s18] =	ssyncset.done $0x0  }
0x4a: {  	s30 =	sadd.s32 $0x2800, s25;
	[sflag:s18] =	ssyncadd.s32 $0xFFFFE000  }
0x4b: {  	[spmem:s3] =	stream.indirect.scatter.add.f32 [tilespmem:s16], [sflag:$0x3], $0x40, s30, s15, $0xb8;
	[tilespmem:$0x1CA40] =	vst v63  }
0x4c: {  	_ =	swait.ge [sflag:s12], $0x2000  }
0x4d: {  	[sflag:s12] =	ssyncset.done $0x0  }
0x4e: {  	s31 =	sadd.s32 $0x100, s25;
	[sflag:s12] =	ssyncadd.s32 $0xFFFFE000  }
0x4f: {  	[tilespmem:s16], [sflag:$0x1] =	stream.indirect.gather [spmem:s4], $0x40, s31, s15, $0xb8;
	[tilespmem:$0x1CA40] =	vst v63  }
0x50: {  	_ =	swait.ge [sflag:s19], $0x2000  }
0x51: {  	[sflag:s19] =	ssyncset.done $0x0  }
0x52: {  	s28 =	sadd.s32 $0x2880, s25;
	[sflag:s19] =	ssyncadd.s32 $0xFFFFE000  }
0x53: {  	[spmem:s3] =	stream.indirect.scatter.add.f32 [tilespmem:s17], [sflag:$0x3], $0x40, s28, s15, $0xb8;
	[tilespmem:$0x1CA40] =	vst v63  }
0x54: {  	_ =	swait.ge [sflag:s12], $0x2000  }
0x55: {  	[sflag:s12] =	ssyncset.done $0x0  }
0x56: {  	[sflag:s12] =	ssyncadd.s32 $0xFFFFE000  }
0x57: {  	[tilespmem:s17], [sflag:$0x2] =	stream.indirect.gather [spmem:s4], $0x40, s20, s15, $0xb8;
	[tilespmem:$0x1CA40] =	vst v63  }
0x58: {  	_ =	swait.ge [sflag:s18], $0x2000  }
0x59: {  	[sflag:s18] =	ssyncset.done $0x0  }
0x5a: {  	[sflag:s18] =	ssyncadd.s32 $0xFFFFE000  }
0x5b: {  	[spmem:s3] =	stream.indirect.scatter.add.f32 [tilespmem:s16], [sflag:$0x3], $0x40, s21, s15, $0xb8;
	[tilespmem:$0x1CA40] =	vst v63  }
0x5c: {  	_ =	swait.ge [sflag:s12], $0x2000  }
0x5d: {  	[sflag:s12] =	ssyncset.done $0x0  }
0x5e: {  	[sflag:s12] =	ssyncadd.s32 $0xFFFFE000  }
0x5f: {  	_ =	swait.ge [sflag:s19], $0x2000  }
0x60: {  	[sflag:s19] =	ssyncset.done $0x0  }
0x61: {  	[sflag:s19] =	ssyncadd.s32 $0xFFFFE000  }
0x62: {  	[spmem:s3] =	stream.indirect.scatter.add.f32 [tilespmem:s17], [sflag:$0x3], $0x40, s22, s15, $0xb8;
	[tilespmem:$0x1CA40] =	vst v63  }
0x63: {  	_ =	swait.ge [sflag:s12], $0x2000  }
0x64: {  	[sflag:s12] =	ssyncset.done $0x0  }
0x65: {  	s29 =	sadd.s32 $0x500, s8;
	s30 =	simm.s32 $0x0;
	[sflag:s12] =	ssyncadd.s32 $0xFFFFE000  }
0x66: {  	[tilespmem:s30], [sflag:$0x3] =	stream.linear.gather [hbm4b:s29+s30], $0x2800, $0x38;
	[tilespmem:$0x1CA40] =	vst v63  }
0x67: {  	_ =	swait.ge [sflag:s12], $0x2800  }
0x68: {  	[sflag:s12] =	ssyncset.done $0x0  }
0x69: {  	s31 =	sadd.s32 $0x500, s9;
	[sflag:s12] =	ssyncadd.s32 $0xFFFFD800  }
0x6a: {  	[tilespmem:s14], [sflag:$0x3] =	stream.linear.gather [hbm4b:s31+s30], $0x2800, $0x38;
	[tilespmem:$0x1CA40] =	vst v63  }
0x6b: {  	_ =	swait.ge [sflag:s12], $0x2800  }
0x6c: {  	[sflag:s12] =	ssyncset.done $0x0  }
0x6d: {  	[sflag:s12] =	ssyncadd.s32 $0xFFFFD800  }
0x6e: {  	[tilespmem:s16], [sflag:$0x1] =	stream.indirect.gather [spmem:s4], $0x40, s30, s15, $0xb8;
	[tilespmem:$0x1CA40] =	vst v63  }
0x6f: {  	s28 =	simm.s32 $0x80  }
0x70: {  	[tilespmem:s17], [sflag:$0x2] =	stream.indirect.gather [spmem:s4], $0x40, s28, s15, $0xb8;
	[tilespmem:$0x1CA40] =	vst v63  }
0x71: {  	_ =	swait.ge [sflag:s18], $0x2000  }
0x72: {  	[sflag:s18] =	ssyncset.done $0x0  }
0x73: {  	s29 =	simm.s32 $0x2800;
	[sflag:s18] =	ssyncadd.s32 $0xFFFFE000  }
0x74: {  	[spmem:s3] =	stream.indirect.scatter.add.f32 [tilespmem:s16], [sflag:$0x3], $0x40, s29, s15, $0xb8;
	[tilespmem:$0x1CA40] =	vst v63  }
0x75: {  	_ =	swait.ge [sflag:s12], $0x2000  }
0x76: {  	[sflag:s12] =	ssyncset.done $0x0  }
0x77: {  	s30 =	simm.s32 $0x100;
	[sflag:s12] =	ssyncadd.s32 $0xFFFFE000  }
0x78: {  	[tilespmem:s16], [sflag:$0x1] =	stream.indirect.gather [spmem:s4], $0x40, s30, s15, $0xb8;
	[tilespmem:$0x1CA40] =	vst v63  }
0x79: {  	_ =	swait.ge [sflag:s19], $0x2000  }
0x7a: {  	[sflag:s19] =	ssyncset.done $0x0  }
0x7b: {  	s31 =	simm.s32 $0x2880;
	[sflag:s19] =	ssyncadd.s32 $0xFFFFE000  }
0x7c: {  	[spmem:s3] =	stream.indirect.scatter.add.f32 [tilespmem:s17], [sflag:$0x3], $0x40, s31, s15, $0xb8;
	[tilespmem:$0x1CA40] =	vst v63  }
0x7d: {  	_ =	swait.ge [sflag:s12], $0x2000  }
0x7e: {  	s25 =	simm.s32 $0x100;
	s26 =	simm.s32 $0x800;
	[sflag:s12] =	ssyncset.done $0x0  }
.LBB2_4:
0x7f: {  	s28 =	sadd.s32 $0x80, s25  }
0x80: {  	[sflag:s12] =	ssyncadd.s32 $0xFFFFE000;
	s29 =	smov.u32 s26;
	s30 =	sadd.s32 $0x400, s26  }
0x81: {  	[tilespmem:s17], [sflag:$0x2] =	stream.indirect.gather [spmem:s4], $0x40, s28, s15, $0xb8;
	[tilespmem:$0x1CA40] =	vst v63  }
0x82: {  	p0 =	sne.s32 s26, $0x9800;
	_ =	swait.ge [sflag:s18], $0x2000  }
0x83: {  	[sflag:s18] =	ssyncset.done $0x0  }
0x84: {  	s26 =	sadd.s32 $0x2800, s25;
	[sflag:s18] =	ssyncadd.s32 $0xFFFFE000  }
0x85: {  	[spmem:s3] =	stream.indirect.scatter.add.f32 [tilespmem:s16], [sflag:$0x3], $0x40, s26, s15, $0xb8;
	[tilespmem:$0x1CA40] =	vst v63  }
0x86: {  	_ =	swait.ge [sflag:s12], $0x2000  }
0x87: {  	[sflag:s12] =	ssyncset.done $0x0  }
0x88: {  	s26 =	sadd.s32 $0x100, s25;
	[sflag:s12] =	ssyncadd.s32 $0xFFFFE000  }
0x89: {  	[tilespmem:s16], [sflag:$0x1] =	stream.indirect.gather [spmem:s4], $0x40, s26, s15, $0xb8;
	[tilespmem:$0x1CA40] =	vst v63  }
0x8a: {  	_ =	swait.ge [sflag:s19], $0x2000  }
.Ltmp1:
0x8b: {  	[sflag:s19] =	ssyncset.done $0x0;
	(pc) =	sbr.rel @p0 .LBB2_4-.Ltmp1, $4  }
0x8c: {  	s25 =	sadd.s32 $0x2880, s25;
	[sflag:s19] =	ssyncadd.s32 $0xFFFFE000  }
0x8d: {  	[spmem:s3] =	stream.indirect.scatter.add.f32 [tilespmem:s17], [sflag:$0x3], $0x40, s25, s15, $0xb8;
	[tilespmem:$0x1CA40] =	vst v63  }
0x8e: {  	_ =	swait.ge [sflag:s12], $0x2000  }
0x8f: {  	s26 =	smov.u32 s30;
	s25 =	sshra.s32 s29, $0x2;
	[sflag:s12] =	ssyncset.done $0x0  }
0x90: {  	s26 =	sadd.s32 $0x80, s25;
	[sflag:s12] =	ssyncadd.s32 $0xFFFFE000  }
0x91: {  	[tilespmem:s17], [sflag:$0x2] =	stream.indirect.gather [spmem:s4], $0x40, s26, s15, $0xb8;
	[tilespmem:$0x1CA40] =	vst v63  }
0x92: {  	_ =	swait.ge [sflag:s18], $0x2000  }
0x93: {  	[sflag:s18] =	ssyncset.done $0x0  }
0x94: {  	s29 =	sadd.s32 $0x2800, s25;
	[sflag:s18] =	ssyncadd.s32 $0xFFFFE000  }
0x95: {  	[spmem:s3] =	stream.indirect.scatter.add.f32 [tilespmem:s16], [sflag:$0x3], $0x40, s29, s15, $0xb8;
	[tilespmem:$0x1CA40] =	vst v63  }
0x96: {  	_ =	swait.ge [sflag:s12], $0x2000  }
0x97: {  	[sflag:s12] =	ssyncset.done $0x0  }
0x98: {  	s30 =	sadd.s32 $0x100, s25;
	[sflag:s12] =	ssyncadd.s32 $0xFFFFE000  }
0x99: {  	[tilespmem:s16], [sflag:$0x1] =	stream.indirect.gather [spmem:s4], $0x40, s30, s15, $0xb8;
	[tilespmem:$0x1CA40] =	vst v63  }
0x9a: {  	_ =	swait.ge [sflag:s19], $0x2000  }
0x9b: {  	[sflag:s19] =	ssyncset.done $0x0  }
0x9c: {  	s31 =	sadd.s32 $0x2880, s25;
	[sflag:s19] =	ssyncadd.s32 $0xFFFFE000  }
0x9d: {  	[spmem:s3] =	stream.indirect.scatter.add.f32 [tilespmem:s17], [sflag:$0x3], $0x40, s31, s15, $0xb8;
	[tilespmem:$0x1CA40] =	vst v63  }
0x9e: {  	_ =	swait.ge [sflag:s12], $0x2000  }
0x9f: {  	[sflag:s12] =	ssyncset.done $0x0  }
0xa0: {  	[sflag:s12] =	ssyncadd.s32 $0xFFFFE000  }
0xa1: {  	[tilespmem:s17], [sflag:$0x2] =	stream.indirect.gather [spmem:s4], $0x40, s20, s15, $0xb8;
	[tilespmem:$0x1CA40] =	vst v63  }
0xa2: {  	_ =	swait.ge [sflag:s18], $0x2000  }
0xa3: {  	[sflag:s18] =	ssyncset.done $0x0  }
0xa4: {  	[sflag:s18] =	ssyncadd.s32 $0xFFFFE000  }
0xa5: {  	[spmem:s3] =	stream.indirect.scatter.add.f32 [tilespmem:s16], [sflag:$0x3], $0x40, s21, s15, $0xb8;
	[tilespmem:$0x1CA40] =	vst v63  }
0xa6: {  	_ =	swait.ge [sflag:s12], $0x2000  }
0xa7: {  	[sflag:s12] =	ssyncset.done $0x0  }
0xa8: {  	[sflag:s12] =	ssyncadd.s32 $0xFFFFE000  }
0xa9: {  	_ =	swait.ge [sflag:s19], $0x2000  }
0xaa: {  	[sflag:s19] =	ssyncset.done $0x0  }
0xab: {  	[sflag:s19] =	ssyncadd.s32 $0xFFFFE000  }
0xac: {  	[spmem:s3] =	stream.indirect.scatter.add.f32 [tilespmem:s17], [sflag:$0x3], $0x40, s22, s15, $0xb8;
	[tilespmem:$0x1CA40] =	vst v63  }
0xad: {  	_ =	swait.ge [sflag:s12], $0x2000  }
0xae: {  	s24 =	sadd.s32 $0x1, s24;
	[sflag:s12] =	ssyncset.done $0x0  }
0xaf: {  	p0 =	sne.s32 s24, s10;
	[sflag:s12] =	ssyncadd.s32 $0xFFFFE000  }
.Ltmp2:
0xb0: {  	[bflag:$0x0] =	sbarrier.arrive $0xFFFF;
	(pc) =	sbr.rel @p0 .LBB2_1-.Ltmp2, $4  }
0xb1: {  	[hbm:s23], [sflag:s6] =	dma.local [spmem:s11], $0x13C0  }
0xb2: {  	_ =	swait.ge [sflag:s12], $0x13C0  }
0xb3: {  	[sflag:s12] =	ssyncset.done $0x0  }
0xb4: {  	[sflag:s12] =	ssyncadd.s32 $0xFFFFEC40  }
0xb5: {  	_ =	sfence.sel $0x180000  }
0xb6: {  	[bflag:$0x0] =	sbarrier.arrive $0xFFFF  }
0xb7: {  	p0 =	sne.s32 s0, $0x0;
	_ =	strace $0x9000004D  }
0xb8: {  	s0 =	sadd.s32 @!p0 $0x100000, s2;
	[bflag:$0x2] =	sbarrier.arrive $0xFFFF  }
0xb9: {  	[sflag:s0] =	ssyncadd.tile.s32 @!p0 $0x1;
	_ =	shalt  }
.Lfunc_end2:
_tile_overlayer_lowered:
.L_overlay_start_2:
0xba: {  	(tag) =	ssettag $0x2  }
0xbb: {  	s0 =	rddreg [dreg:$0x0];
	s2 =	stileid.u32  }
0xbc: {  	s1 =	rddreg [dreg:$0x1];
	p0 =	sne.s32 s2, $0x0  }
0xbd: {  	s3 =	rddreg [dreg:$0x2];
	[bflag:$0x3] =	sbarrier.arrive $0xFFFF;
	s2 =	simm.s32 @!p0 $0x1C03  }
0xbe: {  	[timem:s3], [sflag:s2] =	dma.local @!p0 [hbm:s0], s1  }
0xbf: {  	s0 =	simm.s32 @!p0 $0x3  }
0xc0: {  	_ =	swait.ge @!p0 [sflag:s0], s1  }
0xc1: {  	s1 =	ssub.s32 @!p0 $0x0, s1;
	[sflag:s0] =	ssyncset.done @!p0 $0x0  }
0xc2: {  	[sflag:s0] =	ssyncadd.s32 @!p0 s1  }
0xc3: {  	[bflag:$0x3] =	sbarrier.arrive $0xFFFF  }
0xc4: {  	_ =	shalt  }

// kernel: kernel.8.cloned.1.call-start
scs
__scs_entry_jumppad:
0x0: {  	(pc) =	sbr.rel $0x88, $3  }
0x1: {  	(tag) =	ssettag $0x0;
	lr =	simm.s32 $0x1  }
0x2: {  	[smem:$0x3F95] =	sst lr;
	_ =	strace $0xD0000000  }
0x3: {  	_ = 	snop  }
0x4: {  	_ = 	snop  }
0x5: {  	_ = 	snop  }
0x6: {  	_ = 	snop  }
0x7: {  	_ = 	snop  }
__scs_overlays_trampoline_lowered:
0x8: {  	[smem:$0x3FA4] =	sst s0  }
0x9: {  	[smem:$0x3FA5] =	sst s1  }
0xa: {  	[smem:$0x3FA6] =	sst s2  }
0xb: {  	[smem:$0x3FA7] =	sst s3  }
0xc: {  	[smem:$0x3FA8] =	sst s4  }
0xd: {  	[smem:$0x3FA9] =	sst s5  }
0xe: {  	[smem:$0x3FAA] =	sst s6  }
0xf: {  	[smem:$0x3FAB] =	sst s7  }
0x10: {  	[smem:$0x3FAC] =	sst s8  }
0x11: {  	[smem:$0x3FAD] =	sst s9;
	s0 =	simm.s32 @!p0 $0x0  }
0x12: {  	s1 =	sld [smem:$0x3F93];
	s0 =	simm.s32 @p0 $0x1  }
0x13: {  	[smem:$0x3FAE] =	sst s0;
	s0 =	simm.s32 @!p1 $0x0  }
0x14: {  	s2 =	sld [smem:$0x3F92];
	s0 =	simm.s32 @p1 $0x1  }
0x15: {  	[smem:$0x3FAF] =	sst s0;
	s0 =	simm.s32 @!p2 $0x0  }
0x16: {  	s3 =	sld [smem:$0x3FDB];
	s0 =	simm.s32 @p2 $0x1  }
0x17: {  	s4 =	simm.s32 $0x1BF5;
	[smem:$0x3FB1] =	sst s0  }
0x18: {  	s0 =	sld [smem:$0x3F94];
	_ =	swait.ge [sflag:s4], $0x0  }
0x19: {  	s7 =	sld [smem:$0x3F95]  }
0x1a: {  	s8 =	sadd.s32 $0xFFFFE003, lr  }
0x1b: {  	s9 =	sadd.s32 $0xFFFFFEF7, lr;
	s5 =	simm.s32 $0xFFFFFFFF;
	p2 =	slt.u32 s8, $0xFFFFF086  }
0x1c: {  	p1 =	slt.u32 s9, $0xF7A;
	s5 =	simm.s32 @!p2 $0x0  }
0x1d: {  	s5 =	simm.s32 @p1 $0x1;
	p0 =	seq.s32 s7, s2  }
0x1e: {  	s7 =	smul.u32 @!p0 $0xF7A, s2;
	p2 =	seq.s32 @!p0 s5, $0x0  }
0x1f: {  	s9 =	smul.u32 $0xF7A, s1;
	s8 =	simm.s32 @!p0 $0x1BF5;
	p2 =	por !p2, p0  }
0x20: {  	[sflag:s8] =	ssyncset.s32 @!p0 $0xFFFFF086;
	s6 =	sadd.s32 @!p0 s3, s7;
	s7 =	simm.s32 @!p0 $0x108  }
0x21: {  	s3 =	sadd.s32 s3, s9;
	s6 =	sadd.s32 @!p0 $0x88, s6;
	s7 =	simm.s32 @p2 $0x1082  }
0x22: {  	[simem:s7], [sflag:s8] =	dma.local @!p0 [hbm:s6], $0xF7A  }
0x23: {  	s9 =	sor.u32 $0xD0000000, s2;
	s6 =	simm.s32 $0x108;
	_ =	swait.ge @!p0 [sflag:s8], $0x0  }
0x24: {  	s3 =	sadd.s32 $0x88, s3;
	s6 =	simm.s32 @!p1 $0x1082;
	[sflag:s4] =	ssyncset.s32 $0xFFFFF086  }
0x25: {  	[simem:s6], [sflag:s4] =	dma.local [hbm:s3], $0xF7A  }
0x26: {  	[smem:$0x3F95] =	sst s1;
	(tag) =	ssettag s2;
	_ =	strace s9  }
0x27: {  	s1 =	sld [smem:$0x3FA5]  }
0x28: {  	s2 =	sld [smem:$0x3FA6]  }
0x29: {  	s4 =	sld [smem:$0x3FA8]  }
0x2a: {  	p0 =	seq.s32 s5, $0x0;
	s5 =	sld [smem:$0x3FA9]  }
0x2b: {  	s6 =	sld [smem:$0x3FAA]  }
0x2c: {  	s7 =	sld [smem:$0x3FAB]  }
0x2d: {  	s3 =	simm.s32 $0x108;
	s8 =	sld [smem:$0x3FAC]  }
0x2e: {  	s3 =	simm.s32 @!p0 $0x1082;
	s9 =	sld [smem:$0x3FAD]  }
0x2f: {  	lr =	sadd.s32 s0, s3;
	s0 =	sld [smem:$0x3FA4]  }
0x30: {  	s3 =	sld [smem:$0x3FA7]  }
0x31: {  	[smem:$0x3FB0] =	sst s10  }
0x32: {  	s10 =	sld [smem:$0x3FAE];
	_ =	sdelay $0x3  }
0x33: {  	p0 =	seq.s32 s10, $0x1;
	s10 =	sld [smem:$0x3FB0];
	_ =	sdelay $0x3  }
0x34: {  	[smem:$0x3FB0] =	sst s10  }
0x35: {  	s10 =	sld [smem:$0x3FAF];
	_ =	sdelay $0x3  }
0x36: {  	p1 =	seq.s32 s10, $0x1;
	s10 =	sld [smem:$0x3FB0];
	_ =	sdelay $0x3  }
0x37: {  	[smem:$0x3FB0] =	sst s10  }
0x38: {  	s10 =	sld [smem:$0x3FB1]  }
0x39: {  	_ = 	snop;
	(pc) =	sbr.ind lr, $3  }
0x3a: {  	_ = 	snop  }
0x3b: {  	_ = 	snop  }
0x3c: {  	p2 =	seq.s32 s10, $0x1;
	s10 =	sld [smem:$0x3FB0]  }
0x3d: {  	_ =	shalt  }
0x3e: {  	_ =	shalt  }
0x3f: {  	_ =	shalt  }
0x40: {  	_ =	shalt  }
0x41: {  	_ =	shalt  }
0x42: {  	_ =	shalt  }
0x43: {  	_ =	shalt  }
0x44: {  	_ =	shalt  }
0x45: {  	_ =	shalt  }
0x46: {  	_ =	shalt  }
0x47: {  	_ =	shalt  }
0x48: {  	_ =	shalt  }
0x49: {  	_ =	shalt  }
0x4a: {  	_ =	shalt  }
0x4b: {  	_ =	shalt  }
0x4c: {  	_ =	shalt  }
0x4d: {  	_ =	shalt  }
0x4e: {  	_ =	shalt  }
0x4f: {  	_ =	shalt  }
0x50: {  	_ =	shalt  }
0x51: {  	_ =	shalt  }
0x52: {  	_ =	shalt  }
0x53: {  	_ =	shalt  }
0x54: {  	_ =	shalt  }
0x55: {  	_ =	shalt  }
0x56: {  	_ =	shalt  }
0x57: {  	_ =	shalt  }
0x58: {  	_ =	shalt  }
0x59: {  	_ =	shalt  }
0x5a: {  	_ =	shalt  }
0x5b: {  	_ =	shalt  }
0x5c: {  	_ =	shalt  }
0x5d: {  	_ =	shalt  }
0x5e: {  	_ =	shalt  }
0x5f: {  	_ =	shalt  }
0x60: {  	_ =	shalt  }
0x61: {  	_ =	shalt  }
0x62: {  	_ =	shalt  }
0x63: {  	_ =	shalt  }
0x64: {  	_ =	shalt  }
0x65: {  	_ =	shalt  }
0x66: {  	_ =	shalt  }
0x67: {  	_ =	shalt  }
0x68: {  	_ =	shalt  }
0x69: {  	_ =	shalt  }
0x6a: {  	_ =	shalt  }
0x6b: {  	_ =	shalt  }
0x6c: {  	_ =	shalt  }
0x6d: {  	_ =	shalt  }
0x6e: {  	_ =	shalt  }
0x6f: {  	_ =	shalt  }
0x70: {  	_ =	shalt  }
0x71: {  	_ =	shalt  }
0x72: {  	_ =	shalt  }
0x73: {  	_ =	shalt  }
0x74: {  	_ =	shalt  }
0x75: {  	_ =	shalt  }
0x76: {  	_ =	shalt  }
0x77: {  	_ =	shalt  }
0x78: {  	_ =	shalt  }
0x79: {  	_ =	shalt  }
0x7a: {  	_ =	shalt  }
0x7b: {  	_ =	shalt  }
0x7c: {  	_ =	shalt  }
0x7d: {  	_ =	shalt  }
0x7e: {  	_ =	shalt  }
0x7f: {  	_ =	shalt  }
0x80: {  	_ =	shalt  }
0x81: {  	_ =	shalt  }
0x82: {  	_ =	shalt  }
0x83: {  	_ =	shalt  }
0x84: {  	_ =	shalt  }
0x85: {  	_ =	shalt  }
0x86: {  	_ =	shalt  }
0x87: {  	_ =	shalt  }
.Lfunc_end0:
.L_simem_size_0:
called_computation_lowered:
.L_overlay_start_0:
0x88: {  	s2 =	sld [smem:$0x3FD9]  }
0x89: {  	s3 =	sld [smem:$0x3FFE];
	_ =	sdelay $0x1  }
0x8a: {  	s1 =	srdreg.scid  }
0x8b: {  	s0 =	sand.u32 $0x1, s1  }
0x8c: {  	s14 =	sshll.u32 s0, $0xA;
	s2 =	sadd.s32 s3, s2  }
0x8d: {  	s2 =	sadd.s32 s2, s14  }
0x8e: {  	[smem:$0x3FBC] =	sst s2  }
0x8f: {  	_ = 	snop  }
0x90: {  	s2 =	sld [smem:$0x3FD0];
	_ =	sdelay $0x2  }
0x91: {  	s15 =	simm.s32 $0xA;
	s4 =	simm.s32 $0x10  }
0x92: {  	[smem:s4], [sflag:s15] =	dma.local [hbm:s2], $0x1  }
0x93: {  	_ =	swait.eq [sflag:s15], $0x1  }
0x94: {  	[sflag:s15] =	ssyncset.done $0x0  }
0x95: {  	s16 =	sld [smem:$0x10];
	[sflag:s15] =	ssyncadd.s32 $0xFFFFFFFF  }
0x96: {  	s17 =	sld [smem:$0x11];
	(tm) =	ssettm $0x1  }
0x97: {  	s18 =	sld [smem:$0x3FFB];
	_ =	sdelay $0x3  }
0x98: {  	_ =	strace s18  }
0x99: {  	s4 =	sld [smem:$0x3FFC];
	_ =	sdelay $0x3  }
0x9a: {  	_ =	strace s4  }
0x9b: {  	s4 =	sld [smem:$0x3FFD];
	_ =	sdelay $0x3  }
0x9c: {  	_ =	strace s4  }
0x9d: {  	_ =	strace $0x8FFFFFFF  }
0x9e: {  	s19 =	sld [smem:$0x3FDB];
	_ =	sdelay $0x1  }
0x9f: {  	s5 =	simm.s32 $_scs_section_size  }
0xa0: {  	s6 =	simm.s32 $_size__tile_overlayer_lowered;
	s7 =	simm.s32 $_tile_overlayer_lowered  }
0xa1: {  	s22 =	simm.s32 $0x1BFF;
	s21 =	sshll.u32 s7, $0x1;
	s4 =	sadd.s32 s5, s19  }
0xa2: {  	s8 =	simm.s32 $0x0;
	s20 =	sshll.u32 s6, $0x1;
	s6 =	sadd.s32 s21, s4  }
0xa3: {  	[timem:s8], [sflag:s22] =	dma.local [hbm:s6], s20  }
0xa4: {  	_ =	swait.ge [sflag:s22], s20  }
0xa5: {  	s5 =	ssub.s32 $0x0, s20;
	[sflag:s22] =	ssyncset.done $0x0  }
0xa6: {  	[sflag:s22] =	ssyncadd.s32 s5;
	_ =	sdelay $0x1  }
0xa7: {  	s23 =	simm.s32 $0x1B8B  }
0xa8: {  	_ =	swait.ge [sflag:s23], $0x1  }
0xa9: {  	[sflag:s23] =	ssyncset.done $0x0  }
0xaa: {  	s25 =	simm.s32 $0x1B8E;
	s24 =	sld [smem:$0x3FFE];
	[sflag:s23] =	ssyncadd.s32 $0xFFFFFFFF  }
0xab: {  	s26 =	simm.s32 $execute0_lowered;
	[smem:$0x3FD2] =	sst s25  }
0xac: {  	s6 =	sshll.u32 s26, $0x1;
	_ =	strace $0x80000046;
	[dreg:$0x1] =	wrdreg $0xFFFFFFFF  }
0xad: {  	s28 =	simm.s32 $_size_execute0_lowered;
	s4 =	sadd.s32 s4, s6;
	[dreg:$0x0] =	wrdreg $0x0  }
0xae: {  	s6 =	sshll.u32 s28, $0x1;
	[dreg:$0x2] =	wrdreg s4  }
0xaf: {  	[dreg:$0x3] =	wrdreg s6  }
0xb0: {  	[dreg:$0x4] =	wrdreg $0xC0  }
0xb1: {  	_ =	task [dreg:s8], $0x5FFFF  }
0xb2: {  	[dreg:$0x1] =	wrdreg $0xFFFFFFFF  }
0xb3: {  	[dreg:$0x0] =	wrdreg $0x60  }
0xb4: {  	[dreg:$0x2] =	wrdreg s24  }
0xb5: {  	[dreg:$0x3] =	wrdreg s16  }
0xb6: {  	[dreg:$0x4] =	wrdreg s17  }
0xb7: {  	[dreg:$0x5] =	wrdreg $0x28800  }
0xb8: {  	[dreg:$0x6] =	wrdreg $0x9  }
0xb9: {  	_ =	task.clear_ibuf [dreg:s8], $0x7FFFF;
	_ =	strace $0x90000046  }
0xba: {  	s29 =	simm.s32 $0x9;
	_ =	strace $0x80000048  }
0xbb: {  	_ =	swait.ge [sflag:s29], $0x1  }
0xbc: {  	[sflag:s29] =	ssyncadd.s32 $0xFFFFFFFF  }
0xbd: {  	_ =	strace $0x90000048  }
0xbe: {  	_ =	sfence  }
0xbf: {  	s30 =	sld [smem:$0x0];
	_ =	sdelay $0x2  }
0xc0: {  	s31 =	sshll.u32 s1, $0xD;
	s1 =	sshrl.u32 s1, $0x2  }
0xc1: {  	s3 =	sand.u32 $0x4000, s31;
	s1 =	sadd.s32 s1, s30  }
0xc2: {  	s0 =	sor.u32 s3, s0;
	s1 =	sshll.u32 s1, $0x11  }
0xc3: {  	s0 =	sor.u32 s1, s0  }
0xc4: {  	s0 =	sadd.s32 $0x8F2B, s0  }
0xc5: {  	[sflag:s0] =	ssyncadd.remote.s32 $0x1  }
0xc6: {  	_ =	sfence.sel $0xFFFF  }
0xc7: {  	[dreg:$0x0] =	wrdreg $0xFFFFFFFF;
	(pc) =	sbr.abs _section_cstart, $3  }
0xc8: {  	[dreg:$0x1] =	wrdreg $0xFFFFFFFF  }
0xc9: {  	_ =	task.clear_ibuf [dreg:s8], $0x2FFFF;
	_ =	strace $0x9FFFFFFF  }
0xca: {  	(tm) =	ssettm $0x7FFFFFFF  }
0xcb: {  	_ =	shalt  }
tec
execute0_lowered:
.L_overlay_start_1:
0x0: {  	(tag) =	ssettag $0x1  }
0x1: {  	s5 =	rddreg [dreg:$0x0]  }
0x2: {  	s1 =	rddreg [dreg:$0x1];
	s2 =	srdreg.scid  }
0x3: {  	s0 =	stileid.u32;
	s7 =	rddreg [dreg:$0x2]  }
0x4: {  	s3 =	rddreg [dreg:$0x3];
	s4 =	simm.s32 $0x0;
	s11 =	simm.s32 $0x2800  }
0x5: {  	s12 =	simm.s32 $0x1;
	s15 =	simm.s32 $0x10;
	s6 =	smul.u32 $0x5000, s0  }
0x6: {  	s8 =	sand.u32 $0x1, s2;
	s2 =	rddreg [dreg:$0x4];
	s29 =	smul.u32 $0xA00, s0  }
0x7: {  	s16 =	simm.s32 $0x0;
	[smem:$0x7FF] =	sst s4;
	s14 =	smul.u32 $0xA0, s0  }
0x8: {  	s31 =	sshll.u32 s0, $0x6;
	s9 =	smul.u32 $0x2800, s8;
	s10 =	ssub.s32 $0x2, s8  }
0x9: {  	_ =	strace $0x80000047;
	s8 =	sshll.u32 s8, $0x4;
	s30 =	sshrl.u32 s10, $0x1  }
0xa: {  	s13 =	sadd.s32 s7, s8;
	s6 =	sadd.s32 s9, s6;
	s9 =	sshrl.u32 s29, $0x2  }
0xb: {  	s10 =	ssub.s32 s10, s30;
	s13 =	sadd.s32 s14, s13;
	s14 =	simm.s32 $0x20  }
0xc: {  	s6 =	sshrl.u32 s6, $0x3;
	s9 =	sadd.s32 s9, s3;
	s7 =	smax.u32 s10, $0x1  }
0xd: {  	s10 =	simm.s32 $0x80;
	s6 =	sadd.s32 s6, s5;
	s5 =	sor.u32 $0x1C02, s31  }
0xe: {  	v0 =	vimm.f32 $1.000000000e+00;
	s8 =	sshrl.u32 s9, $0x3;
	s9 =	simm.s32 $0x2;
	s6 =	sadd.s32 $0x2600, s6  }
.LBB2_1:
0xf: {  	[spmem:s8], [sflag:s5] =	dma.local [hbm:s1], $0x50  }
0x10: {  	_ =	swait.ge [sflag:s9], $0x50  }
0x11: {  	[sflag:s9] =	ssyncset.done $0x0  }
0x12: {  	[sflag:s9] =	ssyncadd.s32 $0xFFFFFFB0  }
0x13: {  	[tilespmem:$0x2800] =	vst v0  }
0x14: {  	[tilespmem:$0x2810] =	vst v0  }
0x15: {  	[tilespmem:$0x2820] =	vst v0  }
0x16: {  	[tilespmem:$0x2830] =	vst v0  }
0x17: {  	[tilespmem:$0x2840] =	vst v0  }
0x18: {  	[tilespmem:$0x2850] =	vst v0  }
0x19: {  	[tilespmem:$0x2860] =	vst v0  }
0x1a: {  	[tilespmem:$0x2870] =	vst v0  }
0x1b: {  	[tilespmem:s4], [sflag:$0x2] =	stream.linear.gather [hbm4b:s6+s4], $0x2800, $0x38;
	[tilespmem:$0x2B00] =	vst v63  }
0x1c: {  	_ =	swait.ge [sflag:s9], $0x2800  }
0x1d: {  	[sflag:s9] =	ssyncset.done $0x0  }
0x1e: {  	[sflag:s9] =	ssyncadd.s32 $0xFFFFD800  }
0x1f: {  	s17 =	simm.s32 $0x0;
	[bflag:$0x0] =	sbarrier.arrive $0xFFFF  }
0x20: {  	[spmem:s3] =	stream.indirect.scatter.add.f32 [tilespmem:s11], [sflag:$0x1], $0x1, s17, s10, $0xb8;
	[tilespmem:$0x2B00] =	vst v63  }
0x21: {  	s24 =	simm.s32 $0x80  }
0x22: {  	[spmem:s3] =	stream.indirect.scatter.add.f32 [tilespmem:s11], [sflag:$0x1], $0x1, s24, s10, $0xb8;
	[tilespmem:$0x2B00] =	vst v63  }
0x23: {  	s25 =	simm.s32 $0x100  }
0x24: {  	[spmem:s3] =	stream.indirect.scatter.add.f32 [tilespmem:s11], [sflag:$0x1], $0x1, s25, s10, $0xb8;
	[tilespmem:$0x2B00] =	vst v63  }
0x25: {  	s26 =	simm.s32 $0x180  }
0x26: {  	[spmem:s3] =	stream.indirect.scatter.add.f32 [tilespmem:s11], [sflag:$0x1], $0x1, s26, s10, $0xb8;
	[tilespmem:$0x2B00] =	vst v63  }
0x27: {  	s28 =	simm.s32 $0x200  }
0x28: {  	[spmem:s3] =	stream.indirect.scatter.add.f32 [tilespmem:s11], [sflag:$0x1], $0x1, s28, s10, $0xb8;
	[tilespmem:$0x2B00] =	vst v63  }
0x29: {  	s29 =	simm.s32 $0x280  }
0x2a: {  	[spmem:s3] =	stream.indirect.scatter.add.f32 [tilespmem:s11], [sflag:$0x1], $0x1, s29, s10, $0xb8;
	[tilespmem:$0x2B00] =	vst v63  }
0x2b: {  	s30 =	simm.s32 $0x300  }
0x2c: {  	[spmem:s3] =	stream.indirect.scatter.add.f32 [tilespmem:s11], [sflag:$0x1], $0x1, s30, s10, $0xb8;
	[tilespmem:$0x2B00] =	vst v63  }
0x2d: {  	s31 =	simm.s32 $0x380  }
0x2e: {  	[spmem:s3] =	stream.indirect.scatter.add.f32 [tilespmem:s11], [sflag:$0x1], $0x1, s31, s10, $0xb8;
	[tilespmem:$0x2B00] =	vst v63  }
0x2f: {  	_ =	swait.ge [sflag:s12], $0x80  }
0x30: {  	[sflag:s12] =	ssyncset.done $0x0  }
0x31: {  	[sflag:s12] =	ssyncadd.s32 $0xFFFFFF80  }
0x32: {  	_ =	swait.ge [sflag:s12], $0x80  }
0x33: {  	[sflag:s12] =	ssyncset.done $0x0  }
0x34: {  	[sflag:s12] =	ssyncadd.s32 $0xFFFFFF80  }
0x35: {  	_ =	swait.ge [sflag:s12], $0x80  }
0x36: {  	[sflag:s12] =	ssyncset.done $0x0  }
0x37: {  	[sflag:s12] =	ssyncadd.s32 $0xFFFFFF80  }
0x38: {  	_ =	swait.ge [sflag:s12], $0x80  }
0x39: {  	[sflag:s12] =	ssyncset.done $0x0  }
0x3a: {  	[sflag:s12] =	ssyncadd.s32 $0xFFFFFF80  }
0x3b: {  	_ =	swait.ge [sflag:s12], $0x80  }
0x3c: {  	[sflag:s12] =	ssyncset.done $0x0  }
0x3d: {  	[sflag:s12] =	ssyncadd.s32 $0xFFFFFF80  }
0x3e: {  	_ =	swait.ge [sflag:s12], $0x80  }
0x3f: {  	[sflag:s12] =	ssyncset.done $0x0  }
0x40: {  	[sflag:s12] =	ssyncadd.s32 $0xFFFFFF80  }
0x41: {  	_ =	swait.ge [sflag:s12], $0x80  }
0x42: {  	[sflag:s12] =	ssyncset.done $0x0  }
0x43: {  	[sflag:s12] =	ssyncadd.s32 $0xFFFFFF80  }
0x44: {  	_ =	swait.ge [sflag:s12], $0x80  }
0x45: {  	s19 =	simm.s32 $0x2000;
	s17 =	simm.s32 $0x1000;
	[sflag:s12] =	ssyncset.done $0x0  }
.LBB2_2:
0x46: {  	s20 =	sshra.s32 s17, $0x2  }
0x47: {  	[sflag:s12] =	ssyncadd.s32 $0xFFFFFF80;
	s17 =	smov.u32 s19;
	s18 =	sadd.s32 $0x1000, s19  }
0x48: {  	[spmem:s3] =	stream.indirect.scatter.add.f32 [tilespmem:s11], [sflag:$0x1], $0x1, s20, s10, $0xb8;
	[tilespmem:$0x2B00] =	vst v63  }
0x49: {  	p0 =	sne.s32 s19, $0x9000;
	s19 =	sadd.s32 $0x80, s20  }
0x4a: {  	[spmem:s3] =	stream.indirect.scatter.add.f32 [tilespmem:s11], [sflag:$0x1], $0x1, s19, s10, $0xb8;
	[tilespmem:$0x2B00] =	vst v63  }
0x4b: {  	s19 =	sadd.s32 $0x100, s20  }
0x4c: {  	[spmem:s3] =	stream.indirect.scatter.add.f32 [tilespmem:s11], [sflag:$0x1], $0x1, s19, s10, $0xb8;
	[tilespmem:$0x2B00] =	vst v63  }
0x4d: {  	s19 =	sadd.s32 $0x180, s20  }
0x4e: {  	[spmem:s3] =	stream.indirect.scatter.add.f32 [tilespmem:s11], [sflag:$0x1], $0x1, s19, s10, $0xb8;
	[tilespmem:$0x2B00] =	vst v63  }
0x4f: {  	s19 =	sadd.s32 $0x200, s20  }
0x50: {  	[spmem:s3] =	stream.indirect.scatter.add.f32 [tilespmem:s11], [sflag:$0x1], $0x1, s19, s10, $0xb8;
	[tilespmem:$0x2B00] =	vst v63  }
0x51: {  	s19 =	sadd.s32 $0x280, s20  }
0x52: {  	[spmem:s3] =	stream.indirect.scatter.add.f32 [tilespmem:s11], [sflag:$0x1], $0x1, s19, s10, $0xb8;
	[tilespmem:$0x2B00] =	vst v63  }
0x53: {  	s19 =	sadd.s32 $0x300, s20  }
0x54: {  	[spmem:s3] =	stream.indirect.scatter.add.f32 [tilespmem:s11], [sflag:$0x1], $0x1, s19, s10, $0xb8;
	[tilespmem:$0x2B00] =	vst v63  }
0x55: {  	s19 =	sadd.s32 $0x380, s20  }
0x56: {  	[spmem:s3] =	stream.indirect.scatter.add.f32 [tilespmem:s11], [sflag:$0x1], $0x1, s19, s10, $0xb8;
	[tilespmem:$0x2B00] =	vst v63  }
0x57: {  	_ =	swait.ge [sflag:s12], $0x80  }
0x58: {  	[sflag:s12] =	ssyncset.done $0x0  }
0x59: {  	[sflag:s12] =	ssyncadd.s32 $0xFFFFFF80  }
0x5a: {  	_ =	swait.ge [sflag:s12], $0x80  }
0x5b: {  	[sflag:s12] =	ssyncset.done $0x0  }
0x5c: {  	[sflag:s12] =	ssyncadd.s32 $0xFFFFFF80  }
0x5d: {  	_ =	swait.ge [sflag:s12], $0x80  }
0x5e: {  	[sflag:s12] =	ssyncset.done $0x0  }
0x5f: {  	[sflag:s12] =	ssyncadd.s32 $0xFFFFFF80  }
0x60: {  	_ =	swait.ge [sflag:s12], $0x80  }
0x61: {  	[sflag:s12] =	ssyncset.done $0x0  }
0x62: {  	[sflag:s12] =	ssyncadd.s32 $0xFFFFFF80  }
0x63: {  	_ =	swait.ge [sflag:s12], $0x80  }
0x64: {  	[sflag:s12] =	ssyncset.done $0x0  }
0x65: {  	[sflag:s12] =	ssyncadd.s32 $0xFFFFFF80  }
0x66: {  	_ =	swait.ge [sflag:s12], $0x80  }
0x67: {  	[sflag:s12] =	ssyncset.done $0x0  }
0x68: {  	[sflag:s12] =	ssyncadd.s32 $0xFFFFFF80  }
.Ltmp0:
0x69: {  	_ =	swait.ge [sflag:s12], $0x80;
	(pc) =	sbr.rel @p0 .LBB2_2-.Ltmp0, $4  }
0x6a: {  	[sflag:s12] =	ssyncset.done $0x0  }
0x6b: {  	[sflag:s12] =	ssyncadd.s32 $0xFFFFFF80  }
0x6c: {  	_ =	swait.ge [sflag:s12], $0x80  }
0x6d: {  	s19 =	smov.u32 s18;
	[sflag:s12] =	ssyncset.done $0x0  }
0x6e: {  	s17 =	sshra.s32 s17, $0x2;
	[sflag:s12] =	ssyncadd.s32 $0xFFFFFF80  }
0x6f: {  	[spmem:s3] =	stream.indirect.scatter.add.f32 [tilespmem:s11], [sflag:$0x1], $0x1, s17, s10, $0xb8;
	[tilespmem:$0x2B00] =	vst v63  }
0x70: {  	s18 =	sadd.s32 $0x80, s17  }
0x71: {  	[spmem:s3] =	stream.indirect.scatter.add.f32 [tilespmem:s11], [sflag:$0x1], $0x1, s18, s10, $0xb8;
	[tilespmem:$0x2B00] =	vst v63  }
0x72: {  	s26 =	sadd.s32 $0x100, s17  }
0x73: {  	[spmem:s3] =	stream.indirect.scatter.add.f32 [tilespmem:s11], [sflag:$0x1], $0x1, s26, s10, $0xb8;
	[tilespmem:$0x2B00] =	vst v63  }
0x74: {  	s28 =	sadd.s32 $0x180, s17  }
0x75: {  	[spmem:s3] =	stream.indirect.scatter.add.f32 [tilespmem:s11], [sflag:$0x1], $0x1, s28, s10, $0xb8;
	[tilespmem:$0x2B00] =	vst v63  }
0x76: {  	s29 =	sadd.s32 $0x200, s17  }
0x77: {  	[spmem:s3] =	stream.indirect.scatter.add.f32 [tilespmem:s11], [sflag:$0x1], $0x1, s29, s10, $0xb8;
	[tilespmem:$0x2B00] =	vst v63  }
0x78: {  	s30 =	sadd.s32 $0x280, s17  }
0x79: {  	[spmem:s3] =	stream.indirect.scatter.add.f32 [tilespmem:s11], [sflag:$0x1], $0x1, s30, s10, $0xb8;
	[tilespmem:$0x2B00] =	vst v63  }
0x7a: {  	s31 =	sadd.s32 $0x300, s17  }
0x7b: {  	[spmem:s3] =	stream.indirect.scatter.add.f32 [tilespmem:s11], [sflag:$0x1], $0x1, s31, s10, $0xb8;
	[tilespmem:$0x2B00] =	vst v63  }
0x7c: {  	s17 =	sadd.s32 $0x380, s17  }
0x7d: {  	[spmem:s3] =	stream.indirect.scatter.add.f32 [tilespmem:s11], [sflag:$0x1], $0x1, s17, s10, $0xb8;
	[tilespmem:$0x2B00] =	vst v63  }
0x7e: {  	_ =	swait.ge [sflag:s12], $0x80  }
0x7f: {  	[sflag:s12] =	ssyncset.done $0x0  }
0x80: {  	[sflag:s12] =	ssyncadd.s32 $0xFFFFFF80  }
0x81: {  	_ =	swait.ge [sflag:s12], $0x80  }
0x82: {  	[sflag:s12] =	ssyncset.done $0x0  }
0x83: {  	[sflag:s12] =	ssyncadd.s32 $0xFFFFFF80  }
0x84: {  	_ =	swait.ge [sflag:s12], $0x80  }
0x85: {  	[sflag:s12] =	ssyncset.done $0x0  }
0x86: {  	[sflag:s12] =	ssyncadd.s32 $0xFFFFFF80  }
0x87: {  	_ =	swait.ge [sflag:s12], $0x80  }
0x88: {  	[sflag:s12] =	ssyncset.done $0x0  }
0x89: {  	[sflag:s12] =	ssyncadd.s32 $0xFFFFFF80  }
0x8a: {  	_ =	swait.ge [sflag:s12], $0x80  }
0x8b: {  	[sflag:s12] =	ssyncset.done $0x0  }
0x8c: {  	[sflag:s12] =	ssyncadd.s32 $0xFFFFFF80  }
0x8d: {  	_ =	swait.ge [sflag:s12], $0x80  }
0x8e: {  	[sflag:s12] =	ssyncset.done $0x0  }
0x8f: {  	[sflag:s12] =	ssyncadd.s32 $0xFFFFFF80  }
0x90: {  	_ =	swait.ge [sflag:s12], $0x80  }
0x91: {  	[sflag:s12] =	ssyncset.done $0x0  }
0x92: {  	[sflag:s12] =	ssyncadd.s32 $0xFFFFFF80  }
0x93: {  	_ =	swait.ge [sflag:s12], $0x80  }
0x94: {  	s16 =	sadd.s32 $0x1, s16;
	[sflag:s12] =	ssyncset.done $0x0  }
0x95: {  	p0 =	sne.s32 s16, s7;
	[sflag:s12] =	ssyncadd.s32 $0xFFFFFF80  }
.Ltmp1:
0x96: {  	[bflag:$0x0] =	sbarrier.arrive $0xFFFF;
	(pc) =	sbr.rel @p0 .LBB2_1-.Ltmp1, $4  }
0x97: {  	[hbm:s13@s14], [sflag:s5] =	dma.strided [spmem:s8@s15], $0x50, s12, $0x10   }
0x98: {  	_ =	swait.ge [sflag:s9], $0x50  }
0x99: {  	[sflag:s9] =	ssyncset.done $0x0  }
0x9a: {  	[sflag:s9] =	ssyncadd.s32 $0xFFFFFFB0  }
0x9b: {  	_ =	sfence.sel $0x180000  }
0x9c: {  	[bflag:$0x0] =	sbarrier.arrive $0xFFFF  }
0x9d: {  	p0 =	sne.s32 s0, $0x0;
	_ =	strace $0x90000047  }
0x9e: {  	s0 =	sadd.s32 @!p0 $0x100000, s2;
	[bflag:$0x2] =	sbarrier.arrive $0xFFFF  }
0x9f: {  	[sflag:s0] =	ssyncadd.tile.s32 @!p0 $0x1;
	_ =	shalt  }
.Lfunc_end2:
_tile_overlayer_lowered:
.L_overlay_start_2:
0xa0: {  	(tag) =	ssettag $0x2  }
0xa1: {  	s0 =	rddreg [dreg:$0x0];
	s2 =	stileid.u32  }
0xa2: {  	s1 =	rddreg [dreg:$0x1];
	p0 =	sne.s32 s2, $0x0  }
0xa3: {  	s3 =	rddreg [dreg:$0x2];
	[bflag:$0x3] =	sbarrier.arrive $0xFFFF;
	s2 =	simm.s32 @!p0 $0x1C02  }
0xa4: {  	[timem:s3], [sflag:s2] =	dma.local @!p0 [hbm:s0], s1  }
0xa5: {  	s0 =	simm.s32 @!p0 $0x2  }
0xa6: {  	_ =	swait.ge @!p0 [sflag:s0], s1  }
0xa7: {  	s1 =	ssub.s32 @!p0 $0x0, s1;
	[sflag:s0] =	ssyncset.done @!p0 $0x0  }
0xa8: {  	[sflag:s0] =	ssyncadd.s32 @!p0 s1  }
0xa9: {  	[bflag:$0x3] =	sbarrier.arrive $0xFFFF  }
0xaa: {  	_ =	shalt  }

</sc_bundles>
